<compile_context>
chip_gen: v7x
topology: tpu7x:2x2x1
jax: 0.10.2.dev20260603
libtpu: 0.0.44.dev20260713+nightly
codegen_flags: <defaults>
</compile_context>

<pallas_src>
import functools

import jax
import jax.numpy as jnp
from jax import lax
from jax.experimental import pallas as pl
from jax.experimental.pallas import tpu as pltpu
from jax.experimental.pallas import tpu_sc as plsc

N = 50000
E = 800000
NCLS = 16

NT = 32
CHUNK = 128
C = 196
EPT = C * CHUNK
E_PAD = NT * EPT
JUNK = N
N_ACC = 50400
NR = N_ACC // 16
ZR = 150
IB = 14

_MESH = plsc.VectorSubcoreMesh(core_axis_name="c", subcore_axis_name="s")
_SC_PARAMS = pltpu.CompilerParams(use_tc_tiling_on_sc=False)


def _make_agg(dc):

  @functools.partial(
      pl.kernel,
      out_type=jax.ShapeDtypeStruct((2, N_ACC, dc), jnp.float32),
      mesh=_MESH,
      scratch_types=[
          pltpu.VMEM_SHARED((N_ACC, dc), jnp.float32),
          pltpu.VMEM((IB, CHUNK), jnp.int32),
          pltpu.VMEM((IB, CHUNK), jnp.int32),
          pltpu.VMEM((CHUNK, dc), jnp.float32),
          pltpu.VMEM((ZR, dc), jnp.float32),
          pltpu.SemaphoreType.DMA,
      ],
      compiler_params=_SC_PARAMS,
  )
  def agg(tbl, srcs, dsts, out, acc, src_v, dst_v, rowbuf, zbuf, sem):
    cid = lax.axis_index("c")
    sid = lax.axis_index("s")
    wid = cid * 16 + sid
    z16 = jnp.zeros((16,), jnp.float32)

    @pl.loop(0, ZR)
    def _(i):
      for j in range(dc // 16):
        zbuf[i, pl.ds(j * 16, 16)] = z16

    row0 = sid * NR

    @pl.loop(0, NR // ZR)
    def _(k):
      pltpu.sync_copy(zbuf, acc.at[pl.ds(row0 + k * ZR, ZR)])

    plsc.subcore_barrier()

    @pl.loop(0, C // IB)
    def _(b):
      pltpu.sync_copy(srcs.at[wid, pl.ds(b * IB, IB)], src_v)
      pltpu.sync_copy(dsts.at[wid, pl.ds(b * IB, IB)], dst_v)

      @pl.loop(0, IB)
      def _(j):
        pltpu.async_copy(tbl.at[src_v.at[j]], rowbuf, sem).wait()
        pltpu.sync_copy(rowbuf, acc.at[dst_v.at[j]], add=True)

    plsc.subcore_barrier()
    pltpu.sync_copy(acc.at[pl.ds(row0, NR)], out.at[cid, pl.ds(row0, NR)])

  return agg


_agg16 = _make_agg(16)
_agg32 = _make_agg(32)


@functools.partial(
    pl.kernel,
    out_type=jax.ShapeDtypeStruct((NT * CHUNK, NCLS), jnp.float32),
    mesh=_MESH,
    scratch_types=[
        pltpu.VMEM((CHUNK,), jnp.int32),
        pltpu.VMEM((CHUNK, NCLS), jnp.float32),
        pltpu.SemaphoreType.DMA,
    ],
    compiler_params=_SC_PARAMS,
)
def _gather_rows(scores, nodes2d, out, idx_v, rowbuf, sem):
  cid = lax.axis_index("c")
  sid = lax.axis_index("s")
  wid = cid * 16 + sid
  pltpu.sync_copy(nodes2d.at[wid], idx_v)
  pltpu.async_copy(scores.at[idx_v], rowbuf, sem).wait()
  pltpu.sync_copy(rowbuf, out.at[pl.ds(wid * CHUNK, CHUNK)])


R = 2000
_GRID = N // R


def _row_spec(d):
  return pl.BlockSpec((R, d), lambda i: (i, 0))


def _full_spec(shape):
  return pl.BlockSpec(shape, lambda i: tuple(0 for _ in shape))


def _tc1_body(t1, p0, p1, wt, wb, h2, invd):
  s = p0[...] + p1[...]
  deg = s[:, 3:4] + 1.0
  inv = 1.0 / deg
  neigh = (s + t1[...]) * inv
  acc = jnp.dot(t1[...], wt[...], preferred_element_type=jnp.float32)
  acc += jnp.dot(neigh, wb[...], preferred_element_type=jnp.float32)
  h2[...] = jnp.maximum(acc, 0.0)
  invd[...] = inv


def _tc2_body(h, p0, p1, invd, wt, wb, outa, outb):
  neigh = (p0[...] + p1[...] + h[...]) * invd[...]
  acc = jnp.dot(h[...], wt[...], preferred_element_type=jnp.float32)
  acc += jnp.dot(neigh, wb[...], preferred_element_type=jnp.float32)
  o = jnp.maximum(acc, 0.0)
  outa[...] = o[:, :32]
  outb[...] = o[:, 32:]


def _tc3_body(ha, hb, pa0, pa1, pb0, pb1, invd, w, outa, outb):
  inv = invd[...]
  wm = w[...]
  na = (pa0[...] + pa1[...] + ha[...]) * inv
  nb = (pb0[...] + pb1[...] + hb[...]) * inv
  acc = jnp.dot(ha[...], wm[0:32], preferred_element_type=jnp.float32)
  acc += jnp.dot(hb[...], wm[32:64], preferred_element_type=jnp.float32)
  acc += jnp.dot(na, wm[64:96], preferred_element_type=jnp.float32)
  acc += jnp.dot(nb, wm[96:128], preferred_element_type=jnp.float32)
  o = jnp.maximum(acc, 0.0)
  outa[...] = o[:, :32]
  outb[...] = o[:, 32:]


def _tc4_body(ha, hb, pa0, pa1, pb0, pb1, invd, w, wout, scores):
  inv = invd[...]
  wm = w[...]
  na = (pa0[...] + pa1[...] + ha[...]) * inv
  nb = (pb0[...] + pb1[...] + hb[...]) * inv
  acc = jnp.dot(ha[...], wm[0:32], preferred_element_type=jnp.float32)
  acc += jnp.dot(hb[...], wm[32:64], preferred_element_type=jnp.float32)
  acc += jnp.dot(na, wm[64:96], preferred_element_type=jnp.float32)
  acc += jnp.dot(nb, wm[96:128], preferred_element_type=jnp.float32)
  h5 = jnp.maximum(acc, 0.0)
  scores[...] = jnp.dot(h5, wout[...], preferred_element_type=jnp.float32)


def _sds(shape):
  return jax.ShapeDtypeStruct(shape, jnp.float32)


_tc1 = pl.pallas_call(
    _tc1_body,
    grid=(_GRID,),
    in_specs=[_row_spec(16), _row_spec(16), _row_spec(16),
              _full_spec((16, 32)), _full_spec((16, 32))],
    out_specs=[_row_spec(32), _row_spec(1)],
    out_shape=[_sds((N, 32)), _sds((N, 1))],
)

_tc2 = pl.pallas_call(
    _tc2_body,
    grid=(_GRID,),
    in_specs=[_row_spec(32), _row_spec(32), _row_spec(32), _row_spec(1),
              _full_spec((32, 64)), _full_spec((32, 64))],
    out_specs=[_row_spec(32), _row_spec(32)],
    out_shape=[_sds((N, 32)), _sds((N, 32))],
)

_tc3 = pl.pallas_call(
    _tc3_body,
    grid=(_GRID,),
    in_specs=[_row_spec(32)] * 6 + [_row_spec(1), _full_spec((128, 64))],
    out_specs=[_row_spec(32), _row_spec(32)],
    out_shape=[_sds((N, 32)), _sds((N, 32))],
)

_tc4 = pl.pallas_call(
    _tc4_body,
    grid=(_GRID,),
    in_specs=[_row_spec(32)] * 6 + [_row_spec(1), _full_spec((128, 32)),
                                    _full_spec((32, NCLS))],
    out_specs=_row_spec(NCLS),
    out_shape=_sds((N, NCLS)),
)


def kernel(raw_features, nodes, edge_index, W1, W2, W3, W4, Wout):
  f32 = jnp.float32
  pad = E_PAD - E
  src = jnp.concatenate(
      [edge_index[0], jnp.zeros((pad,), jnp.int32)]).reshape(NT, C, CHUNK)
  dst = jnp.concatenate(
      [edge_index[1], jnp.full((pad,), JUNK, jnp.int32)]).reshape(NT, C, CHUNK)

  t1 = jnp.concatenate(
      [raw_features, jnp.ones((N, 1), f32), jnp.zeros((N, 12), f32)], axis=1)
  w1t = jnp.zeros((16, 32), f32).at[0:3].set(W1[0:3])
  w1b = jnp.zeros((16, 32), f32).at[0:3].set(W1[3:6])

  p1 = _agg16(t1, src, dst)
  h2, invd = _tc1(t1, p1[0, :N], p1[1, :N], w1t, w1b)

  p2 = _agg32(h2, src, dst)
  h3a, h3b = _tc2(h2, p2[0, :N], p2[1, :N], invd, W2[:32], W2[32:])

  p3a = _agg32(h3a, src, dst)
  p3b = _agg32(h3b, src, dst)
  h4a, h4b = _tc3(h3a, h3b, p3a[0, :N], p3a[1, :N], p3b[0, :N], p3b[1, :N],
                  invd, W3)

  p4a = _agg32(h4a, src, dst)
  p4b = _agg32(h4b, src, dst)
  scores_all = _tc4(h4a, h4b, p4a[0, :N], p4a[1, :N], p4b[0, :N], p4b[1, :N],
                    invd, W4, Wout)

  return _gather_rows(scores_all, nodes.reshape(NT, CHUNK))

# --- scband reference (transcript-rebuilt; emitter-appended) ---
"""Pipeline reference for scband-supervised-graph-sage-48275432407146 (READ-ONLY COPY).

The authoritative reference and input builder live on the scoring server;
editing this copy changes nothing except your own understanding.
"""

import jax, jax.numpy as jnp
import numpy as np

N_NODES = 50000
N_EDGES = 800000
NUM_CLASSES = 16


def _xavier(key, shape):
    fan_in, fan_out = shape[0], shape[1]
    a = jnp.sqrt(6.0 / (fan_in + fan_out))
    return jax.random.uniform(key, shape, dtype=jnp.float32, minval=-a, maxval=a)


def setup_inputs(seed: int = 0) -> dict:
    key = jax.random.key(seed)
    ks = jax.random.split(key, 8)
    raw_features = jax.random.normal(ks[0], (N_NODES, 3), dtype=jnp.float32)
    nodes = jax.random.randint(ks[1], (4096,), 0, N_NODES, dtype=jnp.int32)
    edge_index = jax.random.randint(ks[2], (2, N_EDGES), 0, N_NODES, dtype=jnp.int32)
    # Encoder weights: input is cat([self_feats, neigh_feats]) -> 2*feat_dim
    W1 = _xavier(ks[3], (6, 32))     # enc1: feat_dim 3 -> embed 32
    W2 = _xavier(ks[4], (64, 64))    # enc2: 32 -> 64
    W3 = _xavier(ks[5], (128, 64))   # enc3: 64 -> 64
    W4 = _xavier(ks[6], (128, 32))   # enc4: 64 -> 32
    Wout = _xavier(ks[7], (32, NUM_CLASSES))  # final classifier weight
    return {"raw_features": raw_features, "nodes": nodes, "edge_index": edge_index,
            "W1": W1, "W2": W2, "W3": W3, "W4": W4, "Wout": Wout}


def _mean_agg(h, src, dst, n):
    # mean over neighbor set (adjacency includes self-loops, as adj_mat[i,i]=1)
    s = jax.ops.segment_sum(h[src], dst, num_segments=n)
    d = jax.ops.segment_sum(jnp.ones((src.shape[0],), dtype=h.dtype), dst, num_segments=n)
    return s / jnp.maximum(d, 1.0)[:, None]


def reference(raw_features, nodes, edge_index, W1, W2, W3, W4, Wout):
    n = raw_features.shape[0]
    loop = jnp.arange(n, dtype=edge_index.dtype)
    src = jnp.concatenate([edge_index[0], loop])
    dst = jnp.concatenate([edge_index[1], loop])
    h = raw_features
    # 4 stacked Encoder/MeanAggregator layers: relu(W @ cat([self, mean_neigh]))
    for W in (W1, W2, W3, W4):
        neigh = _mean_agg(h, src, dst, n)
        h = jax.nn.relu(jnp.concatenate([h, neigh], axis=1) @ W)
    embeds = h[nodes]
    scores = embeds @ Wout
    return scores

if __name__ == "__main__":
    import jax
    _d = setup_inputs()
    print(jax.jit(kernel)(*tuple(_d.values())))

</pallas_src>

<mosaic_0001>
#map = affine_map<(d0, d1) -> (0, 0)>
#map1 = affine_map<(d0, d1) -> (0, 0, 0)>
module attributes {stable_mosaic.version = 14 : i64} {
  func.func @agg(%arg0: i32, %arg1: i32, %arg2: memref<50000x32xf32, #tpu.memory_space<hbm>>, %arg3: memref<32x196x128xi32, #tpu.memory_space<hbm>>, %arg4: memref<32x196x128xi32, #tpu.memory_space<hbm>>, %arg5: memref<2x50400x32xf32, #tpu.memory_space<hbm>>, %arg6: memref<50400x32xf32, #tpu.memory_space<vmem_shared>>, %arg7: memref<14x128xi32, #tpu.memory_space<vmem>>, %arg8: memref<14x128xi32, #tpu.memory_space<vmem>>, %arg9: memref<128x32xf32, #tpu.memory_space<vmem>>, %arg10: memref<150x32xf32, #tpu.memory_space<vmem>>, %arg11: memref<!tpu.dma_semaphore, #tpu.memory_space<semaphore_mem>>) attributes {dimension_semantics = [#tpu.dimension_semantics<core_parallel>, #tpu.dimension_semantics<subcore_parallel>], iteration_bounds = array<i64: 2, 16>, scalar_prefetch = 0 : i64, scratch_operands = 6 : i64, tpu.core_type = #tpu.core_type<sc_vector_subcore>, window_params = [{transform_indices = #map}, {transform_indices = #map1}, {transform_indices = #map1}, {transform_indices = #map1}]} {
    %mul3A = arith.constant 16 : i32
    %mul3A_0 = arith.muli %arg0, %mul3A : i32
    %add3A = arith.addi %mul3A_0, %arg1 : i32
    %broadcast_in_dim3A = arith.constant 0.000000e+00 : f32
    %broadcast_in_dim3A_1 = vector.broadcast %broadcast_in_dim3A : f32 to vector<16xf32>
    %scan3A = arith.constant 0 : i32
    %scan3A_2 = arith.constant 150 : i32
    %scan3A_3 = arith.addi %scan3A, %scan3A_2 : i32
    %scan3A_4 = arith.constant 1 : i32
    scf.for %scan3A_19 = %scan3A to %scan3A_3 step %scan3A_4  : i32 {
      %mul3A_20 = arith.constant 1 : i32
      %mul3A_21 = arith.muli %scan3A_19, %mul3A_20 : i32
      %add3A_22 = arith.constant 0 : i32
      %add3A_23 = arith.addi %add3A_22, %mul3A_21 : i32
      %swap3A = arith.index_cast %add3A_23 : i32 to index
      %swap3A_24 = arith.constant 0 : index
      %swap3A_25 = tpu.vector_load %arg10[%swap3A, %swap3A_24] {strides = array<i32>} : memref<150x32xf32, #tpu.memory_space<vmem>>, vector<1x16xf32>,
      %swap3A_26 = vector.shape_cast %swap3A_25 : vector<1x16xf32> to vector<16xf32>
      %swap3A_27 = vector.shape_cast %broadcast_in_dim3A_1 : vector<16xf32> to vector<1x16xf32>
      tpu.vector_store %arg10[%swap3A, %swap3A_24], %swap3A_27 {strides = array<i32>} : memref<150x32xf32, #tpu.memory_space<vmem>>, vector<1x16xf32>,
      %swap3A_28 = arith.index_cast %add3A_23 : i32 to index
      %swap3A_29 = arith.constant 16 : index
      %swap3A_30 = tpu.vector_load %arg10[%swap3A_28, %swap3A_29] {strides = array<i32>} : memref<150x32xf32, #tpu.memory_space<vmem>>, vector<1x16xf32>,
      %swap3A_31 = vector.shape_cast %swap3A_30 : vector<1x16xf32> to vector<16xf32>
      %swap3A_32 = vector.shape_cast %broadcast_in_dim3A_1 : vector<16xf32> to vector<1x16xf32>
      tpu.vector_store %arg10[%swap3A_28, %swap3A_29], %swap3A_32 {strides = array<i32>} : memref<150x32xf32, #tpu.memory_space<vmem>>, vector<1x16xf32>,
    }
    %scan3A_5 = arith.constant 150 : i32
    %mul3A_6 = arith.constant 3150 : i32
    %mul3A_7 = arith.muli %arg1, %mul3A_6 : i32
    %scan3A_8 = arith.constant 0 : i32
    %scan3A_9 = arith.constant 21 : i32
    %scan3A_10 = arith.addi %scan3A_8, %scan3A_9 : i32
    %scan3A_11 = arith.constant 1 : i32
    scf.for %scan3A_19 = %scan3A_8 to %scan3A_10 step %scan3A_11  : i32 {
      %mul3A_20 = arith.constant 1 : i32
      %mul3A_21 = arith.muli %scan3A_19, %mul3A_20 : i32
      %add3A_22 = arith.constant 0 : i32
      %add3A_23 = arith.addi %add3A_22, %mul3A_21 : i32
      %mul3A_24 = arith.constant 150 : i32
      %mul3A_25 = arith.muli %add3A_23, %mul3A_24 : i32
      %add3A_26 = arith.addi %mul3A_7, %mul3A_25 : i32
      "tpu.region"() ({
        %run_scoped3A = tpu.sem_alloc : memref<!tpu.dma_semaphore, #tpu.memory_space<semaphore_mem>>
        %dma_start3A = arith.constant 0 : i32
        %dma_start3A_27 = tpu.memref_slice %arg6[%add3A_26, %dma_start3A] : memref<50400x32xf32, #tpu.memory_space<vmem_shared>> -> memref<150x32xf32, #tpu.memory_space<vmem_shared>>
        %dma_start3A_28 = arith.constant 0 : i32
        %dma_start3A_29 = tpu.memref_slice %arg6[%add3A_26, %dma_start3A_28] : memref<50400x32xf32, #tpu.memory_space<vmem_shared>> -> memref<150x32xf32, #tpu.memory_space<vmem_shared>>
        tpu.enqueue_dma source(%arg10 : memref<150x32xf32, #tpu.memory_space<vmem>>) target(%dma_start3A_29 : memref<150x32xf32, #tpu.memory_space<vmem_shared>>) target_semaphore(%run_scoped3A : memref<!tpu.dma_semaphore, #tpu.memory_space<semaphore_mem>>)
        %dma_wait3A = arith.constant 0 : i32
        %dma_wait3A_30 = tpu.memref_slice %arg6[%add3A_26, %dma_wait3A] : memref<50400x32xf32, #tpu.memory_space<vmem_shared>> -> memref<150x32xf32, #tpu.memory_space<vmem_shared>>
        %dma_wait3A_31 = arith.constant 0 : i32
        %dma_wait3A_32 = tpu.memref_slice %arg6[%add3A_26, %dma_wait3A_31] : memref<50400x32xf32, #tpu.memory_space<vmem_shared>> -> memref<150x32xf32, #tpu.memory_space<vmem_shared>>
        tpu.wait_dma2 semaphore(%run_scoped3A : memref<!tpu.dma_semaphore, #tpu.memory_space<semaphore_mem>>) src(%arg10 : memref<150x32xf32, #tpu.memory_space<vmem>>) dst(%dma_wait3A_32 : memref<150x32xf32, #tpu.memory_space<vmem_shared>>)
        tpu.yield
      }) : () -> ()
    }
    %scan3A_12 = arith.constant 21 : i32
    %barrier3A = arith.constant 0 : index
    tpu.barrier barrier_id(%barrier3A)
    %scan3A_13 = arith.constant 0 : i32
    %scan3A_14 = arith.constant 14 : i32
    %scan3A_15 = arith.addi %scan3A_13, %scan3A_14 : i32
    %scan3A_16 = arith.constant 1 : i32
    scf.for %scan3A_19 = %scan3A_13 to %scan3A_15 step %scan3A_16  : i32 {
      %mul3A_20 = arith.constant 1 : i32
      %mul3A_21 = arith.muli %scan3A_19, %mul3A_20 : i32
      %add3A_22 = arith.constant 0 : i32
      %add3A_23 = arith.addi %add3A_22, %mul3A_21 : i32
      %mul3A_24 = arith.constant 14 : i32
      %mul3A_25 = arith.muli %add3A_23, %mul3A_24 : i32
      "tpu.region"() ({
        %run_scoped3A = tpu.sem_alloc : memref<!tpu.dma_semaphore, #tpu.memory_space<semaphore_mem>>
        %dma_start3A = arith.constant 0 : i32
        %dma_start3A_33 = tpu.memref_slice %arg3[%add3A, %mul3A_25, %dma_start3A] : memref<32x196x128xi32, #tpu.memory_space<hbm>> -> memref<1x14x128xi32, #tpu.memory_space<hbm>>
        %dma_start3A_34 = tpu.memref_squeeze %dma_start3A_33 : memref<1x14x128xi32, #tpu.memory_space<hbm>> -> memref<14x128xi32, #tpu.memory_space<hbm>>
        %dma_start3A_35 = arith.constant 0 : i32
        %dma_start3A_36 = tpu.memref_slice %arg3[%add3A, %mul3A_25, %dma_start3A_35] : memref<32x196x128xi32, #tpu.memory_space<hbm>> -> memref<1x14x128xi32, #tpu.memory_space<hbm>>
        %dma_start3A_37 = tpu.memref_squeeze %dma_start3A_36 : memref<1x14x128xi32, #tpu.memory_space<hbm>> -> memref<14x128xi32, #tpu.memory_space<hbm>>
        tpu.enqueue_dma source(%dma_start3A_37 : memref<14x128xi32, #tpu.memory_space<hbm>>) target(%arg7 : memref<14x128xi32, #tpu.memory_space<vmem>>) target_semaphore(%run_scoped3A : memref<!tpu.dma_semaphore, #tpu.memory_space<semaphore_mem>>)
        %dma_wait3A = arith.constant 0 : i32
        %dma_wait3A_38 = tpu.memref_slice %arg3[%add3A, %mul3A_25, %dma_wait3A] : memref<32x196x128xi32, #tpu.memory_space<hbm>> -> memref<1x14x128xi32, #tpu.memory_space<hbm>>
        %dma_wait3A_39 = tpu.memref_squeeze %dma_wait3A_38 : memref<1x14x128xi32, #tpu.memory_space<hbm>> -> memref<14x128xi32, #tpu.memory_space<hbm>>
        %dma_wait3A_40 = arith.constant 0 : i32
        %dma_wait3A_41 = tpu.memref_slice %arg3[%add3A, %mul3A_25, %dma_wait3A_40] : memref<32x196x128xi32, #tpu.memory_space<hbm>> -> memref<1x14x128xi32, #tpu.memory_space<hbm>>
        %dma_wait3A_42 = tpu.memref_squeeze %dma_wait3A_41 : memref<1x14x128xi32, #tpu.memory_space<hbm>> -> memref<14x128xi32, #tpu.memory_space<hbm>>
        tpu.wait_dma2 semaphore(%run_scoped3A : memref<!tpu.dma_semaphore, #tpu.memory_space<semaphore_mem>>) src(%dma_wait3A_42 : memref<14x128xi32, #tpu.memory_space<hbm>>) dst(%arg7 : memref<14x128xi32, #tpu.memory_space<vmem>>)
        tpu.yield
      }) : () -> ()
      %mul3A_26 = arith.constant 14 : i32
      %mul3A_27 = arith.muli %add3A_23, %mul3A_26 : i32
      "tpu.region"() ({
        %run_scoped3A = tpu.sem_alloc : memref<!tpu.dma_semaphore, #tpu.memory_space<semaphore_mem>>
        %dma_start3A = arith.constant 0 : i32
        %dma_start3A_33 = tpu.memref_slice %arg4[%add3A, %mul3A_27, %dma_start3A] : memref<32x196x128xi32, #tpu.memory_space<hbm>> -> memref<1x14x128xi32, #tpu.memory_space<hbm>>
        %dma_start3A_34 = tpu.memref_squeeze %dma_start3A_33 : memref<1x14x128xi32, #tpu.memory_space<hbm>> -> memref<14x128xi32, #tpu.memory_space<hbm>>
        %dma_start3A_35 = arith.constant 0 : i32
        %dma_start3A_36 = tpu.memref_slice %arg4[%add3A, %mul3A_27, %dma_start3A_35] : memref<32x196x128xi32, #tpu.memory_space<hbm>> -> memref<1x14x128xi32, #tpu.memory_space<hbm>>
        %dma_start3A_37 = tpu.memref_squeeze %dma_start3A_36 : memref<1x14x128xi32, #tpu.memory_space<hbm>> -> memref<14x128xi32, #tpu.memory_space<hbm>>
        tpu.enqueue_dma source(%dma_start3A_37 : memref<14x128xi32, #tpu.memory_space<hbm>>) target(%arg8 : memref<14x128xi32, #tpu.memory_space<vmem>>) target_semaphore(%run_scoped3A : memref<!tpu.dma_semaphore, #tpu.memory_space<semaphore_mem>>)
        %dma_wait3A = arith.constant 0 : i32
        %dma_wait3A_38 = tpu.memref_slice %arg4[%add3A, %mul3A_27, %dma_wait3A] : memref<32x196x128xi32, #tpu.memory_space<hbm>> -> memref<1x14x128xi32, #tpu.memory_space<hbm>>
        %dma_wait3A_39 = tpu.memref_squeeze %dma_wait3A_38 : memref<1x14x128xi32, #tpu.memory_space<hbm>> -> memref<14x128xi32, #tpu.memory_space<hbm>>
        %dma_wait3A_40 = arith.constant 0 : i32
        %dma_wait3A_41 = tpu.memref_slice %arg4[%add3A, %mul3A_27, %dma_wait3A_40] : memref<32x196x128xi32, #tpu.memory_space<hbm>> -> memref<1x14x128xi32, #tpu.memory_space<hbm>>
        %dma_wait3A_42 = tpu.memref_squeeze %dma_wait3A_41 : memref<1x14x128xi32, #tpu.memory_space<hbm>> -> memref<14x128xi32, #tpu.memory_space<hbm>>
        tpu.wait_dma2 semaphore(%run_scoped3A : memref<!tpu.dma_semaphore, #tpu.memory_space<semaphore_mem>>) src(%dma_wait3A_42 : memref<14x128xi32, #tpu.memory_space<hbm>>) dst(%arg8 : memref<14x128xi32, #tpu.memory_space<vmem>>)
        tpu.yield
      }) : () -> ()
      %scan3A_28 = arith.constant 0 : i32
      %scan3A_29 = arith.constant 14 : i32
      %scan3A_30 = arith.addi %scan3A_28, %scan3A_29 : i32
      %scan3A_31 = arith.constant 1 : i32
      scf.for %scan3A_33 = %scan3A_28 to %scan3A_30 step %scan3A_31  : i32 {
        %mul3A_34 = arith.constant 1 : i32
        %mul3A_35 = arith.muli %scan3A_33, %mul3A_34 : i32
        %add3A_36 = arith.constant 0 : i32
        %add3A_37 = arith.addi %add3A_36, %mul3A_35 : i32
        %dma_start3A = arith.constant 0 : i32
        %dma_start3A_38 = tpu.memref_slice %arg7[%add3A_37, %dma_start3A] : memref<14x128xi32, #tpu.memory_space<vmem>> -> memref<1x128xi32, #tpu.memory_space<vmem>>
        %dma_start3A_39 = tpu.memref_squeeze %dma_start3A_38 : memref<1x128xi32, #tpu.memory_space<vmem>> -> memref<128xi32, #tpu.memory_space<vmem>>
        %dma_start3A_40 = arith.constant 0 : i32
        %dma_start3A_41 = arith.constant 0 : i32
        %dma_start3A_42 = tpu.memref_slice %arg2[%dma_start3A_40, %dma_start3A_41] : memref<50000x32xf32, #tpu.memory_space<hbm>> -> memref<50000x32xf32, #tpu.memory_space<hbm>>
        tpu.enqueue_indirect_dma source(%dma_start3A_42 : memref<50000x32xf32, #tpu.memory_space<hbm>>) target(%arg9 : memref<128x32xf32, #tpu.memory_space<vmem>>) offsets(%dma_start3A_39 : memref<128xi32, #tpu.memory_space<vmem>>) semaphore(%arg11 : memref<!tpu.dma_semaphore, #tpu.memory_space<semaphore_mem>>)
        %dma_wait3A = arith.constant 0 : i32
        %dma_wait3A_43 = tpu.memref_slice %arg7[%add3A_37, %dma_wait3A] : memref<14x128xi32, #tpu.memory_space<vmem>> -> memref<1x128xi32, #tpu.memory_space<vmem>>
        %dma_wait3A_44 = tpu.memref_squeeze %dma_wait3A_43 : memref<1x128xi32, #tpu.memory_space<vmem>> -> memref<128xi32, #tpu.memory_space<vmem>>
        %dma_wait3A_45 = arith.constant 0 : i32
        %dma_wait3A_46 = arith.constant 0 : i32
        %dma_wait3A_47 = tpu.memref_slice %arg2[%dma_wait3A_45, %dma_wait3A_46] : memref<50000x32xf32, #tpu.memory_space<hbm>> -> memref<50000x32xf32, #tpu.memory_space<hbm>>
        tpu.wait_indirect_dma semaphore(%arg11 : memref<!tpu.dma_semaphore, #tpu.memory_space<semaphore_mem>>) src(%dma_wait3A_47 : memref<50000x32xf32, #tpu.memory_space<hbm>>) dst(%arg9 : memref<128x32xf32, #tpu.memory_space<vmem>>)
        "tpu.region"() ({
          %run_scoped3A = tpu.sem_alloc : memref<!tpu.dma_semaphore, #tpu.memory_space<semaphore_mem>>
          %dma_start3A_48 = arith.constant 0 : i32
          %dma_start3A_49 = tpu.memref_slice %arg8[%add3A_37, %dma_start3A_48] : memref<14x128xi32, #tpu.memory_space<vmem>> -> memref<1x128xi32, #tpu.memory_space<vmem>>
          %dma_start3A_50 = tpu.memref_squeeze %dma_start3A_49 : memref<1x128xi32, #tpu.memory_space<vmem>> -> memref<128xi32, #tpu.memory_space<vmem>>
          %dma_start3A_51 = arith.constant 0 : i32
          %dma_start3A_52 = arith.constant 0 : i32
          %dma_start3A_53 = tpu.memref_slice %arg6[%dma_start3A_51, %dma_start3A_52] : memref<50400x32xf32, #tpu.memory_space<vmem_shared>> -> memref<50400x32xf32, #tpu.memory_space<vmem_shared>>
          tpu.enqueue_indirect_dma source(%arg9 : memref<128x32xf32, #tpu.memory_space<vmem>>) target(%dma_start3A_53 : memref<50400x32xf32, #tpu.memory_space<vmem_shared>>) offsets(%dma_start3A_50 : memref<128xi32, #tpu.memory_space<vmem>>) semaphore(%run_scoped3A : memref<!tpu.dma_semaphore, #tpu.memory_space<semaphore_mem>>) {add = true}
          %dma_wait3A_54 = arith.constant 0 : i32
          %dma_wait3A_55 = tpu.memref_slice %arg8[%add3A_37, %dma_wait3A_54] : memref<14x128xi32, #tpu.memory_space<vmem>> -> memref<1x128xi32, #tpu.memory_space<vmem>>
          %dma_wait3A_56 = tpu.memref_squeeze %dma_wait3A_55 : memref<1x128xi32, #tpu.memory_space<vmem>> -> memref<128xi32, #tpu.memory_space<vmem>>
          %dma_wait3A_57 = arith.constant 0 : i32
          %dma_wait3A_58 = arith.constant 0 : i32
          %dma_wait3A_59 = tpu.memref_slice %arg6[%dma_wait3A_57, %dma_wait3A_58] : memref<50400x32xf32, #tpu.memory_space<vmem_shared>> -> memref<50400x32xf32, #tpu.memory_space<vmem_shared>>
          tpu.wait_indirect_dma semaphore(%run_scoped3A : memref<!tpu.dma_semaphore, #tpu.memory_space<semaphore_mem>>) src(%arg9 : memref<128x32xf32, #tpu.memory_space<vmem>>) dst(%dma_wait3A_59 : memref<50400x32xf32, #tpu.memory_space<vmem_shared>>)
          tpu.yield
        }) : () -> ()
      }
      %scan3A_32 = arith.constant 14 : i32
    }
    %scan3A_17 = arith.constant 14 : i32
    %barrier3A_18 = arith.constant 0 : index
    tpu.barrier barrier_id(%barrier3A_18)
    "tpu.region"() ({
      %run_scoped3A = tpu.sem_alloc : memref<!tpu.dma_semaphore, #tpu.memory_space<semaphore_mem>>
      %dma_start3A = arith.constant 0 : i32
      %dma_start3A_19 = tpu.memref_slice %arg5[%arg0, %mul3A_7, %dma_start3A] : memref<2x50400x32xf32, #tpu.memory_space<hbm>> -> memref<1x3150x32xf32, #tpu.memory_space<hbm>>
      %dma_start3A_20 = tpu.memref_squeeze %dma_start3A_19 : memref<1x3150x32xf32, #tpu.memory_space<hbm>> -> memref<3150x32xf32, #tpu.memory_space<hbm>>
      %dma_start3A_21 = arith.constant 0 : i32
      %dma_start3A_22 = tpu.memref_slice %arg6[%mul3A_7, %dma_start3A_21] : memref<50400x32xf32, #tpu.memory_space<vmem_shared>> -> memref<3150x32xf32, #tpu.memory_space<vmem_shared>>
      tpu.enqueue_dma source(%dma_start3A_22 : memref<3150x32xf32, #tpu.memory_space<vmem_shared>>) target(%dma_start3A_20 : memref<3150x32xf32, #tpu.memory_space<hbm>>) target_semaphore(%run_scoped3A : memref<!tpu.dma_semaphore, #tpu.memory_space<semaphore_mem>>)
      %dma_wait3A = arith.constant 0 : i32
      %dma_wait3A_23 = tpu.memref_slice %arg5[%arg0, %mul3A_7, %dma_wait3A] : memref<2x50400x32xf32, #tpu.memory_space<hbm>> -> memref<1x3150x32xf32, #tpu.memory_space<hbm>>
      %dma_wait3A_24 = tpu.memref_squeeze %dma_wait3A_23 : memref<1x3150x32xf32, #tpu.memory_space<hbm>> -> memref<3150x32xf32, #tpu.memory_space<hbm>>
      %dma_wait3A_25 = arith.constant 0 : i32
      %dma_wait3A_26 = tpu.memref_slice %arg6[%mul3A_7, %dma_wait3A_25] : memref<50400x32xf32, #tpu.memory_space<vmem_shared>> -> memref<3150x32xf32, #tpu.memory_space<vmem_shared>>
      tpu.wait_dma2 semaphore(%run_scoped3A : memref<!tpu.dma_semaphore, #tpu.memory_space<semaphore_mem>>) src(%dma_wait3A_26 : memref<3150x32xf32, #tpu.memory_space<vmem_shared>>) dst(%dma_wait3A_24 : memref<3150x32xf32, #tpu.memory_space<hbm>>)
      tpu.yield
    }) : () -> ()
    return
  }
}

#map = affine_map<(d0, d1) -> (0, 0)>
#map1 = affine_map<(d0, d1) -> (0, 0, 0)>
module attributes {stable_mosaic.version = 14 : i64} {
  func.func @agg(%arg0: i32, %arg1: i32, %arg2: memref<50000x16xf32, #tpu.memory_space<hbm>>, %arg3: memref<32x196x128xi32, #tpu.memory_space<hbm>>, %arg4: memref<32x196x128xi32, #tpu.memory_space<hbm>>, %arg5: memref<2x50400x16xf32, #tpu.memory_space<hbm>>, %arg6: memref<50400x16xf32, #tpu.memory_space<vmem_shared>>, %arg7: memref<14x128xi32, #tpu.memory_space<vmem>>, %arg8: memref<14x128xi32, #tpu.memory_space<vmem>>, %arg9: memref<128x16xf32, #tpu.memory_space<vmem>>, %arg10: memref<150x16xf32, #tpu.memory_space<vmem>>, %arg11: memref<!tpu.dma_semaphore, #tpu.memory_space<semaphore_mem>>) attributes {dimension_semantics = [#tpu.dimension_semantics<core_parallel>, #tpu.dimension_semantics<subcore_parallel>], iteration_bounds = array<i64: 2, 16>, scalar_prefetch = 0 : i64, scratch_operands = 6 : i64, tpu.core_type = #tpu.core_type<sc_vector_subcore>, window_params = [{transform_indices = #map}, {transform_indices = #map1}, {transform_indices = #map1}, {transform_indices = #map1}]} {
    %mul3A = arith.constant 16 : i32
    %mul3A_0 = arith.muli %arg0, %mul3A : i32
    %add3A = arith.addi %mul3A_0, %arg1 : i32
    %broadcast_in_dim3A = arith.constant 0.000000e+00 : f32
    %broadcast_in_dim3A_1 = vector.broadcast %broadcast_in_dim3A : f32 to vector<16xf32>
    %scan3A = arith.constant 0 : i32
    %scan3A_2 = arith.constant 150 : i32
    %scan3A_3 = arith.addi %scan3A, %scan3A_2 : i32
    %scan3A_4 = arith.constant 1 : i32
    scf.for %scan3A_19 = %scan3A to %scan3A_3 step %scan3A_4  : i32 {
      %mul3A_20 = arith.constant 1 : i32
      %mul3A_21 = arith.muli %scan3A_19, %mul3A_20 : i32
      %add3A_22 = arith.constant 0 : i32
      %add3A_23 = arith.addi %add3A_22, %mul3A_21 : i32
      %swap3A = arith.index_cast %add3A_23 : i32 to index
      %swap3A_24 = arith.constant 0 : index
      %swap3A_25 = tpu.vector_load %arg10[%swap3A, %swap3A_24] {strides = array<i32>} : memref<150x16xf32, #tpu.memory_space<vmem>>, vector<1x16xf32>,
      %swap3A_26 = vector.shape_cast %swap3A_25 : vector<1x16xf32> to vector<16xf32>
      %swap3A_27 = vector.shape_cast %broadcast_in_dim3A_1 : vector<16xf32> to vector<1x16xf32>
      tpu.vector_store %arg10[%swap3A, %swap3A_24], %swap3A_27 {strides = array<i32>} : memref<150x16xf32, #tpu.memory_space<vmem>>, vector<1x16xf32>,
    }
    %scan3A_5 = arith.constant 150 : i32
    %mul3A_6 = arith.constant 3150 : i32
    %mul3A_7 = arith.muli %arg1, %mul3A_6 : i32
    %scan3A_8 = arith.constant 0 : i32
    %scan3A_9 = arith.constant 21 : i32
    %scan3A_10 = arith.addi %scan3A_8, %scan3A_9 : i32
    %scan3A_11 = arith.constant 1 : i32
    scf.for %scan3A_19 = %scan3A_8 to %scan3A_10 step %scan3A_11  : i32 {
      %mul3A_20 = arith.constant 1 : i32
      %mul3A_21 = arith.muli %scan3A_19, %mul3A_20 : i32
      %add3A_22 = arith.constant 0 : i32
      %add3A_23 = arith.addi %add3A_22, %mul3A_21 : i32
      %mul3A_24 = arith.constant 150 : i32
      %mul3A_25 = arith.muli %add3A_23, %mul3A_24 : i32
      %add3A_26 = arith.addi %mul3A_7, %mul3A_25 : i32
      "tpu.region"() ({
        %run_scoped3A = tpu.sem_alloc : memref<!tpu.dma_semaphore, #tpu.memory_space<semaphore_mem>>
        %dma_start3A = arith.constant 0 : i32
        %dma_start3A_27 = tpu.memref_slice %arg6[%add3A_26, %dma_start3A] : memref<50400x16xf32, #tpu.memory_space<vmem_shared>> -> memref<150x16xf32, #tpu.memory_space<vmem_shared>>
        %dma_start3A_28 = arith.constant 0 : i32
        %dma_start3A_29 = tpu.memref_slice %arg6[%add3A_26, %dma_start3A_28] : memref<50400x16xf32, #tpu.memory_space<vmem_shared>> -> memref<150x16xf32, #tpu.memory_space<vmem_shared>>
        tpu.enqueue_dma source(%arg10 : memref<150x16xf32, #tpu.memory_space<vmem>>) target(%dma_start3A_29 : memref<150x16xf32, #tpu.memory_space<vmem_shared>>) target_semaphore(%run_scoped3A : memref<!tpu.dma_semaphore, #tpu.memory_space<semaphore_mem>>)
        %dma_wait3A = arith.constant 0 : i32
        %dma_wait3A_30 = tpu.memref_slice %arg6[%add3A_26, %dma_wait3A] : memref<50400x16xf32, #tpu.memory_space<vmem_shared>> -> memref<150x16xf32, #tpu.memory_space<vmem_shared>>
        %dma_wait3A_31 = arith.constant 0 : i32
        %dma_wait3A_32 = tpu.memref_slice %arg6[%add3A_26, %dma_wait3A_31] : memref<50400x16xf32, #tpu.memory_space<vmem_shared>> -> memref<150x16xf32, #tpu.memory_space<vmem_shared>>
        tpu.wait_dma2 semaphore(%run_scoped3A : memref<!tpu.dma_semaphore, #tpu.memory_space<semaphore_mem>>) src(%arg10 : memref<150x16xf32, #tpu.memory_space<vmem>>) dst(%dma_wait3A_32 : memref<150x16xf32, #tpu.memory_space<vmem_shared>>)
        tpu.yield
      }) : () -> ()
    }
    %scan3A_12 = arith.constant 21 : i32
    %barrier3A = arith.constant 0 : index
    tpu.barrier barrier_id(%barrier3A)
    %scan3A_13 = arith.constant 0 : i32
    %scan3A_14 = arith.constant 14 : i32
    %scan3A_15 = arith.addi %scan3A_13, %scan3A_14 : i32
    %scan3A_16 = arith.constant 1 : i32
    scf.for %scan3A_19 = %scan3A_13 to %scan3A_15 step %scan3A_16  : i32 {
      %mul3A_20 = arith.constant 1 : i32
      %mul3A_21 = arith.muli %scan3A_19, %mul3A_20 : i32
      %add3A_22 = arith.constant 0 : i32
      %add3A_23 = arith.addi %add3A_22, %mul3A_21 : i32
      %mul3A_24 = arith.constant 14 : i32
      %mul3A_25 = arith.muli %add3A_23, %mul3A_24 : i32
      "tpu.region"() ({
        %run_scoped3A = tpu.sem_alloc : memref<!tpu.dma_semaphore, #tpu.memory_space<semaphore_mem>>
        %dma_start3A = arith.constant 0 : i32
        %dma_start3A_33 = tpu.memref_slice %arg3[%add3A, %mul3A_25, %dma_start3A] : memref<32x196x128xi32, #tpu.memory_space<hbm>> -> memref<1x14x128xi32, #tpu.memory_space<hbm>>
        %dma_start3A_34 = tpu.memref_squeeze %dma_start3A_33 : memref<1x14x128xi32, #tpu.memory_space<hbm>> -> memref<14x128xi32, #tpu.memory_space<hbm>>
        %dma_start3A_35 = arith.constant 0 : i32
        %dma_start3A_36 = tpu.memref_slice %arg3[%add3A, %mul3A_25, %dma_start3A_35] : memref<32x196x128xi32, #tpu.memory_space<hbm>> -> memref<1x14x128xi32, #tpu.memory_space<hbm>>
        %dma_start3A_37 = tpu.memref_squeeze %dma_start3A_36 : memref<1x14x128xi32, #tpu.memory_space<hbm>> -> memref<14x128xi32, #tpu.memory_space<hbm>>
        tpu.enqueue_dma source(%dma_start3A_37 : memref<14x128xi32, #tpu.memory_space<hbm>>) target(%arg7 : memref<14x128xi32, #tpu.memory_space<vmem>>) target_semaphore(%run_scoped3A : memref<!tpu.dma_semaphore, #tpu.memory_space<semaphore_mem>>)
        %dma_wait3A = arith.constant 0 : i32
        %dma_wait3A_38 = tpu.memref_slice %arg3[%add3A, %mul3A_25, %dma_wait3A] : memref<32x196x128xi32, #tpu.memory_space<hbm>> -> memref<1x14x128xi32, #tpu.memory_space<hbm>>
        %dma_wait3A_39 = tpu.memref_squeeze %dma_wait3A_38 : memref<1x14x128xi32, #tpu.memory_space<hbm>> -> memref<14x128xi32, #tpu.memory_space<hbm>>
        %dma_wait3A_40 = arith.constant 0 : i32
        %dma_wait3A_41 = tpu.memref_slice %arg3[%add3A, %mul3A_25, %dma_wait3A_40] : memref<32x196x128xi32, #tpu.memory_space<hbm>> -> memref<1x14x128xi32, #tpu.memory_space<hbm>>
        %dma_wait3A_42 = tpu.memref_squeeze %dma_wait3A_41 : memref<1x14x128xi32, #tpu.memory_space<hbm>> -> memref<14x128xi32, #tpu.memory_space<hbm>>
        tpu.wait_dma2 semaphore(%run_scoped3A : memref<!tpu.dma_semaphore, #tpu.memory_space<semaphore_mem>>) src(%dma_wait3A_42 : memref<14x128xi32, #tpu.memory_space<hbm>>) dst(%arg7 : memref<14x128xi32, #tpu.memory_space<vmem>>)
        tpu.yield
      }) : () -> ()
      %mul3A_26 = arith.constant 14 : i32
      %mul3A_27 = arith.muli %add3A_23, %mul3A_26 : i32
      "tpu.region"() ({
        %run_scoped3A = tpu.sem_alloc : memref<!tpu.dma_semaphore, #tpu.memory_space<semaphore_mem>>
        %dma_start3A = arith.constant 0 : i32
        %dma_start3A_33 = tpu.memref_slice %arg4[%add3A, %mul3A_27, %dma_start3A] : memref<32x196x128xi32, #tpu.memory_space<hbm>> -> memref<1x14x128xi32, #tpu.memory_space<hbm>>
        %dma_start3A_34 = tpu.memref_squeeze %dma_start3A_33 : memref<1x14x128xi32, #tpu.memory_space<hbm>> -> memref<14x128xi32, #tpu.memory_space<hbm>>
        %dma_start3A_35 = arith.constant 0 : i32
        %dma_start3A_36 = tpu.memref_slice %arg4[%add3A, %mul3A_27, %dma_start3A_35] : memref<32x196x128xi32, #tpu.memory_space<hbm>> -> memref<1x14x128xi32, #tpu.memory_space<hbm>>
        %dma_start3A_37 = tpu.memref_squeeze %dma_start3A_36 : memref<1x14x128xi32, #tpu.memory_space<hbm>> -> memref<14x128xi32, #tpu.memory_space<hbm>>
        tpu.enqueue_dma source(%dma_start3A_37 : memref<14x128xi32, #tpu.memory_space<hbm>>) target(%arg8 : memref<14x128xi32, #tpu.memory_space<vmem>>) target_semaphore(%run_scoped3A : memref<!tpu.dma_semaphore, #tpu.memory_space<semaphore_mem>>)
        %dma_wait3A = arith.constant 0 : i32
        %dma_wait3A_38 = tpu.memref_slice %arg4[%add3A, %mul3A_27, %dma_wait3A] : memref<32x196x128xi32, #tpu.memory_space<hbm>> -> memref<1x14x128xi32, #tpu.memory_space<hbm>>
        %dma_wait3A_39 = tpu.memref_squeeze %dma_wait3A_38 : memref<1x14x128xi32, #tpu.memory_space<hbm>> -> memref<14x128xi32, #tpu.memory_space<hbm>>
        %dma_wait3A_40 = arith.constant 0 : i32
        %dma_wait3A_41 = tpu.memref_slice %arg4[%add3A, %mul3A_27, %dma_wait3A_40] : memref<32x196x128xi32, #tpu.memory_space<hbm>> -> memref<1x14x128xi32, #tpu.memory_space<hbm>>
        %dma_wait3A_42 = tpu.memref_squeeze %dma_wait3A_41 : memref<1x14x128xi32, #tpu.memory_space<hbm>> -> memref<14x128xi32, #tpu.memory_space<hbm>>
        tpu.wait_dma2 semaphore(%run_scoped3A : memref<!tpu.dma_semaphore, #tpu.memory_space<semaphore_mem>>) src(%dma_wait3A_42 : memref<14x128xi32, #tpu.memory_space<hbm>>) dst(%arg8 : memref<14x128xi32, #tpu.memory_space<vmem>>)
        tpu.yield
      }) : () -> ()
      %scan3A_28 = arith.constant 0 : i32
      %scan3A_29 = arith.constant 14 : i32
      %scan3A_30 = arith.addi %scan3A_28, %scan3A_29 : i32
      %scan3A_31 = arith.constant 1 : i32
      scf.for %scan3A_33 = %scan3A_28 to %scan3A_30 step %scan3A_31  : i32 {
        %mul3A_34 = arith.constant 1 : i32
        %mul3A_35 = arith.muli %scan3A_33, %mul3A_34 : i32
        %add3A_36 = arith.constant 0 : i32
        %add3A_37 = arith.addi %add3A_36, %mul3A_35 : i32
        %dma_start3A = arith.constant 0 : i32
        %dma_start3A_38 = tpu.memref_slice %arg7[%add3A_37, %dma_start3A] : memref<14x128xi32, #tpu.memory_space<vmem>> -> memref<1x128xi32, #tpu.memory_space<vmem>>
        %dma_start3A_39 = tpu.memref_squeeze %dma_start3A_38 : memref<1x128xi32, #tpu.memory_space<vmem>> -> memref<128xi32, #tpu.memory_space<vmem>>
        %dma_start3A_40 = arith.constant 0 : i32
        %dma_start3A_41 = arith.constant 0 : i32
        %dma_start3A_42 = tpu.memref_slice %arg2[%dma_start3A_40, %dma_start3A_41] : memref<50000x16xf32, #tpu.memory_space<hbm>> -> memref<50000x16xf32, #tpu.memory_space<hbm>>
        tpu.enqueue_indirect_dma source(%dma_start3A_42 : memref<50000x16xf32, #tpu.memory_space<hbm>>) target(%arg9 : memref<128x16xf32, #tpu.memory_space<vmem>>) offsets(%dma_start3A_39 : memref<128xi32, #tpu.memory_space<vmem>>) semaphore(%arg11 : memref<!tpu.dma_semaphore, #tpu.memory_space<semaphore_mem>>)
        %dma_wait3A = arith.constant 0 : i32
        %dma_wait3A_43 = tpu.memref_slice %arg7[%add3A_37, %dma_wait3A] : memref<14x128xi32, #tpu.memory_space<vmem>> -> memref<1x128xi32, #tpu.memory_space<vmem>>
        %dma_wait3A_44 = tpu.memref_squeeze %dma_wait3A_43 : memref<1x128xi32, #tpu.memory_space<vmem>> -> memref<128xi32, #tpu.memory_space<vmem>>
        %dma_wait3A_45 = arith.constant 0 : i32
        %dma_wait3A_46 = arith.constant 0 : i32
        %dma_wait3A_47 = tpu.memref_slice %arg2[%dma_wait3A_45, %dma_wait3A_46] : memref<50000x16xf32, #tpu.memory_space<hbm>> -> memref<50000x16xf32, #tpu.memory_space<hbm>>
        tpu.wait_indirect_dma semaphore(%arg11 : memref<!tpu.dma_semaphore, #tpu.memory_space<semaphore_mem>>) src(%dma_wait3A_47 : memref<50000x16xf32, #tpu.memory_space<hbm>>) dst(%arg9 : memref<128x16xf32, #tpu.memory_space<vmem>>)
        "tpu.region"() ({
          %run_scoped3A = tpu.sem_alloc : memref<!tpu.dma_semaphore, #tpu.memory_space<semaphore_mem>>
          %dma_start3A_48 = arith.constant 0 : i32
          %dma_start3A_49 = tpu.memref_slice %arg8[%add3A_37, %dma_start3A_48] : memref<14x128xi32, #tpu.memory_space<vmem>> -> memref<1x128xi32, #tpu.memory_space<vmem>>
          %dma_start3A_50 = tpu.memref_squeeze %dma_start3A_49 : memref<1x128xi32, #tpu.memory_space<vmem>> -> memref<128xi32, #tpu.memory_space<vmem>>
          %dma_start3A_51 = arith.constant 0 : i32
          %dma_start3A_52 = arith.constant 0 : i32
          %dma_start3A_53 = tpu.memref_slice %arg6[%dma_start3A_51, %dma_start3A_52] : memref<50400x16xf32, #tpu.memory_space<vmem_shared>> -> memref<50400x16xf32, #tpu.memory_space<vmem_shared>>
          tpu.enqueue_indirect_dma source(%arg9 : memref<128x16xf32, #tpu.memory_space<vmem>>) target(%dma_start3A_53 : memref<50400x16xf32, #tpu.memory_space<vmem_shared>>) offsets(%dma_start3A_50 : memref<128xi32, #tpu.memory_space<vmem>>) semaphore(%run_scoped3A : memref<!tpu.dma_semaphore, #tpu.memory_space<semaphore_mem>>) {add = true}
          %dma_wait3A_54 = arith.constant 0 : i32
          %dma_wait3A_55 = tpu.memref_slice %arg8[%add3A_37, %dma_wait3A_54] : memref<14x128xi32, #tpu.memory_space<vmem>> -> memref<1x128xi32, #tpu.memory_space<vmem>>
          %dma_wait3A_56 = tpu.memref_squeeze %dma_wait3A_55 : memref<1x128xi32, #tpu.memory_space<vmem>> -> memref<128xi32, #tpu.memory_space<vmem>>
          %dma_wait3A_57 = arith.constant 0 : i32
          %dma_wait3A_58 = arith.constant 0 : i32
          %dma_wait3A_59 = tpu.memref_slice %arg6[%dma_wait3A_57, %dma_wait3A_58] : memref<50400x16xf32, #tpu.memory_space<vmem_shared>> -> memref<50400x16xf32, #tpu.memory_space<vmem_shared>>
          tpu.wait_indirect_dma semaphore(%run_scoped3A : memref<!tpu.dma_semaphore, #tpu.memory_space<semaphore_mem>>) src(%arg9 : memref<128x16xf32, #tpu.memory_space<vmem>>) dst(%dma_wait3A_59 : memref<50400x16xf32, #tpu.memory_space<vmem_shared>>)
          tpu.yield
        }) : () -> ()
      }
      %scan3A_32 = arith.constant 14 : i32
    }
    %scan3A_17 = arith.constant 14 : i32
    %barrier3A_18 = arith.constant 0 : index
    tpu.barrier barrier_id(%barrier3A_18)
    "tpu.region"() ({
      %run_scoped3A = tpu.sem_alloc : memref<!tpu.dma_semaphore, #tpu.memory_space<semaphore_mem>>
      %dma_start3A = arith.constant 0 : i32
      %dma_start3A_19 = tpu.memref_slice %arg5[%arg0, %mul3A_7, %dma_start3A] : memref<2x50400x16xf32, #tpu.memory_space<hbm>> -> memref<1x3150x16xf32, #tpu.memory_space<hbm>>
      %dma_start3A_20 = tpu.memref_squeeze %dma_start3A_19 : memref<1x3150x16xf32, #tpu.memory_space<hbm>> -> memref<3150x16xf32, #tpu.memory_space<hbm>>
      %dma_start3A_21 = arith.constant 0 : i32
      %dma_start3A_22 = tpu.memref_slice %arg6[%mul3A_7, %dma_start3A_21] : memref<50400x16xf32, #tpu.memory_space<vmem_shared>> -> memref<3150x16xf32, #tpu.memory_space<vmem_shared>>
      tpu.enqueue_dma source(%dma_start3A_22 : memref<3150x16xf32, #tpu.memory_space<vmem_shared>>) target(%dma_start3A_20 : memref<3150x16xf32, #tpu.memory_space<hbm>>) target_semaphore(%run_scoped3A : memref<!tpu.dma_semaphore, #tpu.memory_space<semaphore_mem>>)
      %dma_wait3A = arith.constant 0 : i32
      %dma_wait3A_23 = tpu.memref_slice %arg5[%arg0, %mul3A_7, %dma_wait3A] : memref<2x50400x16xf32, #tpu.memory_space<hbm>> -> memref<1x3150x16xf32, #tpu.memory_space<hbm>>
      %dma_wait3A_24 = tpu.memref_squeeze %dma_wait3A_23 : memref<1x3150x16xf32, #tpu.memory_space<hbm>> -> memref<3150x16xf32, #tpu.memory_space<hbm>>
      %dma_wait3A_25 = arith.constant 0 : i32
      %dma_wait3A_26 = tpu.memref_slice %arg6[%mul3A_7, %dma_wait3A_25] : memref<50400x16xf32, #tpu.memory_space<vmem_shared>> -> memref<3150x16xf32, #tpu.memory_space<vmem_shared>>
      tpu.wait_dma2 semaphore(%run_scoped3A : memref<!tpu.dma_semaphore, #tpu.memory_space<semaphore_mem>>) src(%dma_wait3A_26 : memref<3150x16xf32, #tpu.memory_space<vmem_shared>>) dst(%dma_wait3A_24 : memref<3150x16xf32, #tpu.memory_space<hbm>>)
      tpu.yield
    }) : () -> ()
    return
  }
}

#map = affine_map<(d0, d1) -> (0, 0)>
#map1 = affine_map<(d0, d1) -> (0, 0, 0)>
module attributes {stable_mosaic.version = 14 : i64} {
  func.func @agg(%arg0: i32, %arg1: i32, %arg2: memref<50000x32xf32, #tpu.memory_space<hbm>>, %arg3: memref<32x196x128xi32, #tpu.memory_space<hbm>>, %arg4: memref<32x196x128xi32, #tpu.memory_space<hbm>>, %arg5: memref<2x50400x32xf32, #tpu.memory_space<hbm>>, %arg6: memref<50400x32xf32, #tpu.memory_space<vmem_shared>>, %arg7: memref<14x128xi32, #tpu.memory_space<vmem>>, %arg8: memref<14x128xi32, #tpu.memory_space<vmem>>, %arg9: memref<128x32xf32, #tpu.memory_space<vmem>>, %arg10: memref<150x32xf32, #tpu.memory_space<vmem>>, %arg11: memref<!tpu.dma_semaphore, #tpu.memory_space<semaphore_mem>>) attributes {dimension_semantics = [#tpu.dimension_semantics<core_parallel>, #tpu.dimension_semantics<subcore_parallel>], iteration_bounds = array<i64: 2, 16>, scalar_prefetch = 0 : i64, scratch_operands = 6 : i64, tpu.core_type = #tpu.core_type<sc_vector_subcore>, window_params = [{transform_indices = #map}, {transform_indices = #map1}, {transform_indices = #map1}, {transform_indices = #map1}]} {
    %mul3A = arith.constant 16 : i32
    %mul3A_0 = arith.muli %arg0, %mul3A : i32
    %add3A = arith.addi %mul3A_0, %arg1 : i32
    %broadcast_in_dim3A = arith.constant 0.000000e+00 : f32
    %broadcast_in_dim3A_1 = vector.broadcast %broadcast_in_dim3A : f32 to vector<16xf32>
    %scan3A = arith.constant 0 : i32
    %scan3A_2 = arith.constant 150 : i32
    %scan3A_3 = arith.addi %scan3A, %scan3A_2 : i32
    %scan3A_4 = arith.constant 1 : i32
    scf.for %scan3A_19 = %scan3A to %scan3A_3 step %scan3A_4  : i32 {
      %mul3A_20 = arith.constant 1 : i32
      %mul3A_21 = arith.muli %scan3A_19, %mul3A_20 : i32
      %add3A_22 = arith.constant 0 : i32
      %add3A_23 = arith.addi %add3A_22, %mul3A_21 : i32
      %swap3A = arith.index_cast %add3A_23 : i32 to index
      %swap3A_24 = arith.constant 0 : index
      %swap3A_25 = tpu.vector_load %arg10[%swap3A, %swap3A_24] {strides = array<i32>} : memref<150x32xf32, #tpu.memory_space<vmem>>, vector<1x16xf32>,
      %swap3A_26 = vector.shape_cast %swap3A_25 : vector<1x16xf32> to vector<16xf32>
      %swap3A_27 = vector.shape_cast %broadcast_in_dim3A_1 : vector<16xf32> to vector<1x16xf32>
      tpu.vector_store %arg10[%swap3A, %swap3A_24], %swap3A_27 {strides = array<i32>} : memref<150x32xf32, #tpu.memory_space<vmem>>, vector<1x16xf32>,
      %swap3A_28 = arith.index_cast %add3A_23 : i32 to index
      %swap3A_29 = arith.constant 16 : index
      %swap3A_30 = tpu.vector_load %arg10[%swap3A_28, %swap3A_29] {strides = array<i32>} : memref<150x32xf32, #tpu.memory_space<vmem>>, vector<1x16xf32>,
      %swap3A_31 = vector.shape_cast %swap3A_30 : vector<1x16xf32> to vector<16xf32>
      %swap3A_32 = vector.shape_cast %broadcast_in_dim3A_1 : vector<16xf32> to vector<1x16xf32>
      tpu.vector_store %arg10[%swap3A_28, %swap3A_29], %swap3A_32 {strides = array<i32>} : memref<150x32xf32, #tpu.memory_space<vmem>>, vector<1x16xf32>,
    }
    %scan3A_5 = arith.constant 150 : i32
    %mul3A_6 = arith.constant 3150 : i32
    %mul3A_7 = arith.muli %arg1, %mul3A_6 : i32
    %scan3A_8 = arith.constant 0 : i32
    %scan3A_9 = arith.constant 21 : i32
    %scan3A_10 = arith.addi %scan3A_8, %scan3A_9 : i32
    %scan3A_11 = arith.constant 1 : i32
    scf.for %scan3A_19 = %scan3A_8 to %scan3A_10 step %scan3A_11  : i32 {
      %mul3A_20 = arith.constant 1 : i32
      %mul3A_21 = arith.muli %scan3A_19, %mul3A_20 : i32
      %add3A_22 = arith.constant 0 : i32
      %add3A_23 = arith.addi %add3A_22, %mul3A_21 : i32
      %mul3A_24 = arith.constant 150 : i32
      %mul3A_25 = arith.muli %add3A_23, %mul3A_24 : i32
      %add3A_26 = arith.addi %mul3A_7, %mul3A_25 : i32
      "tpu.region"() ({
        %run_scoped3A = tpu.sem_alloc : memref<!tpu.dma_semaphore, #tpu.memory_space<semaphore_mem>>
        %dma_start3A = arith.constant 0 : i32
        %dma_start3A_27 = tpu.memref_slice %arg6[%add3A_26, %dma_start3A] : memref<50400x32xf32, #tpu.memory_space<vmem_shared>> -> memref<150x32xf32, #tpu.memory_space<vmem_shared>>
        %dma_start3A_28 = arith.constant 0 : i32
        %dma_start3A_29 = tpu.memref_slice %arg6[%add3A_26, %dma_start3A_28] : memref<50400x32xf32, #tpu.memory_space<vmem_shared>> -> memref<150x32xf32, #tpu.memory_space<vmem_shared>>
        tpu.enqueue_dma source(%arg10 : memref<150x32xf32, #tpu.memory_space<vmem>>) target(%dma_start3A_29 : memref<150x32xf32, #tpu.memory_space<vmem_shared>>) target_semaphore(%run_scoped3A : memref<!tpu.dma_semaphore, #tpu.memory_space<semaphore_mem>>)
        %dma_wait3A = arith.constant 0 : i32
        %dma_wait3A_30 = tpu.memref_slice %arg6[%add3A_26, %dma_wait3A] : memref<50400x32xf32, #tpu.memory_space<vmem_shared>> -> memref<150x32xf32, #tpu.memory_space<vmem_shared>>
        %dma_wait3A_31 = arith.constant 0 : i32
        %dma_wait3A_32 = tpu.memref_slice %arg6[%add3A_26, %dma_wait3A_31] : memref<50400x32xf32, #tpu.memory_space<vmem_shared>> -> memref<150x32xf32, #tpu.memory_space<vmem_shared>>
        tpu.wait_dma2 semaphore(%run_scoped3A : memref<!tpu.dma_semaphore, #tpu.memory_space<semaphore_mem>>) src(%arg10 : memref<150x32xf32, #tpu.memory_space<vmem>>) dst(%dma_wait3A_32 : memref<150x32xf32, #tpu.memory_space<vmem_shared>>)
        tpu.yield
      }) : () -> ()
    }
    %scan3A_12 = arith.constant 21 : i32
    %barrier3A = arith.constant 0 : index
    tpu.barrier barrier_id(%barrier3A)
    %scan3A_13 = arith.constant 0 : i32
    %scan3A_14 = arith.constant 14 : i32
    %scan3A_15 = arith.addi %scan3A_13, %scan3A_14 : i32
    %scan3A_16 = arith.constant 1 : i32
    scf.for %scan3A_19 = %scan3A_13 to %scan3A_15 step %scan3A_16  : i32 {
      %mul3A_20 = arith.constant 1 : i32
      %mul3A_21 = arith.muli %scan3A_19, %mul3A_20 : i32
      %add3A_22 = arith.constant 0 : i32
      %add3A_23 = arith.addi %add3A_22, %mul3A_21 : i32
      %mul3A_24 = arith.constant 14 : i32
      %mul3A_25 = arith.muli %add3A_23, %mul3A_24 : i32
      "tpu.region"() ({
        %run_scoped3A = tpu.sem_alloc : memref<!tpu.dma_semaphore, #tpu.memory_space<semaphore_mem>>
        %dma_start3A = arith.constant 0 : i32
        %dma_start3A_33 = tpu.memref_slice %arg3[%add3A, %mul3A_25, %dma_start3A] : memref<32x196x128xi32, #tpu.memory_space<hbm>> -> memref<1x14x128xi32, #tpu.memory_space<hbm>>
        %dma_start3A_34 = tpu.memref_squeeze %dma_start3A_33 : memref<1x14x128xi32, #tpu.memory_space<hbm>> -> memref<14x128xi32, #tpu.memory_space<hbm>>
        %dma_start3A_35 = arith.constant 0 : i32
        %dma_start3A_36 = tpu.memref_slice %arg3[%add3A, %mul3A_25, %dma_start3A_35] : memref<32x196x128xi32, #tpu.memory_space<hbm>> -> memref<1x14x128xi32, #tpu.memory_space<hbm>>
        %dma_start3A_37 = tpu.memref_squeeze %dma_start3A_36 : memref<1x14x128xi32, #tpu.memory_space<hbm>> -> memref<14x128xi32, #tpu.memory_space<hbm>>
        tpu.enqueue_dma source(%dma_start3A_37 : memref<14x128xi32, #tpu.memory_space<hbm>>) target(%arg7 : memref<14x128xi32, #tpu.memory_space<vmem>>) target_semaphore(%run_scoped3A : memref<!tpu.dma_semaphore, #tpu.memory_space<semaphore_mem>>)
        %dma_wait3A = arith.constant 0 : i32
        %dma_wait3A_38 = tpu.memref_slice %arg3[%add3A, %mul3A_25, %dma_wait3A] : memref<32x196x128xi32, #tpu.memory_space<hbm>> -> memref<1x14x128xi32, #tpu.memory_space<hbm>>
        %dma_wait3A_39 = tpu.memref_squeeze %dma_wait3A_38 : memref<1x14x128xi32, #tpu.memory_space<hbm>> -> memref<14x128xi32, #tpu.memory_space<hbm>>
        %dma_wait3A_40 = arith.constant 0 : i32
        %dma_wait3A_41 = tpu.memref_slice %arg3[%add3A, %mul3A_25, %dma_wait3A_40] : memref<32x196x128xi32, #tpu.memory_space<hbm>> -> memref<1x14x128xi32, #tpu.memory_space<hbm>>
        %dma_wait3A_42 = tpu.memref_squeeze %dma_wait3A_41 : memref<1x14x128xi32, #tpu.memory_space<hbm>> -> memref<14x128xi32, #tpu.memory_space<hbm>>
        tpu.wait_dma2 semaphore(%run_scoped3A : memref<!tpu.dma_semaphore, #tpu.memory_space<semaphore_mem>>) src(%dma_wait3A_42 : memref<14x128xi32, #tpu.memory_space<hbm>>) dst(%arg7 : memref<14x128xi32, #tpu.memory_space<vmem>>)
        tpu.yield
      }) : () -> ()
      %mul3A_26 = arith.constant 14 : i32
      %mul3A_27 = arith.muli %add3A_23, %mul3A_26 : i32
      "tpu.region"() ({
        %run_scoped3A = tpu.sem_alloc : memref<!tpu.dma_semaphore, #tpu.memory_space<semaphore_mem>>
        %dma_start3A = arith.constant 0 : i32
        %dma_start3A_33 = tpu.memref_slice %arg4[%add3A, %mul3A_27, %dma_start3A] : memref<32x196x128xi32, #tpu.memory_space<hbm>> -> memref<1x14x128xi32, #tpu.memory_space<hbm>>
        %dma_start3A_34 = tpu.memref_squeeze %dma_start3A_33 : memref<1x14x128xi32, #tpu.memory_space<hbm>> -> memref<14x128xi32, #tpu.memory_space<hbm>>
        %dma_start3A_35 = arith.constant 0 : i32
        %dma_start3A_36 = tpu.memref_slice %arg4[%add3A, %mul3A_27, %dma_start3A_35] : memref<32x196x128xi32, #tpu.memory_space<hbm>> -> memref<1x14x128xi32, #tpu.memory_space<hbm>>
        %dma_start3A_37 = tpu.memref_squeeze %dma_start3A_36 : memref<1x14x128xi32, #tpu.memory_space<hbm>> -> memref<14x128xi32, #tpu.memory_space<hbm>>
        tpu.enqueue_dma source(%dma_start3A_37 : memref<14x128xi32, #tpu.memory_space<hbm>>) target(%arg8 : memref<14x128xi32, #tpu.memory_space<vmem>>) target_semaphore(%run_scoped3A : memref<!tpu.dma_semaphore, #tpu.memory_space<semaphore_mem>>)
        %dma_wait3A = arith.constant 0 : i32
        %dma_wait3A_38 = tpu.memref_slice %arg4[%add3A, %mul3A_27, %dma_wait3A] : memref<32x196x128xi32, #tpu.memory_space<hbm>> -> memref<1x14x128xi32, #tpu.memory_space<hbm>>
        %dma_wait3A_39 = tpu.memref_squeeze %dma_wait3A_38 : memref<1x14x128xi32, #tpu.memory_space<hbm>> -> memref<14x128xi32, #tpu.memory_space<hbm>>
        %dma_wait3A_40 = arith.constant 0 : i32
        %dma_wait3A_41 = tpu.memref_slice %arg4[%add3A, %mul3A_27, %dma_wait3A_40] : memref<32x196x128xi32, #tpu.memory_space<hbm>> -> memref<1x14x128xi32, #tpu.memory_space<hbm>>
        %dma_wait3A_42 = tpu.memref_squeeze %dma_wait3A_41 : memref<1x14x128xi32, #tpu.memory_space<hbm>> -> memref<14x128xi32, #tpu.memory_space<hbm>>
        tpu.wait_dma2 semaphore(%run_scoped3A : memref<!tpu.dma_semaphore, #tpu.memory_space<semaphore_mem>>) src(%dma_wait3A_42 : memref<14x128xi32, #tpu.memory_space<hbm>>) dst(%arg8 : memref<14x128xi32, #tpu.memory_space<vmem>>)
        tpu.yield
      }) : () -> ()
      %scan3A_28 = arith.constant 0 : i32
      %scan3A_29 = arith.constant 14 : i32
      %scan3A_30 = arith.addi %scan3A_28, %scan3A_29 : i32
      %scan3A_31 = arith.constant 1 : i32
      scf.for %scan3A_33 = %scan3A_28 to %scan3A_30 step %scan3A_31  : i32 {
        %mul3A_34 = arith.constant 1 : i32
        %mul3A_35 = arith.muli %scan3A_33, %mul3A_34 : i32
        %add3A_36 = arith.constant 0 : i32
        %add3A_37 = arith.addi %add3A_36, %mul3A_35 : i32
        %dma_start3A = arith.constant 0 : i32
        %dma_start3A_38 = tpu.memref_slice %arg7[%add3A_37, %dma_start3A] : memref<14x128xi32, #tpu.memory_space<vmem>> -> memref<1x128xi32, #tpu.memory_space<vmem>>
        %dma_start3A_39 = tpu.memref_squeeze %dma_start3A_38 : memref<1x128xi32, #tpu.memory_space<vmem>> -> memref<128xi32, #tpu.memory_space<vmem>>
        %dma_start3A_40 = arith.constant 0 : i32
        %dma_start3A_41 = arith.constant 0 : i32
        %dma_start3A_42 = tpu.memref_slice %arg2[%dma_start3A_40, %dma_start3A_41] : memref<50000x32xf32, #tpu.memory_space<hbm>> -> memref<50000x32xf32, #tpu.memory_space<hbm>>
        tpu.enqueue_indirect_dma source(%dma_start3A_42 : memref<50000x32xf32, #tpu.memory_space<hbm>>) target(%arg9 : memref<128x32xf32, #tpu.memory_space<vmem>>) offsets(%dma_start3A_39 : memref<128xi32, #tpu.memory_space<vmem>>) semaphore(%arg11 : memref<!tpu.dma_semaphore, #tpu.memory_space<semaphore_mem>>)
        %dma_wait3A = arith.constant 0 : i32
        %dma_wait3A_43 = tpu.memref_slice %arg7[%add3A_37, %dma_wait3A] : memref<14x128xi32, #tpu.memory_space<vmem>> -> memref<1x128xi32, #tpu.memory_space<vmem>>
        %dma_wait3A_44 = tpu.memref_squeeze %dma_wait3A_43 : memref<1x128xi32, #tpu.memory_space<vmem>> -> memref<128xi32, #tpu.memory_space<vmem>>
        %dma_wait3A_45 = arith.constant 0 : i32
        %dma_wait3A_46 = arith.constant 0 : i32
        %dma_wait3A_47 = tpu.memref_slice %arg2[%dma_wait3A_45, %dma_wait3A_46] : memref<50000x32xf32, #tpu.memory_space<hbm>> -> memref<50000x32xf32, #tpu.memory_space<hbm>>
        tpu.wait_indirect_dma semaphore(%arg11 : memref<!tpu.dma_semaphore, #tpu.memory_space<semaphore_mem>>) src(%dma_wait3A_47 : memref<50000x32xf32, #tpu.memory_space<hbm>>) dst(%arg9 : memref<128x32xf32, #tpu.memory_space<vmem>>)
        "tpu.region"() ({
          %run_scoped3A = tpu.sem_alloc : memref<!tpu.dma_semaphore, #tpu.memory_space<semaphore_mem>>
          %dma_start3A_48 = arith.constant 0 : i32
          %dma_start3A_49 = tpu.memref_slice %arg8[%add3A_37, %dma_start3A_48] : memref<14x128xi32, #tpu.memory_space<vmem>> -> memref<1x128xi32, #tpu.memory_space<vmem>>
          %dma_start3A_50 = tpu.memref_squeeze %dma_start3A_49 : memref<1x128xi32, #tpu.memory_space<vmem>> -> memref<128xi32, #tpu.memory_space<vmem>>
          %dma_start3A_51 = arith.constant 0 : i32
          %dma_start3A_52 = arith.constant 0 : i32
          %dma_start3A_53 = tpu.memref_slice %arg6[%dma_start3A_51, %dma_start3A_52] : memref<50400x32xf32, #tpu.memory_space<vmem_shared>> -> memref<50400x32xf32, #tpu.memory_space<vmem_shared>>
          tpu.enqueue_indirect_dma source(%arg9 : memref<128x32xf32, #tpu.memory_space<vmem>>) target(%dma_start3A_53 : memref<50400x32xf32, #tpu.memory_space<vmem_shared>>) offsets(%dma_start3A_50 : memref<128xi32, #tpu.memory_space<vmem>>) semaphore(%run_scoped3A : memref<!tpu.dma_semaphore, #tpu.memory_space<semaphore_mem>>) {add = true}
          %dma_wait3A_54 = arith.constant 0 : i32
          %dma_wait3A_55 = tpu.memref_slice %arg8[%add3A_37, %dma_wait3A_54] : memref<14x128xi32, #tpu.memory_space<vmem>> -> memref<1x128xi32, #tpu.memory_space<vmem>>
          %dma_wait3A_56 = tpu.memref_squeeze %dma_wait3A_55 : memref<1x128xi32, #tpu.memory_space<vmem>> -> memref<128xi32, #tpu.memory_space<vmem>>
          %dma_wait3A_57 = arith.constant 0 : i32
          %dma_wait3A_58 = arith.constant 0 : i32
          %dma_wait3A_59 = tpu.memref_slice %arg6[%dma_wait3A_57, %dma_wait3A_58] : memref<50400x32xf32, #tpu.memory_space<vmem_shared>> -> memref<50400x32xf32, #tpu.memory_space<vmem_shared>>
          tpu.wait_indirect_dma semaphore(%run_scoped3A : memref<!tpu.dma_semaphore, #tpu.memory_space<semaphore_mem>>) src(%arg9 : memref<128x32xf32, #tpu.memory_space<vmem>>) dst(%dma_wait3A_59 : memref<50400x32xf32, #tpu.memory_space<vmem_shared>>)
          tpu.yield
        }) : () -> ()
      }
      %scan3A_32 = arith.constant 14 : i32
    }
    %scan3A_17 = arith.constant 14 : i32
    %barrier3A_18 = arith.constant 0 : index
    tpu.barrier barrier_id(%barrier3A_18)
    "tpu.region"() ({
      %run_scoped3A = tpu.sem_alloc : memref<!tpu.dma_semaphore, #tpu.memory_space<semaphore_mem>>
      %dma_start3A = arith.constant 0 : i32
      %dma_start3A_19 = tpu.memref_slice %arg5[%arg0, %mul3A_7, %dma_start3A] : memref<2x50400x32xf32, #tpu.memory_space<hbm>> -> memref<1x3150x32xf32, #tpu.memory_space<hbm>>
      %dma_start3A_20 = tpu.memref_squeeze %dma_start3A_19 : memref<1x3150x32xf32, #tpu.memory_space<hbm>> -> memref<3150x32xf32, #tpu.memory_space<hbm>>
      %dma_start3A_21 = arith.constant 0 : i32
      %dma_start3A_22 = tpu.memref_slice %arg6[%mul3A_7, %dma_start3A_21] : memref<50400x32xf32, #tpu.memory_space<vmem_shared>> -> memref<3150x32xf32, #tpu.memory_space<vmem_shared>>
      tpu.enqueue_dma source(%dma_start3A_22 : memref<3150x32xf32, #tpu.memory_space<vmem_shared>>) target(%dma_start3A_20 : memref<3150x32xf32, #tpu.memory_space<hbm>>) target_semaphore(%run_scoped3A : memref<!tpu.dma_semaphore, #tpu.memory_space<semaphore_mem>>)
      %dma_wait3A = arith.constant 0 : i32
      %dma_wait3A_23 = tpu.memref_slice %arg5[%arg0, %mul3A_7, %dma_wait3A] : memref<2x50400x32xf32, #tpu.memory_space<hbm>> -> memref<1x3150x32xf32, #tpu.memory_space<hbm>>
      %dma_wait3A_24 = tpu.memref_squeeze %dma_wait3A_23 : memref<1x3150x32xf32, #tpu.memory_space<hbm>> -> memref<3150x32xf32, #tpu.memory_space<hbm>>
      %dma_wait3A_25 = arith.constant 0 : i32
      %dma_wait3A_26 = tpu.memref_slice %arg6[%mul3A_7, %dma_wait3A_25] : memref<50400x32xf32, #tpu.memory_space<vmem_shared>> -> memref<3150x32xf32, #tpu.memory_space<vmem_shared>>
      tpu.wait_dma2 semaphore(%run_scoped3A : memref<!tpu.dma_semaphore, #tpu.memory_space<semaphore_mem>>) src(%dma_wait3A_26 : memref<3150x32xf32, #tpu.memory_space<vmem_shared>>) dst(%dma_wait3A_24 : memref<3150x32xf32, #tpu.memory_space<hbm>>)
      tpu.yield
    }) : () -> ()
    return
  }
}

#map = affine_map<(d0, d1) -> (0, 0)>
#map1 = affine_map<(d0, d1) -> (0, 0, 0)>
module attributes {stable_mosaic.version = 14 : i64} {
  func.func @agg(%arg0: i32, %arg1: i32, %arg2: memref<50000x32xf32, #tpu.memory_space<hbm>>, %arg3: memref<32x196x128xi32, #tpu.memory_space<hbm>>, %arg4: memref<32x196x128xi32, #tpu.memory_space<hbm>>, %arg5: memref<2x50400x32xf32, #tpu.memory_space<hbm>>, %arg6: memref<50400x32xf32, #tpu.memory_space<vmem_shared>>, %arg7: memref<14x128xi32, #tpu.memory_space<vmem>>, %arg8: memref<14x128xi32, #tpu.memory_space<vmem>>, %arg9: memref<128x32xf32, #tpu.memory_space<vmem>>, %arg10: memref<150x32xf32, #tpu.memory_space<vmem>>, %arg11: memref<!tpu.dma_semaphore, #tpu.memory_space<semaphore_mem>>) attributes {dimension_semantics = [#tpu.dimension_semantics<core_parallel>, #tpu.dimension_semantics<subcore_parallel>], iteration_bounds = array<i64: 2, 16>, scalar_prefetch = 0 : i64, scratch_operands = 6 : i64, tpu.core_type = #tpu.core_type<sc_vector_subcore>, window_params = [{transform_indices = #map}, {transform_indices = #map1}, {transform_indices = #map1}, {transform_indices = #map1}]} {
    %mul3A = arith.constant 16 : i32
    %mul3A_0 = arith.muli %arg0, %mul3A : i32
    %add3A = arith.addi %mul3A_0, %arg1 : i32
    %broadcast_in_dim3A = arith.constant 0.000000e+00 : f32
    %broadcast_in_dim3A_1 = vector.broadcast %broadcast_in_dim3A : f32 to vector<16xf32>
    %scan3A = arith.constant 0 : i32
    %scan3A_2 = arith.constant 150 : i32
    %scan3A_3 = arith.addi %scan3A, %scan3A_2 : i32
    %scan3A_4 = arith.constant 1 : i32
    scf.for %scan3A_19 = %scan3A to %scan3A_3 step %scan3A_4  : i32 {
      %mul3A_20 = arith.constant 1 : i32
      %mul3A_21 = arith.muli %scan3A_19, %mul3A_20 : i32
      %add3A_22 = arith.constant 0 : i32
      %add3A_23 = arith.addi %add3A_22, %mul3A_21 : i32
      %swap3A = arith.index_cast %add3A_23 : i32 to index
      %swap3A_24 = arith.constant 0 : index
      %swap3A_25 = tpu.vector_load %arg10[%swap3A, %swap3A_24] {strides = array<i32>} : memref<150x32xf32, #tpu.memory_space<vmem>>, vector<1x16xf32>,
      %swap3A_26 = vector.shape_cast %swap3A_25 : vector<1x16xf32> to vector<16xf32>
      %swap3A_27 = vector.shape_cast %broadcast_in_dim3A_1 : vector<16xf32> to vector<1x16xf32>
      tpu.vector_store %arg10[%swap3A, %swap3A_24], %swap3A_27 {strides = array<i32>} : memref<150x32xf32, #tpu.memory_space<vmem>>, vector<1x16xf32>,
      %swap3A_28 = arith.index_cast %add3A_23 : i32 to index
      %swap3A_29 = arith.constant 16 : index
      %swap3A_30 = tpu.vector_load %arg10[%swap3A_28, %swap3A_29] {strides = array<i32>} : memref<150x32xf32, #tpu.memory_space<vmem>>, vector<1x16xf32>,
      %swap3A_31 = vector.shape_cast %swap3A_30 : vector<1x16xf32> to vector<16xf32>
      %swap3A_32 = vector.shape_cast %broadcast_in_dim3A_1 : vector<16xf32> to vector<1x16xf32>
      tpu.vector_store %arg10[%swap3A_28, %swap3A_29], %swap3A_32 {strides = array<i32>} : memref<150x32xf32, #tpu.memory_space<vmem>>, vector<1x16xf32>,
    }
    %scan3A_5 = arith.constant 150 : i32
    %mul3A_6 = arith.constant 3150 : i32
    %mul3A_7 = arith.muli %arg1, %mul3A_6 : i32
    %scan3A_8 = arith.constant 0 : i32
    %scan3A_9 = arith.constant 21 : i32
    %scan3A_10 = arith.addi %scan3A_8, %scan3A_9 : i32
    %scan3A_11 = arith.constant 1 : i32
    scf.for %scan3A_19 = %scan3A_8 to %scan3A_10 step %scan3A_11  : i32 {
      %mul3A_20 = arith.constant 1 : i32
      %mul3A_21 = arith.muli %scan3A_19, %mul3A_20 : i32
      %add3A_22 = arith.constant 0 : i32
      %add3A_23 = arith.addi %add3A_22, %mul3A_21 : i32
      %mul3A_24 = arith.constant 150 : i32
      %mul3A_25 = arith.muli %add3A_23, %mul3A_24 : i32
      %add3A_26 = arith.addi %mul3A_7, %mul3A_25 : i32
      "tpu.region"() ({
        %run_scoped3A = tpu.sem_alloc : memref<!tpu.dma_semaphore, #tpu.memory_space<semaphore_mem>>
        %dma_start3A = arith.constant 0 : i32
        %dma_start3A_27 = tpu.memref_slice %arg6[%add3A_26, %dma_start3A] : memref<50400x32xf32, #tpu.memory_space<vmem_shared>> -> memref<150x32xf32, #tpu.memory_space<vmem_shared>>
        %dma_start3A_28 = arith.constant 0 : i32
        %dma_start3A_29 = tpu.memref_slice %arg6[%add3A_26, %dma_start3A_28] : memref<50400x32xf32, #tpu.memory_space<vmem_shared>> -> memref<150x32xf32, #tpu.memory_space<vmem_shared>>
        tpu.enqueue_dma source(%arg10 : memref<150x32xf32, #tpu.memory_space<vmem>>) target(%dma_start3A_29 : memref<150x32xf32, #tpu.memory_space<vmem_shared>>) target_semaphore(%run_scoped3A : memref<!tpu.dma_semaphore, #tpu.memory_space<semaphore_mem>>)
        %dma_wait3A = arith.constant 0 : i32
        %dma_wait3A_30 = tpu.memref_slice %arg6[%add3A_26, %dma_wait3A] : memref<50400x32xf32, #tpu.memory_space<vmem_shared>> -> memref<150x32xf32, #tpu.memory_space<vmem_shared>>
        %dma_wait3A_31 = arith.constant 0 : i32
        %dma_wait3A_32 = tpu.memref_slice %arg6[%add3A_26, %dma_wait3A_31] : memref<50400x32xf32, #tpu.memory_space<vmem_shared>> -> memref<150x32xf32, #tpu.memory_space<vmem_shared>>
        tpu.wait_dma2 semaphore(%run_scoped3A : memref<!tpu.dma_semaphore, #tpu.memory_space<semaphore_mem>>) src(%arg10 : memref<150x32xf32, #tpu.memory_space<vmem>>) dst(%dma_wait3A_32 : memref<150x32xf32, #tpu.memory_space<vmem_shared>>)
        tpu.yield
      }) : () -> ()
    }
    %scan3A_12 = arith.constant 21 : i32
    %barrier3A = arith.constant 0 : index
    tpu.barrier barrier_id(%barrier3A)
    %scan3A_13 = arith.constant 0 : i32
    %scan3A_14 = arith.constant 14 : i32
    %scan3A_15 = arith.addi %scan3A_13, %scan3A_14 : i32
    %scan3A_16 = arith.constant 1 : i32
    scf.for %scan3A_19 = %scan3A_13 to %scan3A_15 step %scan3A_16  : i32 {
      %mul3A_20 = arith.constant 1 : i32
      %mul3A_21 = arith.muli %scan3A_19, %mul3A_20 : i32
      %add3A_22 = arith.constant 0 : i32
      %add3A_23 = arith.addi %add3A_22, %mul3A_21 : i32
      %mul3A_24 = arith.constant 14 : i32
      %mul3A_25 = arith.muli %add3A_23, %mul3A_24 : i32
      "tpu.region"() ({
        %run_scoped3A = tpu.sem_alloc : memref<!tpu.dma_semaphore, #tpu.memory_space<semaphore_mem>>
        %dma_start3A = arith.constant 0 : i32
        %dma_start3A_33 = tpu.memref_slice %arg3[%add3A, %mul3A_25, %dma_start3A] : memref<32x196x128xi32, #tpu.memory_space<hbm>> -> memref<1x14x128xi32, #tpu.memory_space<hbm>>
        %dma_start3A_34 = tpu.memref_squeeze %dma_start3A_33 : memref<1x14x128xi32, #tpu.memory_space<hbm>> -> memref<14x128xi32, #tpu.memory_space<hbm>>
        %dma_start3A_35 = arith.constant 0 : i32
        %dma_start3A_36 = tpu.memref_slice %arg3[%add3A, %mul3A_25, %dma_start3A_35] : memref<32x196x128xi32, #tpu.memory_space<hbm>> -> memref<1x14x128xi32, #tpu.memory_space<hbm>>
        %dma_start3A_37 = tpu.memref_squeeze %dma_start3A_36 : memref<1x14x128xi32, #tpu.memory_space<hbm>> -> memref<14x128xi32, #tpu.memory_space<hbm>>
        tpu.enqueue_dma source(%dma_start3A_37 : memref<14x128xi32, #tpu.memory_space<hbm>>) target(%arg7 : memref<14x128xi32, #tpu.memory_space<vmem>>) target_semaphore(%run_scoped3A : memref<!tpu.dma_semaphore, #tpu.memory_space<semaphore_mem>>)
        %dma_wait3A = arith.constant 0 : i32
        %dma_wait3A_38 = tpu.memref_slice %arg3[%add3A, %mul3A_25, %dma_wait3A] : memref<32x196x128xi32, #tpu.memory_space<hbm>> -> memref<1x14x128xi32, #tpu.memory_space<hbm>>
        %dma_wait3A_39 = tpu.memref_squeeze %dma_wait3A_38 : memref<1x14x128xi32, #tpu.memory_space<hbm>> -> memref<14x128xi32, #tpu.memory_space<hbm>>
        %dma_wait3A_40 = arith.constant 0 : i32
        %dma_wait3A_41 = tpu.memref_slice %arg3[%add3A, %mul3A_25, %dma_wait3A_40] : memref<32x196x128xi32, #tpu.memory_space<hbm>> -> memref<1x14x128xi32, #tpu.memory_space<hbm>>
        %dma_wait3A_42 = tpu.memref_squeeze %dma_wait3A_41 : memref<1x14x128xi32, #tpu.memory_space<hbm>> -> memref<14x128xi32, #tpu.memory_space<hbm>>
        tpu.wait_dma2 semaphore(%run_scoped3A : memref<!tpu.dma_semaphore, #tpu.memory_space<semaphore_mem>>) src(%dma_wait3A_42 : memref<14x128xi32, #tpu.memory_space<hbm>>) dst(%arg7 : memref<14x128xi32, #tpu.memory_space<vmem>>)
        tpu.yield
      }) : () -> ()
      %mul3A_26 = arith.constant 14 : i32
      %mul3A_27 = arith.muli %add3A_23, %mul3A_26 : i32
      "tpu.region"() ({
        %run_scoped3A = tpu.sem_alloc : memref<!tpu.dma_semaphore, #tpu.memory_space<semaphore_mem>>
        %dma_start3A = arith.constant 0 : i32
        %dma_start3A_33 = tpu.memref_slice %arg4[%add3A, %mul3A_27, %dma_start3A] : memref<32x196x128xi32, #tpu.memory_space<hbm>> -> memref<1x14x128xi32, #tpu.memory_space<hbm>>
        %dma_start3A_34 = tpu.memref_squeeze %dma_start3A_33 : memref<1x14x128xi32, #tpu.memory_space<hbm>> -> memref<14x128xi32, #tpu.memory_space<hbm>>
        %dma_start3A_35 = arith.constant 0 : i32
        %dma_start3A_36 = tpu.memref_slice %arg4[%add3A, %mul3A_27, %dma_start3A_35] : memref<32x196x128xi32, #tpu.memory_space<hbm>> -> memref<1x14x128xi32, #tpu.memory_space<hbm>>
        %dma_start3A_37 = tpu.memref_squeeze %dma_start3A_36 : memref<1x14x128xi32, #tpu.memory_space<hbm>> -> memref<14x128xi32, #tpu.memory_space<hbm>>
        tpu.enqueue_dma source(%dma_start3A_37 : memref<14x128xi32, #tpu.memory_space<hbm>>) target(%arg8 : memref<14x128xi32, #tpu.memory_space<vmem>>) target_semaphore(%run_scoped3A : memref<!tpu.dma_semaphore, #tpu.memory_space<semaphore_mem>>)
        %dma_wait3A = arith.constant 0 : i32
        %dma_wait3A_38 = tpu.memref_slice %arg4[%add3A, %mul3A_27, %dma_wait3A] : memref<32x196x128xi32, #tpu.memory_space<hbm>> -> memref<1x14x128xi32, #tpu.memory_space<hbm>>
        %dma_wait3A_39 = tpu.memref_squeeze %dma_wait3A_38 : memref<1x14x128xi32, #tpu.memory_space<hbm>> -> memref<14x128xi32, #tpu.memory_space<hbm>>
        %dma_wait3A_40 = arith.constant 0 : i32
        %dma_wait3A_41 = tpu.memref_slice %arg4[%add3A, %mul3A_27, %dma_wait3A_40] : memref<32x196x128xi32, #tpu.memory_space<hbm>> -> memref<1x14x128xi32, #tpu.memory_space<hbm>>
        %dma_wait3A_42 = tpu.memref_squeeze %dma_wait3A_41 : memref<1x14x128xi32, #tpu.memory_space<hbm>> -> memref<14x128xi32, #tpu.memory_space<hbm>>
        tpu.wait_dma2 semaphore(%run_scoped3A : memref<!tpu.dma_semaphore, #tpu.memory_space<semaphore_mem>>) src(%dma_wait3A_42 : memref<14x128xi32, #tpu.memory_space<hbm>>) dst(%arg8 : memref<14x128xi32, #tpu.memory_space<vmem>>)
        tpu.yield
      }) : () -> ()
      %scan3A_28 = arith.constant 0 : i32
      %scan3A_29 = arith.constant 14 : i32
      %scan3A_30 = arith.addi %scan3A_28, %scan3A_29 : i32
      %scan3A_31 = arith.constant 1 : i32
      scf.for %scan3A_33 = %scan3A_28 to %scan3A_30 step %scan3A_31  : i32 {
        %mul3A_34 = arith.constant 1 : i32
        %mul3A_35 = arith.muli %scan3A_33, %mul3A_34 : i32
        %add3A_36 = arith.constant 0 : i32
        %add3A_37 = arith.addi %add3A_36, %mul3A_35 : i32
        %dma_start3A = arith.constant 0 : i32
        %dma_start3A_38 = tpu.memref_slice %arg7[%add3A_37, %dma_start3A] : memref<14x128xi32, #tpu.memory_space<vmem>> -> memref<1x128xi32, #tpu.memory_space<vmem>>
        %dma_start3A_39 = tpu.memref_squeeze %dma_start3A_38 : memref<1x128xi32, #tpu.memory_space<vmem>> -> memref<128xi32, #tpu.memory_space<vmem>>
        %dma_start3A_40 = arith.constant 0 : i32
        %dma_start3A_41 = arith.constant 0 : i32
        %dma_start3A_42 = tpu.memref_slice %arg2[%dma_start3A_40, %dma_start3A_41] : memref<50000x32xf32, #tpu.memory_space<hbm>> -> memref<50000x32xf32, #tpu.memory_space<hbm>>
        tpu.enqueue_indirect_dma source(%dma_start3A_42 : memref<50000x32xf32, #tpu.memory_space<hbm>>) target(%arg9 : memref<128x32xf32, #tpu.memory_space<vmem>>) offsets(%dma_start3A_39 : memref<128xi32, #tpu.memory_space<vmem>>) semaphore(%arg11 : memref<!tpu.dma_semaphore, #tpu.memory_space<semaphore_mem>>)
        %dma_wait3A = arith.constant 0 : i32
        %dma_wait3A_43 = tpu.memref_slice %arg7[%add3A_37, %dma_wait3A] : memref<14x128xi32, #tpu.memory_space<vmem>> -> memref<1x128xi32, #tpu.memory_space<vmem>>
        %dma_wait3A_44 = tpu.memref_squeeze %dma_wait3A_43 : memref<1x128xi32, #tpu.memory_space<vmem>> -> memref<128xi32, #tpu.memory_space<vmem>>
        %dma_wait3A_45 = arith.constant 0 : i32
        %dma_wait3A_46 = arith.constant 0 : i32
        %dma_wait3A_47 = tpu.memref_slice %arg2[%dma_wait3A_45, %dma_wait3A_46] : memref<50000x32xf32, #tpu.memory_space<hbm>> -> memref<50000x32xf32, #tpu.memory_space<hbm>>
        tpu.wait_indirect_dma semaphore(%arg11 : memref<!tpu.dma_semaphore, #tpu.memory_space<semaphore_mem>>) src(%dma_wait3A_47 : memref<50000x32xf32, #tpu.memory_space<hbm>>) dst(%arg9 : memref<128x32xf32, #tpu.memory_space<vmem>>)
        "tpu.region"() ({
          %run_scoped3A = tpu.sem_alloc : memref<!tpu.dma_semaphore, #tpu.memory_space<semaphore_mem>>
          %dma_start3A_48 = arith.constant 0 : i32
          %dma_start3A_49 = tpu.memref_slice %arg8[%add3A_37, %dma_start3A_48] : memref<14x128xi32, #tpu.memory_space<vmem>> -> memref<1x128xi32, #tpu.memory_space<vmem>>
          %dma_start3A_50 = tpu.memref_squeeze %dma_start3A_49 : memref<1x128xi32, #tpu.memory_space<vmem>> -> memref<128xi32, #tpu.memory_space<vmem>>
          %dma_start3A_51 = arith.constant 0 : i32
          %dma_start3A_52 = arith.constant 0 : i32
          %dma_start3A_53 = tpu.memref_slice %arg6[%dma_start3A_51, %dma_start3A_52] : memref<50400x32xf32, #tpu.memory_space<vmem_shared>> -> memref<50400x32xf32, #tpu.memory_space<vmem_shared>>
          tpu.enqueue_indirect_dma source(%arg9 : memref<128x32xf32, #tpu.memory_space<vmem>>) target(%dma_start3A_53 : memref<50400x32xf32, #tpu.memory_space<vmem_shared>>) offsets(%dma_start3A_50 : memref<128xi32, #tpu.memory_space<vmem>>) semaphore(%run_scoped3A : memref<!tpu.dma_semaphore, #tpu.memory_space<semaphore_mem>>) {add = true}
          %dma_wait3A_54 = arith.constant 0 : i32
          %dma_wait3A_55 = tpu.memref_slice %arg8[%add3A_37, %dma_wait3A_54] : memref<14x128xi32, #tpu.memory_space<vmem>> -> memref<1x128xi32, #tpu.memory_space<vmem>>
          %dma_wait3A_56 = tpu.memref_squeeze %dma_wait3A_55 : memref<1x128xi32, #tpu.memory_space<vmem>> -> memref<128xi32, #tpu.memory_space<vmem>>
          %dma_wait3A_57 = arith.constant 0 : i32
          %dma_wait3A_58 = arith.constant 0 : i32
          %dma_wait3A_59 = tpu.memref_slice %arg6[%dma_wait3A_57, %dma_wait3A_58] : memref<50400x32xf32, #tpu.memory_space<vmem_shared>> -> memref<50400x32xf32, #tpu.memory_space<vmem_shared>>
          tpu.wait_indirect_dma semaphore(%run_scoped3A : memref<!tpu.dma_semaphore, #tpu.memory_space<semaphore_mem>>) src(%arg9 : memref<128x32xf32, #tpu.memory_space<vmem>>) dst(%dma_wait3A_59 : memref<50400x32xf32, #tpu.memory_space<vmem_shared>>)
          tpu.yield
        }) : () -> ()
      }
      %scan3A_32 = arith.constant 14 : i32
    }
    %scan3A_17 = arith.constant 14 : i32
    %barrier3A_18 = arith.constant 0 : index
    tpu.barrier barrier_id(%barrier3A_18)
    "tpu.region"() ({
      %run_scoped3A = tpu.sem_alloc : memref<!tpu.dma_semaphore, #tpu.memory_space<semaphore_mem>>
      %dma_start3A = arith.constant 0 : i32
      %dma_start3A_19 = tpu.memref_slice %arg5[%arg0, %mul3A_7, %dma_start3A] : memref<2x50400x32xf32, #tpu.memory_space<hbm>> -> memref<1x3150x32xf32, #tpu.memory_space<hbm>>
      %dma_start3A_20 = tpu.memref_squeeze %dma_start3A_19 : memref<1x3150x32xf32, #tpu.memory_space<hbm>> -> memref<3150x32xf32, #tpu.memory_space<hbm>>
      %dma_start3A_21 = arith.constant 0 : i32
      %dma_start3A_22 = tpu.memref_slice %arg6[%mul3A_7, %dma_start3A_21] : memref<50400x32xf32, #tpu.memory_space<vmem_shared>> -> memref<3150x32xf32, #tpu.memory_space<vmem_shared>>
      tpu.enqueue_dma source(%dma_start3A_22 : memref<3150x32xf32, #tpu.memory_space<vmem_shared>>) target(%dma_start3A_20 : memref<3150x32xf32, #tpu.memory_space<hbm>>) target_semaphore(%run_scoped3A : memref<!tpu.dma_semaphore, #tpu.memory_space<semaphore_mem>>)
      %dma_wait3A = arith.constant 0 : i32
      %dma_wait3A_23 = tpu.memref_slice %arg5[%arg0, %mul3A_7, %dma_wait3A] : memref<2x50400x32xf32, #tpu.memory_space<hbm>> -> memref<1x3150x32xf32, #tpu.memory_space<hbm>>
      %dma_wait3A_24 = tpu.memref_squeeze %dma_wait3A_23 : memref<1x3150x32xf32, #tpu.memory_space<hbm>> -> memref<3150x32xf32, #tpu.memory_space<hbm>>
      %dma_wait3A_25 = arith.constant 0 : i32
      %dma_wait3A_26 = tpu.memref_slice %arg6[%mul3A_7, %dma_wait3A_25] : memref<50400x32xf32, #tpu.memory_space<vmem_shared>> -> memref<3150x32xf32, #tpu.memory_space<vmem_shared>>
      tpu.wait_dma2 semaphore(%run_scoped3A : memref<!tpu.dma_semaphore, #tpu.memory_space<semaphore_mem>>) src(%dma_wait3A_26 : memref<3150x32xf32, #tpu.memory_space<vmem_shared>>) dst(%dma_wait3A_24 : memref<3150x32xf32, #tpu.memory_space<hbm>>)
      tpu.yield
    }) : () -> ()
    return
  }
}

#map = affine_map<(d0, d1) -> (0, 0)>
#map1 = affine_map<(d0, d1) -> (0, 0, 0)>
module attributes {stable_mosaic.version = 14 : i64} {
  func.func @agg(%arg0: i32, %arg1: i32, %arg2: memref<50000x32xf32, #tpu.memory_space<hbm>>, %arg3: memref<32x196x128xi32, #tpu.memory_space<hbm>>, %arg4: memref<32x196x128xi32, #tpu.memory_space<hbm>>, %arg5: memref<2x50400x32xf32, #tpu.memory_space<hbm>>, %arg6: memref<50400x32xf32, #tpu.memory_space<vmem_shared>>, %arg7: memref<14x128xi32, #tpu.memory_space<vmem>>, %arg8: memref<14x128xi32, #tpu.memory_space<vmem>>, %arg9: memref<128x32xf32, #tpu.memory_space<vmem>>, %arg10: memref<150x32xf32, #tpu.memory_space<vmem>>, %arg11: memref<!tpu.dma_semaphore, #tpu.memory_space<semaphore_mem>>) attributes {dimension_semantics = [#tpu.dimension_semantics<core_parallel>, #tpu.dimension_semantics<subcore_parallel>], iteration_bounds = array<i64: 2, 16>, scalar_prefetch = 0 : i64, scratch_operands = 6 : i64, tpu.core_type = #tpu.core_type<sc_vector_subcore>, window_params = [{transform_indices = #map}, {transform_indices = #map1}, {transform_indices = #map1}, {transform_indices = #map1}]} {
    %mul3A = arith.constant 16 : i32
    %mul3A_0 = arith.muli %arg0, %mul3A : i32
    %add3A = arith.addi %mul3A_0, %arg1 : i32
    %broadcast_in_dim3A = arith.constant 0.000000e+00 : f32
    %broadcast_in_dim3A_1 = vector.broadcast %broadcast_in_dim3A : f32 to vector<16xf32>
    %scan3A = arith.constant 0 : i32
    %scan3A_2 = arith.constant 150 : i32
    %scan3A_3 = arith.addi %scan3A, %scan3A_2 : i32
    %scan3A_4 = arith.constant 1 : i32
    scf.for %scan3A_19 = %scan3A to %scan3A_3 step %scan3A_4  : i32 {
      %mul3A_20 = arith.constant 1 : i32
      %mul3A_21 = arith.muli %scan3A_19, %mul3A_20 : i32
      %add3A_22 = arith.constant 0 : i32
      %add3A_23 = arith.addi %add3A_22, %mul3A_21 : i32
      %swap3A = arith.index_cast %add3A_23 : i32 to index
      %swap3A_24 = arith.constant 0 : index
      %swap3A_25 = tpu.vector_load %arg10[%swap3A, %swap3A_24] {strides = array<i32>} : memref<150x32xf32, #tpu.memory_space<vmem>>, vector<1x16xf32>,
      %swap3A_26 = vector.shape_cast %swap3A_25 : vector<1x16xf32> to vector<16xf32>
      %swap3A_27 = vector.shape_cast %broadcast_in_dim3A_1 : vector<16xf32> to vector<1x16xf32>
      tpu.vector_store %arg10[%swap3A, %swap3A_24], %swap3A_27 {strides = array<i32>} : memref<150x32xf32, #tpu.memory_space<vmem>>, vector<1x16xf32>,
      %swap3A_28 = arith.index_cast %add3A_23 : i32 to index
      %swap3A_29 = arith.constant 16 : index
      %swap3A_30 = tpu.vector_load %arg10[%swap3A_28, %swap3A_29] {strides = array<i32>} : memref<150x32xf32, #tpu.memory_space<vmem>>, vector<1x16xf32>,
      %swap3A_31 = vector.shape_cast %swap3A_30 : vector<1x16xf32> to vector<16xf32>
      %swap3A_32 = vector.shape_cast %broadcast_in_dim3A_1 : vector<16xf32> to vector<1x16xf32>
      tpu.vector_store %arg10[%swap3A_28, %swap3A_29], %swap3A_32 {strides = array<i32>} : memref<150x32xf32, #tpu.memory_space<vmem>>, vector<1x16xf32>,
    }
    %scan3A_5 = arith.constant 150 : i32
    %mul3A_6 = arith.constant 3150 : i32
    %mul3A_7 = arith.muli %arg1, %mul3A_6 : i32
    %scan3A_8 = arith.constant 0 : i32
    %scan3A_9 = arith.constant 21 : i32
    %scan3A_10 = arith.addi %scan3A_8, %scan3A_9 : i32
    %scan3A_11 = arith.constant 1 : i32
    scf.for %scan3A_19 = %scan3A_8 to %scan3A_10 step %scan3A_11  : i32 {
      %mul3A_20 = arith.constant 1 : i32
      %mul3A_21 = arith.muli %scan3A_19, %mul3A_20 : i32
      %add3A_22 = arith.constant 0 : i32
      %add3A_23 = arith.addi %add3A_22, %mul3A_21 : i32
      %mul3A_24 = arith.constant 150 : i32
      %mul3A_25 = arith.muli %add3A_23, %mul3A_24 : i32
      %add3A_26 = arith.addi %mul3A_7, %mul3A_25 : i32
      "tpu.region"() ({
        %run_scoped3A = tpu.sem_alloc : memref<!tpu.dma_semaphore, #tpu.memory_space<semaphore_mem>>
        %dma_start3A = arith.constant 0 : i32
        %dma_start3A_27 = tpu.memref_slice %arg6[%add3A_26, %dma_start3A] : memref<50400x32xf32, #tpu.memory_space<vmem_shared>> -> memref<150x32xf32, #tpu.memory_space<vmem_shared>>
        %dma_start3A_28 = arith.constant 0 : i32
        %dma_start3A_29 = tpu.memref_slice %arg6[%add3A_26, %dma_start3A_28] : memref<50400x32xf32, #tpu.memory_space<vmem_shared>> -> memref<150x32xf32, #tpu.memory_space<vmem_shared>>
        tpu.enqueue_dma source(%arg10 : memref<150x32xf32, #tpu.memory_space<vmem>>) target(%dma_start3A_29 : memref<150x32xf32, #tpu.memory_space<vmem_shared>>) target_semaphore(%run_scoped3A : memref<!tpu.dma_semaphore, #tpu.memory_space<semaphore_mem>>)
        %dma_wait3A = arith.constant 0 : i32
        %dma_wait3A_30 = tpu.memref_slice %arg6[%add3A_26, %dma_wait3A] : memref<50400x32xf32, #tpu.memory_space<vmem_shared>> -> memref<150x32xf32, #tpu.memory_space<vmem_shared>>
        %dma_wait3A_31 = arith.constant 0 : i32
        %dma_wait3A_32 = tpu.memref_slice %arg6[%add3A_26, %dma_wait3A_31] : memref<50400x32xf32, #tpu.memory_space<vmem_shared>> -> memref<150x32xf32, #tpu.memory_space<vmem_shared>>
        tpu.wait_dma2 semaphore(%run_scoped3A : memref<!tpu.dma_semaphore, #tpu.memory_space<semaphore_mem>>) src(%arg10 : memref<150x32xf32, #tpu.memory_space<vmem>>) dst(%dma_wait3A_32 : memref<150x32xf32, #tpu.memory_space<vmem_shared>>)
        tpu.yield
      }) : () -> ()
    }
    %scan3A_12 = arith.constant 21 : i32
    %barrier3A = arith.constant 0 : index
    tpu.barrier barrier_id(%barrier3A)
    %scan3A_13 = arith.constant 0 : i32
    %scan3A_14 = arith.constant 14 : i32
    %scan3A_15 = arith.addi %scan3A_13, %scan3A_14 : i32
    %scan3A_16 = arith.constant 1 : i32
    scf.for %scan3A_19 = %scan3A_13 to %scan3A_15 step %scan3A_16  : i32 {
      %mul3A_20 = arith.constant 1 : i32
      %mul3A_21 = arith.muli %scan3A_19, %mul3A_20 : i32
      %add3A_22 = arith.constant 0 : i32
      %add3A_23 = arith.addi %add3A_22, %mul3A_21 : i32
      %mul3A_24 = arith.constant 14 : i32
      %mul3A_25 = arith.muli %add3A_23, %mul3A_24 : i32
      "tpu.region"() ({
        %run_scoped3A = tpu.sem_alloc : memref<!tpu.dma_semaphore, #tpu.memory_space<semaphore_mem>>
        %dma_start3A = arith.constant 0 : i32
        %dma_start3A_33 = tpu.memref_slice %arg3[%add3A, %mul3A_25, %dma_start3A] : memref<32x196x128xi32, #tpu.memory_space<hbm>> -> memref<1x14x128xi32, #tpu.memory_space<hbm>>
        %dma_start3A_34 = tpu.memref_squeeze %dma_start3A_33 : memref<1x14x128xi32, #tpu.memory_space<hbm>> -> memref<14x128xi32, #tpu.memory_space<hbm>>
        %dma_start3A_35 = arith.constant 0 : i32
        %dma_start3A_36 = tpu.memref_slice %arg3[%add3A, %mul3A_25, %dma_start3A_35] : memref<32x196x128xi32, #tpu.memory_space<hbm>> -> memref<1x14x128xi32, #tpu.memory_space<hbm>>
        %dma_start3A_37 = tpu.memref_squeeze %dma_start3A_36 : memref<1x14x128xi32, #tpu.memory_space<hbm>> -> memref<14x128xi32, #tpu.memory_space<hbm>>
        tpu.enqueue_dma source(%dma_start3A_37 : memref<14x128xi32, #tpu.memory_space<hbm>>) target(%arg7 : memref<14x128xi32, #tpu.memory_space<vmem>>) target_semaphore(%run_scoped3A : memref<!tpu.dma_semaphore, #tpu.memory_space<semaphore_mem>>)
        %dma_wait3A = arith.constant 0 : i32
        %dma_wait3A_38 = tpu.memref_slice %arg3[%add3A, %mul3A_25, %dma_wait3A] : memref<32x196x128xi32, #tpu.memory_space<hbm>> -> memref<1x14x128xi32, #tpu.memory_space<hbm>>
        %dma_wait3A_39 = tpu.memref_squeeze %dma_wait3A_38 : memref<1x14x128xi32, #tpu.memory_space<hbm>> -> memref<14x128xi32, #tpu.memory_space<hbm>>
        %dma_wait3A_40 = arith.constant 0 : i32
        %dma_wait3A_41 = tpu.memref_slice %arg3[%add3A, %mul3A_25, %dma_wait3A_40] : memref<32x196x128xi32, #tpu.memory_space<hbm>> -> memref<1x14x128xi32, #tpu.memory_space<hbm>>
        %dma_wait3A_42 = tpu.memref_squeeze %dma_wait3A_41 : memref<1x14x128xi32, #tpu.memory_space<hbm>> -> memref<14x128xi32, #tpu.memory_space<hbm>>
        tpu.wait_dma2 semaphore(%run_scoped3A : memref<!tpu.dma_semaphore, #tpu.memory_space<semaphore_mem>>) src(%dma_wait3A_42 : memref<14x128xi32, #tpu.memory_space<hbm>>) dst(%arg7 : memref<14x128xi32, #tpu.memory_space<vmem>>)
        tpu.yield
      }) : () -> ()
      %mul3A_26 = arith.constant 14 : i32
      %mul3A_27 = arith.muli %add3A_23, %mul3A_26 : i32
      "tpu.region"() ({
        %run_scoped3A = tpu.sem_alloc : memref<!tpu.dma_semaphore, #tpu.memory_space<semaphore_mem>>
        %dma_start3A = arith.constant 0 : i32
        %dma_start3A_33 = tpu.memref_slice %arg4[%add3A, %mul3A_27, %dma_start3A] : memref<32x196x128xi32, #tpu.memory_space<hbm>> -> memref<1x14x128xi32, #tpu.memory_space<hbm>>
        %dma_start3A_34 = tpu.memref_squeeze %dma_start3A_33 : memref<1x14x128xi32, #tpu.memory_space<hbm>> -> memref<14x128xi32, #tpu.memory_space<hbm>>
        %dma_start3A_35 = arith.constant 0 : i32
        %dma_start3A_36 = tpu.memref_slice %arg4[%add3A, %mul3A_27, %dma_start3A_35] : memref<32x196x128xi32, #tpu.memory_space<hbm>> -> memref<1x14x128xi32, #tpu.memory_space<hbm>>
        %dma_start3A_37 = tpu.memref_squeeze %dma_start3A_36 : memref<1x14x128xi32, #tpu.memory_space<hbm>> -> memref<14x128xi32, #tpu.memory_space<hbm>>
        tpu.enqueue_dma source(%dma_start3A_37 : memref<14x128xi32, #tpu.memory_space<hbm>>) target(%arg8 : memref<14x128xi32, #tpu.memory_space<vmem>>) target_semaphore(%run_scoped3A : memref<!tpu.dma_semaphore, #tpu.memory_space<semaphore_mem>>)
        %dma_wait3A = arith.constant 0 : i32
        %dma_wait3A_38 = tpu.memref_slice %arg4[%add3A, %mul3A_27, %dma_wait3A] : memref<32x196x128xi32, #tpu.memory_space<hbm>> -> memref<1x14x128xi32, #tpu.memory_space<hbm>>
        %dma_wait3A_39 = tpu.memref_squeeze %dma_wait3A_38 : memref<1x14x128xi32, #tpu.memory_space<hbm>> -> memref<14x128xi32, #tpu.memory_space<hbm>>
        %dma_wait3A_40 = arith.constant 0 : i32
        %dma_wait3A_41 = tpu.memref_slice %arg4[%add3A, %mul3A_27, %dma_wait3A_40] : memref<32x196x128xi32, #tpu.memory_space<hbm>> -> memref<1x14x128xi32, #tpu.memory_space<hbm>>
        %dma_wait3A_42 = tpu.memref_squeeze %dma_wait3A_41 : memref<1x14x128xi32, #tpu.memory_space<hbm>> -> memref<14x128xi32, #tpu.memory_space<hbm>>
        tpu.wait_dma2 semaphore(%run_scoped3A : memref<!tpu.dma_semaphore, #tpu.memory_space<semaphore_mem>>) src(%dma_wait3A_42 : memref<14x128xi32, #tpu.memory_space<hbm>>) dst(%arg8 : memref<14x128xi32, #tpu.memory_space<vmem>>)
        tpu.yield
      }) : () -> ()
      %scan3A_28 = arith.constant 0 : i32
      %scan3A_29 = arith.constant 14 : i32
      %scan3A_30 = arith.addi %scan3A_28, %scan3A_29 : i32
      %scan3A_31 = arith.constant 1 : i32
      scf.for %scan3A_33 = %scan3A_28 to %scan3A_30 step %scan3A_31  : i32 {
        %mul3A_34 = arith.constant 1 : i32
        %mul3A_35 = arith.muli %scan3A_33, %mul3A_34 : i32
        %add3A_36 = arith.constant 0 : i32
        %add3A_37 = arith.addi %add3A_36, %mul3A_35 : i32
        %dma_start3A = arith.constant 0 : i32
        %dma_start3A_38 = tpu.memref_slice %arg7[%add3A_37, %dma_start3A] : memref<14x128xi32, #tpu.memory_space<vmem>> -> memref<1x128xi32, #tpu.memory_space<vmem>>
        %dma_start3A_39 = tpu.memref_squeeze %dma_start3A_38 : memref<1x128xi32, #tpu.memory_space<vmem>> -> memref<128xi32, #tpu.memory_space<vmem>>
        %dma_start3A_40 = arith.constant 0 : i32
        %dma_start3A_41 = arith.constant 0 : i32
        %dma_start3A_42 = tpu.memref_slice %arg2[%dma_start3A_40, %dma_start3A_41] : memref<50000x32xf32, #tpu.memory_space<hbm>> -> memref<50000x32xf32, #tpu.memory_space<hbm>>
        tpu.enqueue_indirect_dma source(%dma_start3A_42 : memref<50000x32xf32, #tpu.memory_space<hbm>>) target(%arg9 : memref<128x32xf32, #tpu.memory_space<vmem>>) offsets(%dma_start3A_39 : memref<128xi32, #tpu.memory_space<vmem>>) semaphore(%arg11 : memref<!tpu.dma_semaphore, #tpu.memory_space<semaphore_mem>>)
        %dma_wait3A = arith.constant 0 : i32
        %dma_wait3A_43 = tpu.memref_slice %arg7[%add3A_37, %dma_wait3A] : memref<14x128xi32, #tpu.memory_space<vmem>> -> memref<1x128xi32, #tpu.memory_space<vmem>>
        %dma_wait3A_44 = tpu.memref_squeeze %dma_wait3A_43 : memref<1x128xi32, #tpu.memory_space<vmem>> -> memref<128xi32, #tpu.memory_space<vmem>>
        %dma_wait3A_45 = arith.constant 0 : i32
        %dma_wait3A_46 = arith.constant 0 : i32
        %dma_wait3A_47 = tpu.memref_slice %arg2[%dma_wait3A_45, %dma_wait3A_46] : memref<50000x32xf32, #tpu.memory_space<hbm>> -> memref<50000x32xf32, #tpu.memory_space<hbm>>
        tpu.wait_indirect_dma semaphore(%arg11 : memref<!tpu.dma_semaphore, #tpu.memory_space<semaphore_mem>>) src(%dma_wait3A_47 : memref<50000x32xf32, #tpu.memory_space<hbm>>) dst(%arg9 : memref<128x32xf32, #tpu.memory_space<vmem>>)
        "tpu.region"() ({
          %run_scoped3A = tpu.sem_alloc : memref<!tpu.dma_semaphore, #tpu.memory_space<semaphore_mem>>
          %dma_start3A_48 = arith.constant 0 : i32
          %dma_start3A_49 = tpu.memref_slice %arg8[%add3A_37, %dma_start3A_48] : memref<14x128xi32, #tpu.memory_space<vmem>> -> memref<1x128xi32, #tpu.memory_space<vmem>>
          %dma_start3A_50 = tpu.memref_squeeze %dma_start3A_49 : memref<1x128xi32, #tpu.memory_space<vmem>> -> memref<128xi32, #tpu.memory_space<vmem>>
          %dma_start3A_51 = arith.constant 0 : i32
          %dma_start3A_52 = arith.constant 0 : i32
          %dma_start3A_53 = tpu.memref_slice %arg6[%dma_start3A_51, %dma_start3A_52] : memref<50400x32xf32, #tpu.memory_space<vmem_shared>> -> memref<50400x32xf32, #tpu.memory_space<vmem_shared>>
          tpu.enqueue_indirect_dma source(%arg9 : memref<128x32xf32, #tpu.memory_space<vmem>>) target(%dma_start3A_53 : memref<50400x32xf32, #tpu.memory_space<vmem_shared>>) offsets(%dma_start3A_50 : memref<128xi32, #tpu.memory_space<vmem>>) semaphore(%run_scoped3A : memref<!tpu.dma_semaphore, #tpu.memory_space<semaphore_mem>>) {add = true}
          %dma_wait3A_54 = arith.constant 0 : i32
          %dma_wait3A_55 = tpu.memref_slice %arg8[%add3A_37, %dma_wait3A_54] : memref<14x128xi32, #tpu.memory_space<vmem>> -> memref<1x128xi32, #tpu.memory_space<vmem>>
          %dma_wait3A_56 = tpu.memref_squeeze %dma_wait3A_55 : memref<1x128xi32, #tpu.memory_space<vmem>> -> memref<128xi32, #tpu.memory_space<vmem>>
          %dma_wait3A_57 = arith.constant 0 : i32
          %dma_wait3A_58 = arith.constant 0 : i32
          %dma_wait3A_59 = tpu.memref_slice %arg6[%dma_wait3A_57, %dma_wait3A_58] : memref<50400x32xf32, #tpu.memory_space<vmem_shared>> -> memref<50400x32xf32, #tpu.memory_space<vmem_shared>>
          tpu.wait_indirect_dma semaphore(%run_scoped3A : memref<!tpu.dma_semaphore, #tpu.memory_space<semaphore_mem>>) src(%arg9 : memref<128x32xf32, #tpu.memory_space<vmem>>) dst(%dma_wait3A_59 : memref<50400x32xf32, #tpu.memory_space<vmem_shared>>)
          tpu.yield
        }) : () -> ()
      }
      %scan3A_32 = arith.constant 14 : i32
    }
    %scan3A_17 = arith.constant 14 : i32
    %barrier3A_18 = arith.constant 0 : index
    tpu.barrier barrier_id(%barrier3A_18)
    "tpu.region"() ({
      %run_scoped3A = tpu.sem_alloc : memref<!tpu.dma_semaphore, #tpu.memory_space<semaphore_mem>>
      %dma_start3A = arith.constant 0 : i32
      %dma_start3A_19 = tpu.memref_slice %arg5[%arg0, %mul3A_7, %dma_start3A] : memref<2x50400x32xf32, #tpu.memory_space<hbm>> -> memref<1x3150x32xf32, #tpu.memory_space<hbm>>
      %dma_start3A_20 = tpu.memref_squeeze %dma_start3A_19 : memref<1x3150x32xf32, #tpu.memory_space<hbm>> -> memref<3150x32xf32, #tpu.memory_space<hbm>>
      %dma_start3A_21 = arith.constant 0 : i32
      %dma_start3A_22 = tpu.memref_slice %arg6[%mul3A_7, %dma_start3A_21] : memref<50400x32xf32, #tpu.memory_space<vmem_shared>> -> memref<3150x32xf32, #tpu.memory_space<vmem_shared>>
      tpu.enqueue_dma source(%dma_start3A_22 : memref<3150x32xf32, #tpu.memory_space<vmem_shared>>) target(%dma_start3A_20 : memref<3150x32xf32, #tpu.memory_space<hbm>>) target_semaphore(%run_scoped3A : memref<!tpu.dma_semaphore, #tpu.memory_space<semaphore_mem>>)
      %dma_wait3A = arith.constant 0 : i32
      %dma_wait3A_23 = tpu.memref_slice %arg5[%arg0, %mul3A_7, %dma_wait3A] : memref<2x50400x32xf32, #tpu.memory_space<hbm>> -> memref<1x3150x32xf32, #tpu.memory_space<hbm>>
      %dma_wait3A_24 = tpu.memref_squeeze %dma_wait3A_23 : memref<1x3150x32xf32, #tpu.memory_space<hbm>> -> memref<3150x32xf32, #tpu.memory_space<hbm>>
      %dma_wait3A_25 = arith.constant 0 : i32
      %dma_wait3A_26 = tpu.memref_slice %arg6[%mul3A_7, %dma_wait3A_25] : memref<50400x32xf32, #tpu.memory_space<vmem_shared>> -> memref<3150x32xf32, #tpu.memory_space<vmem_shared>>
      tpu.wait_dma2 semaphore(%run_scoped3A : memref<!tpu.dma_semaphore, #tpu.memory_space<semaphore_mem>>) src(%dma_wait3A_26 : memref<3150x32xf32, #tpu.memory_space<vmem_shared>>) dst(%dma_wait3A_24 : memref<3150x32xf32, #tpu.memory_space<hbm>>)
      tpu.yield
    }) : () -> ()
    return
  }
}

#map = affine_map<(d0, d1) -> (0, 0)>
#map1 = affine_map<(d0, d1) -> (0, 0, 0)>
module attributes {stable_mosaic.version = 14 : i64} {
  func.func @agg(%arg0: i32, %arg1: i32, %arg2: memref<50000x32xf32, #tpu.memory_space<hbm>>, %arg3: memref<32x196x128xi32, #tpu.memory_space<hbm>>, %arg4: memref<32x196x128xi32, #tpu.memory_space<hbm>>, %arg5: memref<2x50400x32xf32, #tpu.memory_space<hbm>>, %arg6: memref<50400x32xf32, #tpu.memory_space<vmem_shared>>, %arg7: memref<14x128xi32, #tpu.memory_space<vmem>>, %arg8: memref<14x128xi32, #tpu.memory_space<vmem>>, %arg9: memref<128x32xf32, #tpu.memory_space<vmem>>, %arg10: memref<150x32xf32, #tpu.memory_space<vmem>>, %arg11: memref<!tpu.dma_semaphore, #tpu.memory_space<semaphore_mem>>) attributes {dimension_semantics = [#tpu.dimension_semantics<core_parallel>, #tpu.dimension_semantics<subcore_parallel>], iteration_bounds = array<i64: 2, 16>, scalar_prefetch = 0 : i64, scratch_operands = 6 : i64, tpu.core_type = #tpu.core_type<sc_vector_subcore>, window_params = [{transform_indices = #map}, {transform_indices = #map1}, {transform_indices = #map1}, {transform_indices = #map1}]} {
    %mul3A = arith.constant 16 : i32
    %mul3A_0 = arith.muli %arg0, %mul3A : i32
    %add3A = arith.addi %mul3A_0, %arg1 : i32
    %broadcast_in_dim3A = arith.constant 0.000000e+00 : f32
    %broadcast_in_dim3A_1 = vector.broadcast %broadcast_in_dim3A : f32 to vector<16xf32>
    %scan3A = arith.constant 0 : i32
    %scan3A_2 = arith.constant 150 : i32
    %scan3A_3 = arith.addi %scan3A, %scan3A_2 : i32
    %scan3A_4 = arith.constant 1 : i32
    scf.for %scan3A_19 = %scan3A to %scan3A_3 step %scan3A_4  : i32 {
      %mul3A_20 = arith.constant 1 : i32
      %mul3A_21 = arith.muli %scan3A_19, %mul3A_20 : i32
      %add3A_22 = arith.constant 0 : i32
      %add3A_23 = arith.addi %add3A_22, %mul3A_21 : i32
      %swap3A = arith.index_cast %add3A_23 : i32 to index
      %swap3A_24 = arith.constant 0 : index
      %swap3A_25 = tpu.vector_load %arg10[%swap3A, %swap3A_24] {strides = array<i32>} : memref<150x32xf32, #tpu.memory_space<vmem>>, vector<1x16xf32>,
      %swap3A_26 = vector.shape_cast %swap3A_25 : vector<1x16xf32> to vector<16xf32>
      %swap3A_27 = vector.shape_cast %broadcast_in_dim3A_1 : vector<16xf32> to vector<1x16xf32>
      tpu.vector_store %arg10[%swap3A, %swap3A_24], %swap3A_27 {strides = array<i32>} : memref<150x32xf32, #tpu.memory_space<vmem>>, vector<1x16xf32>,
      %swap3A_28 = arith.index_cast %add3A_23 : i32 to index
      %swap3A_29 = arith.constant 16 : index
      %swap3A_30 = tpu.vector_load %arg10[%swap3A_28, %swap3A_29] {strides = array<i32>} : memref<150x32xf32, #tpu.memory_space<vmem>>, vector<1x16xf32>,
      %swap3A_31 = vector.shape_cast %swap3A_30 : vector<1x16xf32> to vector<16xf32>
      %swap3A_32 = vector.shape_cast %broadcast_in_dim3A_1 : vector<16xf32> to vector<1x16xf32>
      tpu.vector_store %arg10[%swap3A_28, %swap3A_29], %swap3A_32 {strides = array<i32>} : memref<150x32xf32, #tpu.memory_space<vmem>>, vector<1x16xf32>,
    }
    %scan3A_5 = arith.constant 150 : i32
    %mul3A_6 = arith.constant 3150 : i32
    %mul3A_7 = arith.muli %arg1, %mul3A_6 : i32
    %scan3A_8 = arith.constant 0 : i32
    %scan3A_9 = arith.constant 21 : i32
    %scan3A_10 = arith.addi %scan3A_8, %scan3A_9 : i32
    %scan3A_11 = arith.constant 1 : i32
    scf.for %scan3A_19 = %scan3A_8 to %scan3A_10 step %scan3A_11  : i32 {
      %mul3A_20 = arith.constant 1 : i32
      %mul3A_21 = arith.muli %scan3A_19, %mul3A_20 : i32
      %add3A_22 = arith.constant 0 : i32
      %add3A_23 = arith.addi %add3A_22, %mul3A_21 : i32
      %mul3A_24 = arith.constant 150 : i32
      %mul3A_25 = arith.muli %add3A_23, %mul3A_24 : i32
      %add3A_26 = arith.addi %mul3A_7, %mul3A_25 : i32
      "tpu.region"() ({
        %run_scoped3A = tpu.sem_alloc : memref<!tpu.dma_semaphore, #tpu.memory_space<semaphore_mem>>
        %dma_start3A = arith.constant 0 : i32
        %dma_start3A_27 = tpu.memref_slice %arg6[%add3A_26, %dma_start3A] : memref<50400x32xf32, #tpu.memory_space<vmem_shared>> -> memref<150x32xf32, #tpu.memory_space<vmem_shared>>
        %dma_start3A_28 = arith.constant 0 : i32
        %dma_start3A_29 = tpu.memref_slice %arg6[%add3A_26, %dma_start3A_28] : memref<50400x32xf32, #tpu.memory_space<vmem_shared>> -> memref<150x32xf32, #tpu.memory_space<vmem_shared>>
        tpu.enqueue_dma source(%arg10 : memref<150x32xf32, #tpu.memory_space<vmem>>) target(%dma_start3A_29 : memref<150x32xf32, #tpu.memory_space<vmem_shared>>) target_semaphore(%run_scoped3A : memref<!tpu.dma_semaphore, #tpu.memory_space<semaphore_mem>>)
        %dma_wait3A = arith.constant 0 : i32
        %dma_wait3A_30 = tpu.memref_slice %arg6[%add3A_26, %dma_wait3A] : memref<50400x32xf32, #tpu.memory_space<vmem_shared>> -> memref<150x32xf32, #tpu.memory_space<vmem_shared>>
        %dma_wait3A_31 = arith.constant 0 : i32
        %dma_wait3A_32 = tpu.memref_slice %arg6[%add3A_26, %dma_wait3A_31] : memref<50400x32xf32, #tpu.memory_space<vmem_shared>> -> memref<150x32xf32, #tpu.memory_space<vmem_shared>>
        tpu.wait_dma2 semaphore(%run_scoped3A : memref<!tpu.dma_semaphore, #tpu.memory_space<semaphore_mem>>) src(%arg10 : memref<150x32xf32, #tpu.memory_space<vmem>>) dst(%dma_wait3A_32 : memref<150x32xf32, #tpu.memory_space<vmem_shared>>)
        tpu.yield
      }) : () -> ()
    }
    %scan3A_12 = arith.constant 21 : i32
    %barrier3A = arith.constant 0 : index
    tpu.barrier barrier_id(%barrier3A)
    %scan3A_13 = arith.constant 0 : i32
    %scan3A_14 = arith.constant 14 : i32
    %scan3A_15 = arith.addi %scan3A_13, %scan3A_14 : i32
    %scan3A_16 = arith.constant 1 : i32
    scf.for %scan3A_19 = %scan3A_13 to %scan3A_15 step %scan3A_16  : i32 {
      %mul3A_20 = arith.constant 1 : i32
      %mul3A_21 = arith.muli %scan3A_19, %mul3A_20 : i32
      %add3A_22 = arith.constant 0 : i32
      %add3A_23 = arith.addi %add3A_22, %mul3A_21 : i32
      %mul3A_24 = arith.constant 14 : i32
      %mul3A_25 = arith.muli %add3A_23, %mul3A_24 : i32
      "tpu.region"() ({
        %run_scoped3A = tpu.sem_alloc : memref<!tpu.dma_semaphore, #tpu.memory_space<semaphore_mem>>
        %dma_start3A = arith.constant 0 : i32
        %dma_start3A_33 = tpu.memref_slice %arg3[%add3A, %mul3A_25, %dma_start3A] : memref<32x196x128xi32, #tpu.memory_space<hbm>> -> memref<1x14x128xi32, #tpu.memory_space<hbm>>
        %dma_start3A_34 = tpu.memref_squeeze %dma_start3A_33 : memref<1x14x128xi32, #tpu.memory_space<hbm>> -> memref<14x128xi32, #tpu.memory_space<hbm>>
        %dma_start3A_35 = arith.constant 0 : i32
        %dma_start3A_36 = tpu.memref_slice %arg3[%add3A, %mul3A_25, %dma_start3A_35] : memref<32x196x128xi32, #tpu.memory_space<hbm>> -> memref<1x14x128xi32, #tpu.memory_space<hbm>>
        %dma_start3A_37 = tpu.memref_squeeze %dma_start3A_36 : memref<1x14x128xi32, #tpu.memory_space<hbm>> -> memref<14x128xi32, #tpu.memory_space<hbm>>
        tpu.enqueue_dma source(%dma_start3A_37 : memref<14x128xi32, #tpu.memory_space<hbm>>) target(%arg7 : memref<14x128xi32, #tpu.memory_space<vmem>>) target_semaphore(%run_scoped3A : memref<!tpu.dma_semaphore, #tpu.memory_space<semaphore_mem>>)
        %dma_wait3A = arith.constant 0 : i32
        %dma_wait3A_38 = tpu.memref_slice %arg3[%add3A, %mul3A_25, %dma_wait3A] : memref<32x196x128xi32, #tpu.memory_space<hbm>> -> memref<1x14x128xi32, #tpu.memory_space<hbm>>
        %dma_wait3A_39 = tpu.memref_squeeze %dma_wait3A_38 : memref<1x14x128xi32, #tpu.memory_space<hbm>> -> memref<14x128xi32, #tpu.memory_space<hbm>>
        %dma_wait3A_40 = arith.constant 0 : i32
        %dma_wait3A_41 = tpu.memref_slice %arg3[%add3A, %mul3A_25, %dma_wait3A_40] : memref<32x196x128xi32, #tpu.memory_space<hbm>> -> memref<1x14x128xi32, #tpu.memory_space<hbm>>
        %dma_wait3A_42 = tpu.memref_squeeze %dma_wait3A_41 : memref<1x14x128xi32, #tpu.memory_space<hbm>> -> memref<14x128xi32, #tpu.memory_space<hbm>>
        tpu.wait_dma2 semaphore(%run_scoped3A : memref<!tpu.dma_semaphore, #tpu.memory_space<semaphore_mem>>) src(%dma_wait3A_42 : memref<14x128xi32, #tpu.memory_space<hbm>>) dst(%arg7 : memref<14x128xi32, #tpu.memory_space<vmem>>)
        tpu.yield
      }) : () -> ()
      %mul3A_26 = arith.constant 14 : i32
      %mul3A_27 = arith.muli %add3A_23, %mul3A_26 : i32
      "tpu.region"() ({
        %run_scoped3A = tpu.sem_alloc : memref<!tpu.dma_semaphore, #tpu.memory_space<semaphore_mem>>
        %dma_start3A = arith.constant 0 : i32
        %dma_start3A_33 = tpu.memref_slice %arg4[%add3A, %mul3A_27, %dma_start3A] : memref<32x196x128xi32, #tpu.memory_space<hbm>> -> memref<1x14x128xi32, #tpu.memory_space<hbm>>
        %dma_start3A_34 = tpu.memref_squeeze %dma_start3A_33 : memref<1x14x128xi32, #tpu.memory_space<hbm>> -> memref<14x128xi32, #tpu.memory_space<hbm>>
        %dma_start3A_35 = arith.constant 0 : i32
        %dma_start3A_36 = tpu.memref_slice %arg4[%add3A, %mul3A_27, %dma_start3A_35] : memref<32x196x128xi32, #tpu.memory_space<hbm>> -> memref<1x14x128xi32, #tpu.memory_space<hbm>>
        %dma_start3A_37 = tpu.memref_squeeze %dma_start3A_36 : memref<1x14x128xi32, #tpu.memory_space<hbm>> -> memref<14x128xi32, #tpu.memory_space<hbm>>
        tpu.enqueue_dma source(%dma_start3A_37 : memref<14x128xi32, #tpu.memory_space<hbm>>) target(%arg8 : memref<14x128xi32, #tpu.memory_space<vmem>>) target_semaphore(%run_scoped3A : memref<!tpu.dma_semaphore, #tpu.memory_space<semaphore_mem>>)
        %dma_wait3A = arith.constant 0 : i32
        %dma_wait3A_38 = tpu.memref_slice %arg4[%add3A, %mul3A_27, %dma_wait3A] : memref<32x196x128xi32, #tpu.memory_space<hbm>> -> memref<1x14x128xi32, #tpu.memory_space<hbm>>
        %dma_wait3A_39 = tpu.memref_squeeze %dma_wait3A_38 : memref<1x14x128xi32, #tpu.memory_space<hbm>> -> memref<14x128xi32, #tpu.memory_space<hbm>>
        %dma_wait3A_40 = arith.constant 0 : i32
        %dma_wait3A_41 = tpu.memref_slice %arg4[%add3A, %mul3A_27, %dma_wait3A_40] : memref<32x196x128xi32, #tpu.memory_space<hbm>> -> memref<1x14x128xi32, #tpu.memory_space<hbm>>
        %dma_wait3A_42 = tpu.memref_squeeze %dma_wait3A_41 : memref<1x14x128xi32, #tpu.memory_space<hbm>> -> memref<14x128xi32, #tpu.memory_space<hbm>>
        tpu.wait_dma2 semaphore(%run_scoped3A : memref<!tpu.dma_semaphore, #tpu.memory_space<semaphore_mem>>) src(%dma_wait3A_42 : memref<14x128xi32, #tpu.memory_space<hbm>>) dst(%arg8 : memref<14x128xi32, #tpu.memory_space<vmem>>)
        tpu.yield
      }) : () -> ()
      %scan3A_28 = arith.constant 0 : i32
      %scan3A_29 = arith.constant 14 : i32
      %scan3A_30 = arith.addi %scan3A_28, %scan3A_29 : i32
      %scan3A_31 = arith.constant 1 : i32
      scf.for %scan3A_33 = %scan3A_28 to %scan3A_30 step %scan3A_31  : i32 {
        %mul3A_34 = arith.constant 1 : i32
        %mul3A_35 = arith.muli %scan3A_33, %mul3A_34 : i32
        %add3A_36 = arith.constant 0 : i32
        %add3A_37 = arith.addi %add3A_36, %mul3A_35 : i32
        %dma_start3A = arith.constant 0 : i32
        %dma_start3A_38 = tpu.memref_slice %arg7[%add3A_37, %dma_start3A] : memref<14x128xi32, #tpu.memory_space<vmem>> -> memref<1x128xi32, #tpu.memory_space<vmem>>
        %dma_start3A_39 = tpu.memref_squeeze %dma_start3A_38 : memref<1x128xi32, #tpu.memory_space<vmem>> -> memref<128xi32, #tpu.memory_space<vmem>>
        %dma_start3A_40 = arith.constant 0 : i32
        %dma_start3A_41 = arith.constant 0 : i32
        %dma_start3A_42 = tpu.memref_slice %arg2[%dma_start3A_40, %dma_start3A_41] : memref<50000x32xf32, #tpu.memory_space<hbm>> -> memref<50000x32xf32, #tpu.memory_space<hbm>>
        tpu.enqueue_indirect_dma source(%dma_start3A_42 : memref<50000x32xf32, #tpu.memory_space<hbm>>) target(%arg9 : memref<128x32xf32, #tpu.memory_space<vmem>>) offsets(%dma_start3A_39 : memref<128xi32, #tpu.memory_space<vmem>>) semaphore(%arg11 : memref<!tpu.dma_semaphore, #tpu.memory_space<semaphore_mem>>)
        %dma_wait3A = arith.constant 0 : i32
        %dma_wait3A_43 = tpu.memref_slice %arg7[%add3A_37, %dma_wait3A] : memref<14x128xi32, #tpu.memory_space<vmem>> -> memref<1x128xi32, #tpu.memory_space<vmem>>
        %dma_wait3A_44 = tpu.memref_squeeze %dma_wait3A_43 : memref<1x128xi32, #tpu.memory_space<vmem>> -> memref<128xi32, #tpu.memory_space<vmem>>
        %dma_wait3A_45 = arith.constant 0 : i32
        %dma_wait3A_46 = arith.constant 0 : i32
        %dma_wait3A_47 = tpu.memref_slice %arg2[%dma_wait3A_45, %dma_wait3A_46] : memref<50000x32xf32, #tpu.memory_space<hbm>> -> memref<50000x32xf32, #tpu.memory_space<hbm>>
        tpu.wait_indirect_dma semaphore(%arg11 : memref<!tpu.dma_semaphore, #tpu.memory_space<semaphore_mem>>) src(%dma_wait3A_47 : memref<50000x32xf32, #tpu.memory_space<hbm>>) dst(%arg9 : memref<128x32xf32, #tpu.memory_space<vmem>>)
        "tpu.region"() ({
          %run_scoped3A = tpu.sem_alloc : memref<!tpu.dma_semaphore, #tpu.memory_space<semaphore_mem>>
          %dma_start3A_48 = arith.constant 0 : i32
          %dma_start3A_49 = tpu.memref_slice %arg8[%add3A_37, %dma_start3A_48] : memref<14x128xi32, #tpu.memory_space<vmem>> -> memref<1x128xi32, #tpu.memory_space<vmem>>
          %dma_start3A_50 = tpu.memref_squeeze %dma_start3A_49 : memref<1x128xi32, #tpu.memory_space<vmem>> -> memref<128xi32, #tpu.memory_space<vmem>>
          %dma_start3A_51 = arith.constant 0 : i32
          %dma_start3A_52 = arith.constant 0 : i32
          %dma_start3A_53 = tpu.memref_slice %arg6[%dma_start3A_51, %dma_start3A_52] : memref<50400x32xf32, #tpu.memory_space<vmem_shared>> -> memref<50400x32xf32, #tpu.memory_space<vmem_shared>>
          tpu.enqueue_indirect_dma source(%arg9 : memref<128x32xf32, #tpu.memory_space<vmem>>) target(%dma_start3A_53 : memref<50400x32xf32, #tpu.memory_space<vmem_shared>>) offsets(%dma_start3A_50 : memref<128xi32, #tpu.memory_space<vmem>>) semaphore(%run_scoped3A : memref<!tpu.dma_semaphore, #tpu.memory_space<semaphore_mem>>) {add = true}
          %dma_wait3A_54 = arith.constant 0 : i32
          %dma_wait3A_55 = tpu.memref_slice %arg8[%add3A_37, %dma_wait3A_54] : memref<14x128xi32, #tpu.memory_space<vmem>> -> memref<1x128xi32, #tpu.memory_space<vmem>>
          %dma_wait3A_56 = tpu.memref_squeeze %dma_wait3A_55 : memref<1x128xi32, #tpu.memory_space<vmem>> -> memref<128xi32, #tpu.memory_space<vmem>>
          %dma_wait3A_57 = arith.constant 0 : i32
          %dma_wait3A_58 = arith.constant 0 : i32
          %dma_wait3A_59 = tpu.memref_slice %arg6[%dma_wait3A_57, %dma_wait3A_58] : memref<50400x32xf32, #tpu.memory_space<vmem_shared>> -> memref<50400x32xf32, #tpu.memory_space<vmem_shared>>
          tpu.wait_indirect_dma semaphore(%run_scoped3A : memref<!tpu.dma_semaphore, #tpu.memory_space<semaphore_mem>>) src(%arg9 : memref<128x32xf32, #tpu.memory_space<vmem>>) dst(%dma_wait3A_59 : memref<50400x32xf32, #tpu.memory_space<vmem_shared>>)
          tpu.yield
        }) : () -> ()
      }
      %scan3A_32 = arith.constant 14 : i32
    }
    %scan3A_17 = arith.constant 14 : i32
    %barrier3A_18 = arith.constant 0 : index
    tpu.barrier barrier_id(%barrier3A_18)
    "tpu.region"() ({
      %run_scoped3A = tpu.sem_alloc : memref<!tpu.dma_semaphore, #tpu.memory_space<semaphore_mem>>
      %dma_start3A = arith.constant 0 : i32
      %dma_start3A_19 = tpu.memref_slice %arg5[%arg0, %mul3A_7, %dma_start3A] : memref<2x50400x32xf32, #tpu.memory_space<hbm>> -> memref<1x3150x32xf32, #tpu.memory_space<hbm>>
      %dma_start3A_20 = tpu.memref_squeeze %dma_start3A_19 : memref<1x3150x32xf32, #tpu.memory_space<hbm>> -> memref<3150x32xf32, #tpu.memory_space<hbm>>
      %dma_start3A_21 = arith.constant 0 : i32
      %dma_start3A_22 = tpu.memref_slice %arg6[%mul3A_7, %dma_start3A_21] : memref<50400x32xf32, #tpu.memory_space<vmem_shared>> -> memref<3150x32xf32, #tpu.memory_space<vmem_shared>>
      tpu.enqueue_dma source(%dma_start3A_22 : memref<3150x32xf32, #tpu.memory_space<vmem_shared>>) target(%dma_start3A_20 : memref<3150x32xf32, #tpu.memory_space<hbm>>) target_semaphore(%run_scoped3A : memref<!tpu.dma_semaphore, #tpu.memory_space<semaphore_mem>>)
      %dma_wait3A = arith.constant 0 : i32
      %dma_wait3A_23 = tpu.memref_slice %arg5[%arg0, %mul3A_7, %dma_wait3A] : memref<2x50400x32xf32, #tpu.memory_space<hbm>> -> memref<1x3150x32xf32, #tpu.memory_space<hbm>>
      %dma_wait3A_24 = tpu.memref_squeeze %dma_wait3A_23 : memref<1x3150x32xf32, #tpu.memory_space<hbm>> -> memref<3150x32xf32, #tpu.memory_space<hbm>>
      %dma_wait3A_25 = arith.constant 0 : i32
      %dma_wait3A_26 = tpu.memref_slice %arg6[%mul3A_7, %dma_wait3A_25] : memref<50400x32xf32, #tpu.memory_space<vmem_shared>> -> memref<3150x32xf32, #tpu.memory_space<vmem_shared>>
      tpu.wait_dma2 semaphore(%run_scoped3A : memref<!tpu.dma_semaphore, #tpu.memory_space<semaphore_mem>>) src(%dma_wait3A_26 : memref<3150x32xf32, #tpu.memory_space<vmem_shared>>) dst(%dma_wait3A_24 : memref<3150x32xf32, #tpu.memory_space<hbm>>)
      tpu.yield
    }) : () -> ()
    return
  }
}

#map = affine_map<(d0, d1) -> (0, 0)>
module attributes {stable_mosaic.version = 14 : i64} {
  func.func @_gather_rows(%arg0: i32, %arg1: i32, %arg2: memref<50000x16xf32, #tpu.memory_space<hbm>>, %arg3: memref<32x128xi32, #tpu.memory_space<hbm>>, %arg4: memref<4096x16xf32, #tpu.memory_space<hbm>>, %arg5: memref<128xi32, #tpu.memory_space<vmem>>, %arg6: memref<128x16xf32, #tpu.memory_space<vmem>>, %arg7: memref<!tpu.dma_semaphore, #tpu.memory_space<semaphore_mem>>) attributes {dimension_semantics = [#tpu.dimension_semantics<core_parallel>, #tpu.dimension_semantics<subcore_parallel>], iteration_bounds = array<i64: 2, 16>, scalar_prefetch = 0 : i64, scratch_operands = 3 : i64, tpu.core_type = #tpu.core_type<sc_vector_subcore>, window_params = [{transform_indices = #map}, {transform_indices = #map}, {transform_indices = #map}]} {
    %mul3A = arith.constant 16 : i32
    %mul3A_0 = arith.muli %arg0, %mul3A : i32
    %add3A = arith.addi %mul3A_0, %arg1 : i32
    "tpu.region"() ({
      %run_scoped3A = tpu.sem_alloc : memref<!tpu.dma_semaphore, #tpu.memory_space<semaphore_mem>>
      %dma_start3A_7 = arith.constant 0 : i32
      %dma_start3A_8 = tpu.memref_slice %arg3[%add3A, %dma_start3A_7] : memref<32x128xi32, #tpu.memory_space<hbm>> -> memref<1x128xi32, #tpu.memory_space<hbm>>
      %dma_start3A_9 = tpu.memref_squeeze %dma_start3A_8 : memref<1x128xi32, #tpu.memory_space<hbm>> -> memref<128xi32, #tpu.memory_space<hbm>>
      %dma_start3A_10 = arith.constant 0 : i32
      %dma_start3A_11 = tpu.memref_slice %arg3[%add3A, %dma_start3A_10] : memref<32x128xi32, #tpu.memory_space<hbm>> -> memref<1x128xi32, #tpu.memory_space<hbm>>
      %dma_start3A_12 = tpu.memref_squeeze %dma_start3A_11 : memref<1x128xi32, #tpu.memory_space<hbm>> -> memref<128xi32, #tpu.memory_space<hbm>>
      tpu.enqueue_dma source(%dma_start3A_12 : memref<128xi32, #tpu.memory_space<hbm>>) target(%arg5 : memref<128xi32, #tpu.memory_space<vmem>>) target_semaphore(%run_scoped3A : memref<!tpu.dma_semaphore, #tpu.memory_space<semaphore_mem>>)
      %dma_wait3A_13 = arith.constant 0 : i32
      %dma_wait3A_14 = tpu.memref_slice %arg3[%add3A, %dma_wait3A_13] : memref<32x128xi32, #tpu.memory_space<hbm>> -> memref<1x128xi32, #tpu.memory_space<hbm>>
      %dma_wait3A_15 = tpu.memref_squeeze %dma_wait3A_14 : memref<1x128xi32, #tpu.memory_space<hbm>> -> memref<128xi32, #tpu.memory_space<hbm>>
      %dma_wait3A_16 = arith.constant 0 : i32
      %dma_wait3A_17 = tpu.memref_slice %arg3[%add3A, %dma_wait3A_16] : memref<32x128xi32, #tpu.memory_space<hbm>> -> memref<1x128xi32, #tpu.memory_space<hbm>>
      %dma_wait3A_18 = tpu.memref_squeeze %dma_wait3A_17 : memref<1x128xi32, #tpu.memory_space<hbm>> -> memref<128xi32, #tpu.memory_space<hbm>>
      tpu.wait_dma2 semaphore(%run_scoped3A : memref<!tpu.dma_semaphore, #tpu.memory_space<semaphore_mem>>) src(%dma_wait3A_18 : memref<128xi32, #tpu.memory_space<hbm>>) dst(%arg5 : memref<128xi32, #tpu.memory_space<vmem>>)
      tpu.yield
    }) : () -> ()
    %dma_start3A = arith.constant 0 : i32
    %dma_start3A_1 = arith.constant 0 : i32
    %dma_start3A_2 = tpu.memref_slice %arg2[%dma_start3A, %dma_start3A_1] : memref<50000x16xf32, #tpu.memory_space<hbm>> -> memref<50000x16xf32, #tpu.memory_space<hbm>>
    tpu.enqueue_indirect_dma source(%dma_start3A_2 : memref<50000x16xf32, #tpu.memory_space<hbm>>) target(%arg6 : memref<128x16xf32, #tpu.memory_space<vmem>>) offsets(%arg5 : memref<128xi32, #tpu.memory_space<vmem>>) semaphore(%arg7 : memref<!tpu.dma_semaphore, #tpu.memory_space<semaphore_mem>>)
    %dma_wait3A = arith.constant 0 : i32
    %dma_wait3A_3 = arith.constant 0 : i32
    %dma_wait3A_4 = tpu.memref_slice %arg2[%dma_wait3A, %dma_wait3A_3] : memref<50000x16xf32, #tpu.memory_space<hbm>> -> memref<50000x16xf32, #tpu.memory_space<hbm>>
    tpu.wait_indirect_dma semaphore(%arg7 : memref<!tpu.dma_semaphore, #tpu.memory_space<semaphore_mem>>) src(%dma_wait3A_4 : memref<50000x16xf32, #tpu.memory_space<hbm>>) dst(%arg6 : memref<128x16xf32, #tpu.memory_space<vmem>>)
    %mul3A_5 = arith.constant 128 : i32
    %mul3A_6 = arith.muli %add3A, %mul3A_5 : i32
    "tpu.region"() ({
      %run_scoped3A = tpu.sem_alloc : memref<!tpu.dma_semaphore, #tpu.memory_space<semaphore_mem>>
      %dma_start3A_7 = arith.constant 0 : i32
      %dma_start3A_8 = tpu.memref_slice %arg4[%mul3A_6, %dma_start3A_7] : memref<4096x16xf32, #tpu.memory_space<hbm>> -> memref<128x16xf32, #tpu.memory_space<hbm>>
      %dma_start3A_9 = arith.constant 0 : i32
      %dma_start3A_10 = tpu.memref_slice %arg4[%mul3A_6, %dma_start3A_9] : memref<4096x16xf32, #tpu.memory_space<hbm>> -> memref<128x16xf32, #tpu.memory_space<hbm>>
      tpu.enqueue_dma source(%arg6 : memref<128x16xf32, #tpu.memory_space<vmem>>) target(%dma_start3A_10 : memref<128x16xf32, #tpu.memory_space<hbm>>) target_semaphore(%run_scoped3A : memref<!tpu.dma_semaphore, #tpu.memory_space<semaphore_mem>>)
      %dma_wait3A_11 = arith.constant 0 : i32
      %dma_wait3A_12 = tpu.memref_slice %arg4[%mul3A_6, %dma_wait3A_11] : memref<4096x16xf32, #tpu.memory_space<hbm>> -> memref<128x16xf32, #tpu.memory_space<hbm>>
      %dma_wait3A_13 = arith.constant 0 : i32
      %dma_wait3A_14 = tpu.memref_slice %arg4[%mul3A_6, %dma_wait3A_13] : memref<4096x16xf32, #tpu.memory_space<hbm>> -> memref<128x16xf32, #tpu.memory_space<hbm>>
      tpu.wait_dma2 semaphore(%run_scoped3A : memref<!tpu.dma_semaphore, #tpu.memory_space<semaphore_mem>>) src(%arg6 : memref<128x16xf32, #tpu.memory_space<vmem>>) dst(%dma_wait3A_14 : memref<128x16xf32, #tpu.memory_space<hbm>>)
      tpu.yield
    }) : () -> ()
    return
  }
}

module attributes {stable_mosaic.version = 14 : i64} {
  func.func @_tc1_body(%arg0: i32, %arg1: memref<2000x16xf32, #tpu.memory_space<vmem>>, %arg2: memref<2000x16xf32, #tpu.memory_space<vmem>>, %arg3: memref<2000x16xf32, #tpu.memory_space<vmem>>, %arg4: memref<16x32xf32, #tpu.memory_space<vmem>>, %arg5: memref<16x32xf32, #tpu.memory_space<vmem>>, %arg6: memref<2000x32xf32, #tpu.memory_space<vmem>>, %arg7: memref<2000x1xf32, #tpu.memory_space<vmem>>) attributes {dimension_semantics = [#tpu.dimension_semantics<arbitrary>], iteration_bounds = array<i64: 25>, scalar_prefetch = 0 : i64, scratch_operands = 0 : i64, tpu.core_type = #tpu.core_type<tc>, window_params = [{transform_indices = @transform_0, window_bounds = array<i64: 2000, 16>}, {transform_indices = @transform_1, window_bounds = array<i64: 2000, 16>}, {transform_indices = @transform_2, window_bounds = array<i64: 2000, 16>}, {pipeline_mode = #tpu.pipeline_mode<synchronous>, transform_indices = @transform_3, window_bounds = array<i64: 16, 32>}, {pipeline_mode = #tpu.pipeline_mode<synchronous>, transform_indices = @transform_4, window_bounds = array<i64: 16, 32>}, {transform_indices = @transform_5, window_bounds = array<i64: 2000, 32>}, {transform_indices = @transform_6, window_bounds = array<i64: 2000, 1>}]} {
    %get3A = arith.constant 0 : index
    %get3A_0 = arith.constant 0 : index
    %get3A_1 = vector.load %arg2[%get3A, %get3A_0] : memref<2000x16xf32, #tpu.memory_space<vmem>>, vector<2000x16xf32>
    %get3A_2 = arith.constant 0 : index
    %get3A_3 = arith.constant 0 : index
    %get3A_4 = vector.load %arg3[%get3A_2, %get3A_3] : memref<2000x16xf32, #tpu.memory_space<vmem>>, vector<2000x16xf32>
    %add3A = arith.addf %get3A_1, %get3A_4 : vector<2000x16xf32>
    %slice3A = vector.extract_strided_slice %add3A {offsets = [0, 3], sizes = [2000, 1], strides = [1, 1]} : vector<2000x16xf32> to vector<2000x1xf32>
    %add3A_5 = arith.constant 1.000000e+00 : f32
    %add3A_6 = vector.broadcast %add3A_5 : f32 to vector<2000x1xf32>
    %add3A_7 = arith.addf %slice3A, %add3A_6 : vector<2000x1xf32>
    %div3A = arith.constant 1.000000e+00 : f32
    %div3A_8 = vector.broadcast %div3A : f32 to vector<2000x1xf32>
    %div3A_9 = arith.divf %div3A_8, %add3A_7 : vector<2000x1xf32>
    %get3A_10 = arith.constant 0 : index
    %get3A_11 = arith.constant 0 : index
    %get3A_12 = vector.load %arg1[%get3A_10, %get3A_11] : memref<2000x16xf32, #tpu.memory_space<vmem>>, vector<2000x16xf32>
    %add3A_13 = arith.addf %add3A, %get3A_12 : vector<2000x16xf32>
    %mul3A = vector.broadcast %div3A_9 : vector<2000x1xf32> to vector<2000x16xf32>
    %mul3A_14 = arith.mulf %add3A_13, %mul3A : vector<2000x16xf32>
    %get3A_15 = arith.constant 0 : index
    %get3A_16 = arith.constant 0 : index
    %get3A_17 = vector.load %arg1[%get3A_15, %get3A_16] : memref<2000x16xf32, #tpu.memory_space<vmem>>, vector<2000x16xf32>
    %get3A_18 = arith.constant 0 : index
    %get3A_19 = arith.constant 0 : index
    %get3A_20 = vector.load %arg4[%get3A_18, %get3A_19] : memref<16x32xf32, #tpu.memory_space<vmem>>, vector<16x32xf32>
    %dot_general3A = arith.constant dense<0.000000e+00> : vector<2000x32xf32>
    %dot_general3A_21 = tpu.matmul %get3A_17, %get3A_20, %dot_general3A {dimension_numbers = #tpu.dot_dimension_numbers<[1], [0], [0], [1], [0, 0, 1, 1], [], []>, transpose_lhs_hint = false} : vector<2000x16xf32>, vector<16x32xf32>, vector<2000x32xf32> -> vector<2000x32xf32>
    %get3A_22 = arith.constant 0 : index
    %get3A_23 = arith.constant 0 : index
    %get3A_24 = vector.load %arg5[%get3A_22, %get3A_23] : memref<16x32xf32, #tpu.memory_space<vmem>>, vector<16x32xf32>
    %dot_general3A_25 = arith.constant dense<0.000000e+00> : vector<2000x32xf32>
    %dot_general3A_26 = tpu.matmul %mul3A_14, %get3A_24, %dot_general3A_25 {dimension_numbers = #tpu.dot_dimension_numbers<[1], [0], [0], [1], [0, 0, 1, 1], [], []>, transpose_lhs_hint = false} : vector<2000x16xf32>, vector<16x32xf32>, vector<2000x32xf32> -> vector<2000x32xf32>
    %add3A_27 = arith.addf %dot_general3A_21, %dot_general3A_26 : vector<2000x32xf32>
    %max3A = arith.constant 0.000000e+00 : f32
    %max3A_28 = vector.broadcast %max3A : f32 to vector<2000x32xf32>
    %max3A_29 = arith.maximumf %add3A_27, %max3A_28 : vector<2000x32xf32>
    %swap3A = arith.constant 0 : index
    %swap3A_30 = arith.constant 0 : index
    %swap3A_31 = vector.load %arg6[%swap3A, %swap3A_30] : memref<2000x32xf32, #tpu.memory_space<vmem>>, vector<2000x32xf32>
    tpu.vector_store %arg6[%swap3A, %swap3A_30], %max3A_29 {strides = array<i32>} : memref<2000x32xf32, #tpu.memory_space<vmem>>, vector<2000x32xf32>,
    %swap3A_32 = arith.constant 0 : index
    %swap3A_33 = arith.constant 0 : index
    %swap3A_34 = vector.load %arg7[%swap3A_32, %swap3A_33] : memref<2000x1xf32, #tpu.memory_space<vmem>>, vector<2000x1xf32>
    tpu.vector_store %arg7[%swap3A_32, %swap3A_33], %div3A_9 {strides = array<i32>} : memref<2000x1xf32, #tpu.memory_space<vmem>>, vector<2000x1xf32>,
    return
  }
  func.func @transform_0(%arg0: i32) -> (i32, i32) {
    %c0_i32 = arith.constant 0 : i32
    %c0_i32_0 = arith.constant 0 : i32
    return %arg0, %c0_i32 : i32, i32
  }
  func.func @transform_1(%arg0: i32) -> (i32, i32) {
    %c0_i32 = arith.constant 0 : i32
    %c0_i32_0 = arith.constant 0 : i32
    return %arg0, %c0_i32 : i32, i32
  }
  func.func @transform_2(%arg0: i32) -> (i32, i32) {
    %c0_i32 = arith.constant 0 : i32
    %c0_i32_0 = arith.constant 0 : i32
    return %arg0, %c0_i32 : i32, i32
  }
  func.func @transform_3(%arg0: i32) -> (i32, i32) {
    %c0_i32 = arith.constant 0 : i32
    %c0_i32_0 = arith.constant 0 : i32
    %c0_i32_1 = arith.constant 0 : i32
    return %c0_i32, %c0_i32_0 : i32, i32
  }
  func.func @transform_4(%arg0: i32) -> (i32, i32) {
    %c0_i32 = arith.constant 0 : i32
    %c0_i32_0 = arith.constant 0 : i32
    %c0_i32_1 = arith.constant 0 : i32
    return %c0_i32, %c0_i32_0 : i32, i32
  }
  func.func @transform_5(%arg0: i32) -> (i32, i32) {
    %c0_i32 = arith.constant 0 : i32
    %c0_i32_0 = arith.constant 0 : i32
    return %arg0, %c0_i32 : i32, i32
  }
  func.func @transform_6(%arg0: i32) -> (i32, i32) {
    %c0_i32 = arith.constant 0 : i32
    %c0_i32_0 = arith.constant 0 : i32
    return %arg0, %c0_i32 : i32, i32
  }
}

module attributes {stable_mosaic.version = 14 : i64} {
  func.func @_tc2_body(%arg0: i32, %arg1: memref<2000x32xf32, #tpu.memory_space<vmem>>, %arg2: memref<2000x32xf32, #tpu.memory_space<vmem>>, %arg3: memref<2000x32xf32, #tpu.memory_space<vmem>>, %arg4: memref<2000x1xf32, #tpu.memory_space<vmem>>, %arg5: memref<32x64xf32, #tpu.memory_space<vmem>>, %arg6: memref<32x64xf32, #tpu.memory_space<vmem>>, %arg7: memref<2000x32xf32, #tpu.memory_space<vmem>>, %arg8: memref<2000x32xf32, #tpu.memory_space<vmem>>) attributes {dimension_semantics = [#tpu.dimension_semantics<arbitrary>], iteration_bounds = array<i64: 25>, scalar_prefetch = 0 : i64, scratch_operands = 0 : i64, tpu.core_type = #tpu.core_type<tc>, window_params = [{transform_indices = @transform_0, window_bounds = array<i64: 2000, 32>}, {transform_indices = @transform_1, window_bounds = array<i64: 2000, 32>}, {transform_indices = @transform_2, window_bounds = array<i64: 2000, 32>}, {transform_indices = @transform_3, window_bounds = array<i64: 2000, 1>}, {pipeline_mode = #tpu.pipeline_mode<synchronous>, transform_indices = @transform_4, window_bounds = array<i64: 32, 64>}, {pipeline_mode = #tpu.pipeline_mode<synchronous>, transform_indices = @transform_5, window_bounds = array<i64: 32, 64>}, {transform_indices = @transform_6, window_bounds = array<i64: 2000, 32>}, {transform_indices = @transform_7, window_bounds = array<i64: 2000, 32>}]} {
    %get3A = arith.constant 0 : index
    %get3A_0 = arith.constant 0 : index
    %get3A_1 = vector.load %arg2[%get3A, %get3A_0] : memref<2000x32xf32, #tpu.memory_space<vmem>>, vector<2000x32xf32>
    %get3A_2 = arith.constant 0 : index
    %get3A_3 = arith.constant 0 : index
    %get3A_4 = vector.load %arg3[%get3A_2, %get3A_3] : memref<2000x32xf32, #tpu.memory_space<vmem>>, vector<2000x32xf32>
    %add3A = arith.addf %get3A_1, %get3A_4 : vector<2000x32xf32>
    %get3A_5 = arith.constant 0 : index
    %get3A_6 = arith.constant 0 : index
    %get3A_7 = vector.load %arg1[%get3A_5, %get3A_6] : memref<2000x32xf32, #tpu.memory_space<vmem>>, vector<2000x32xf32>
    %add3A_8 = arith.addf %add3A, %get3A_7 : vector<2000x32xf32>
    %get3A_9 = arith.constant 0 : index
    %get3A_10 = arith.constant 0 : index
    %get3A_11 = vector.load %arg4[%get3A_9, %get3A_10] : memref<2000x1xf32, #tpu.memory_space<vmem>>, vector<2000x1xf32>
    %mul3A = vector.broadcast %get3A_11 : vector<2000x1xf32> to vector<2000x32xf32>
    %mul3A_12 = arith.mulf %add3A_8, %mul3A : vector<2000x32xf32>
    %get3A_13 = arith.constant 0 : index
    %get3A_14 = arith.constant 0 : index
    %get3A_15 = vector.load %arg1[%get3A_13, %get3A_14] : memref<2000x32xf32, #tpu.memory_space<vmem>>, vector<2000x32xf32>
    %get3A_16 = arith.constant 0 : index
    %get3A_17 = arith.constant 0 : index
    %get3A_18 = vector.load %arg5[%get3A_16, %get3A_17] : memref<32x64xf32, #tpu.memory_space<vmem>>, vector<32x64xf32>
    %dot_general3A = arith.constant dense<0.000000e+00> : vector<2000x64xf32>
    %dot_general3A_19 = tpu.matmul %get3A_15, %get3A_18, %dot_general3A {dimension_numbers = #tpu.dot_dimension_numbers<[1], [0], [0], [1], [0, 0, 1, 1], [], []>, transpose_lhs_hint = false} : vector<2000x32xf32>, vector<32x64xf32>, vector<2000x64xf32> -> vector<2000x64xf32>
    %get3A_20 = arith.constant 0 : index
    %get3A_21 = arith.constant 0 : index
    %get3A_22 = vector.load %arg6[%get3A_20, %get3A_21] : memref<32x64xf32, #tpu.memory_space<vmem>>, vector<32x64xf32>
    %dot_general3A_23 = arith.constant dense<0.000000e+00> : vector<2000x64xf32>
    %dot_general3A_24 = tpu.matmul %mul3A_12, %get3A_22, %dot_general3A_23 {dimension_numbers = #tpu.dot_dimension_numbers<[1], [0], [0], [1], [0, 0, 1, 1], [], []>, transpose_lhs_hint = false} : vector<2000x32xf32>, vector<32x64xf32>, vector<2000x64xf32> -> vector<2000x64xf32>
    %add3A_25 = arith.addf %dot_general3A_19, %dot_general3A_24 : vector<2000x64xf32>
    %max3A = arith.constant 0.000000e+00 : f32
    %max3A_26 = vector.broadcast %max3A : f32 to vector<2000x64xf32>
    %max3A_27 = arith.maximumf %add3A_25, %max3A_26 : vector<2000x64xf32>
    %slice3A = vector.extract_strided_slice %max3A_27 {offsets = [0, 0], sizes = [2000, 32], strides = [1, 1]} : vector<2000x64xf32> to vector<2000x32xf32>
    %swap3A = arith.constant 0 : index
    %swap3A_28 = arith.constant 0 : index
    %swap3A_29 = vector.load %arg7[%swap3A, %swap3A_28] : memref<2000x32xf32, #tpu.memory_space<vmem>>, vector<2000x32xf32>
    tpu.vector_store %arg7[%swap3A, %swap3A_28], %slice3A {strides = array<i32>} : memref<2000x32xf32, #tpu.memory_space<vmem>>, vector<2000x32xf32>,
    %slice3A_30 = vector.extract_strided_slice %max3A_27 {offsets = [0, 32], sizes = [2000, 32], strides = [1, 1]} : vector<2000x64xf32> to vector<2000x32xf32>
    %swap3A_31 = arith.constant 0 : index
    %swap3A_32 = arith.constant 0 : index
    %swap3A_33 = vector.load %arg8[%swap3A_31, %swap3A_32] : memref<2000x32xf32, #tpu.memory_space<vmem>>, vector<2000x32xf32>
    tpu.vector_store %arg8[%swap3A_31, %swap3A_32], %slice3A_30 {strides = array<i32>} : memref<2000x32xf32, #tpu.memory_space<vmem>>, vector<2000x32xf32>,
    return
  }
  func.func @transform_0(%arg0: i32) -> (i32, i32) {
    %c0_i32 = arith.constant 0 : i32
    %c0_i32_0 = arith.constant 0 : i32
    return %arg0, %c0_i32 : i32, i32
  }
  func.func @transform_1(%arg0: i32) -> (i32, i32) {
    %c0_i32 = arith.constant 0 : i32
    %c0_i32_0 = arith.constant 0 : i32
    return %arg0, %c0_i32 : i32, i32
  }
  func.func @transform_2(%arg0: i32) -> (i32, i32) {
    %c0_i32 = arith.constant 0 : i32
    %c0_i32_0 = arith.constant 0 : i32
    return %arg0, %c0_i32 : i32, i32
  }
  func.func @transform_3(%arg0: i32) -> (i32, i32) {
    %c0_i32 = arith.constant 0 : i32
    %c0_i32_0 = arith.constant 0 : i32
    return %arg0, %c0_i32 : i32, i32
  }
  func.func @transform_4(%arg0: i32) -> (i32, i32) {
    %c0_i32 = arith.constant 0 : i32
    %c0_i32_0 = arith.constant 0 : i32
    %c0_i32_1 = arith.constant 0 : i32
    return %c0_i32, %c0_i32_0 : i32, i32
  }
  func.func @transform_5(%arg0: i32) -> (i32, i32) {
    %c0_i32 = arith.constant 0 : i32
    %c0_i32_0 = arith.constant 0 : i32
    %c0_i32_1 = arith.constant 0 : i32
    return %c0_i32, %c0_i32_0 : i32, i32
  }
  func.func @transform_6(%arg0: i32) -> (i32, i32) {
    %c0_i32 = arith.constant 0 : i32
    %c0_i32_0 = arith.constant 0 : i32
    return %arg0, %c0_i32 : i32, i32
  }
  func.func @transform_7(%arg0: i32) -> (i32, i32) {
    %c0_i32 = arith.constant 0 : i32
    %c0_i32_0 = arith.constant 0 : i32
    return %arg0, %c0_i32 : i32, i32
  }
}

module attributes {stable_mosaic.version = 14 : i64} {
  func.func @_tc3_body(%arg0: i32, %arg1: memref<2000x32xf32, #tpu.memory_space<vmem>>, %arg2: memref<2000x32xf32, #tpu.memory_space<vmem>>, %arg3: memref<2000x32xf32, #tpu.memory_space<vmem>>, %arg4: memref<2000x32xf32, #tpu.memory_space<vmem>>, %arg5: memref<2000x32xf32, #tpu.memory_space<vmem>>, %arg6: memref<2000x32xf32, #tpu.memory_space<vmem>>, %arg7: memref<2000x1xf32, #tpu.memory_space<vmem>>, %arg8: memref<128x64xf32, #tpu.memory_space<vmem>>, %arg9: memref<2000x32xf32, #tpu.memory_space<vmem>>, %arg10: memref<2000x32xf32, #tpu.memory_space<vmem>>) attributes {dimension_semantics = [#tpu.dimension_semantics<arbitrary>], iteration_bounds = array<i64: 25>, scalar_prefetch = 0 : i64, scratch_operands = 0 : i64, tpu.core_type = #tpu.core_type<tc>, window_params = [{transform_indices = @transform_0, window_bounds = array<i64: 2000, 32>}, {transform_indices = @transform_1, window_bounds = array<i64: 2000, 32>}, {transform_indices = @transform_2, window_bounds = array<i64: 2000, 32>}, {transform_indices = @transform_3, window_bounds = array<i64: 2000, 32>}, {transform_indices = @transform_4, window_bounds = array<i64: 2000, 32>}, {transform_indices = @transform_5, window_bounds = array<i64: 2000, 32>}, {transform_indices = @transform_6, window_bounds = array<i64: 2000, 1>}, {pipeline_mode = #tpu.pipeline_mode<synchronous>, transform_indices = @transform_7, window_bounds = array<i64: 128, 64>}, {transform_indices = @transform_8, window_bounds = array<i64: 2000, 32>}, {transform_indices = @transform_9, window_bounds = array<i64: 2000, 32>}]} {
    %get3A = arith.constant 0 : index
    %get3A_0 = arith.constant 0 : index
    %get3A_1 = vector.load %arg7[%get3A, %get3A_0] : memref<2000x1xf32, #tpu.memory_space<vmem>>, vector<2000x1xf32>
    %get3A_2 = arith.constant 0 : index
    %get3A_3 = arith.constant 0 : index
    %get3A_4 = vector.load %arg8[%get3A_2, %get3A_3] : memref<128x64xf32, #tpu.memory_space<vmem>>, vector<128x64xf32>
    %get3A_5 = arith.constant 0 : index
    %get3A_6 = arith.constant 0 : index
    %get3A_7 = vector.load %arg3[%get3A_5, %get3A_6] : memref<2000x32xf32, #tpu.memory_space<vmem>>, vector<2000x32xf32>
    %get3A_8 = arith.constant 0 : index
    %get3A_9 = arith.constant 0 : index
    %get3A_10 = vector.load %arg4[%get3A_8, %get3A_9] : memref<2000x32xf32, #tpu.memory_space<vmem>>, vector<2000x32xf32>
    %add3A = arith.addf %get3A_7, %get3A_10 : vector<2000x32xf32>
    %get3A_11 = arith.constant 0 : index
    %get3A_12 = arith.constant 0 : index
    %get3A_13 = vector.load %arg1[%get3A_11, %get3A_12] : memref<2000x32xf32, #tpu.memory_space<vmem>>, vector<2000x32xf32>
    %add3A_14 = arith.addf %add3A, %get3A_13 : vector<2000x32xf32>
    %mul3A = vector.broadcast %get3A_1 : vector<2000x1xf32> to vector<2000x32xf32>
    %mul3A_15 = arith.mulf %add3A_14, %mul3A : vector<2000x32xf32>
    %get3A_16 = arith.constant 0 : index
    %get3A_17 = arith.constant 0 : index
    %get3A_18 = vector.load %arg5[%get3A_16, %get3A_17] : memref<2000x32xf32, #tpu.memory_space<vmem>>, vector<2000x32xf32>
    %get3A_19 = arith.constant 0 : index
    %get3A_20 = arith.constant 0 : index
    %get3A_21 = vector.load %arg6[%get3A_19, %get3A_20] : memref<2000x32xf32, #tpu.memory_space<vmem>>, vector<2000x32xf32>
    %add3A_22 = arith.addf %get3A_18, %get3A_21 : vector<2000x32xf32>
    %get3A_23 = arith.constant 0 : index
    %get3A_24 = arith.constant 0 : index
    %get3A_25 = vector.load %arg2[%get3A_23, %get3A_24] : memref<2000x32xf32, #tpu.memory_space<vmem>>, vector<2000x32xf32>
    %add3A_26 = arith.addf %add3A_22, %get3A_25 : vector<2000x32xf32>
    %mul3A_27 = vector.broadcast %get3A_1 : vector<2000x1xf32> to vector<2000x32xf32>
    %mul3A_28 = arith.mulf %add3A_26, %mul3A_27 : vector<2000x32xf32>
    %get3A_29 = arith.constant 0 : index
    %get3A_30 = arith.constant 0 : index
    %get3A_31 = vector.load %arg1[%get3A_29, %get3A_30] : memref<2000x32xf32, #tpu.memory_space<vmem>>, vector<2000x32xf32>
    %slice3A = vector.extract_strided_slice %get3A_4 {offsets = [0, 0], sizes = [32, 64], strides = [1, 1]} : vector<128x64xf32> to vector<32x64xf32>
    %dot_general3A = arith.constant dense<0.000000e+00> : vector<2000x64xf32>
    %dot_general3A_32 = tpu.matmul %get3A_31, %slice3A, %dot_general3A {dimension_numbers = #tpu.dot_dimension_numbers<[1], [0], [0], [1], [0, 0, 1, 1], [], []>, transpose_lhs_hint = false} : vector<2000x32xf32>, vector<32x64xf32>, vector<2000x64xf32> -> vector<2000x64xf32>
    %get3A_33 = arith.constant 0 : index
    %get3A_34 = arith.constant 0 : index
    %get3A_35 = vector.load %arg2[%get3A_33, %get3A_34] : memref<2000x32xf32, #tpu.memory_space<vmem>>, vector<2000x32xf32>
    %slice3A_36 = vector.extract_strided_slice %get3A_4 {offsets = [32, 0], sizes = [32, 64], strides = [1, 1]} : vector<128x64xf32> to vector<32x64xf32>
    %dot_general3A_37 = arith.constant dense<0.000000e+00> : vector<2000x64xf32>
    %dot_general3A_38 = tpu.matmul %get3A_35, %slice3A_36, %dot_general3A_37 {dimension_numbers = #tpu.dot_dimension_numbers<[1], [0], [0], [1], [0, 0, 1, 1], [], []>, transpose_lhs_hint = false} : vector<2000x32xf32>, vector<32x64xf32>, vector<2000x64xf32> -> vector<2000x64xf32>
    %add3A_39 = arith.addf %dot_general3A_32, %dot_general3A_38 : vector<2000x64xf32>
    %slice3A_40 = vector.extract_strided_slice %get3A_4 {offsets = [64, 0], sizes = [32, 64], strides = [1, 1]} : vector<128x64xf32> to vector<32x64xf32>
    %dot_general3A_41 = arith.constant dense<0.000000e+00> : vector<2000x64xf32>
    %dot_general3A_42 = tpu.matmul %mul3A_15, %slice3A_40, %dot_general3A_41 {dimension_numbers = #tpu.dot_dimension_numbers<[1], [0], [0], [1], [0, 0, 1, 1], [], []>, transpose_lhs_hint = false} : vector<2000x32xf32>, vector<32x64xf32>, vector<2000x64xf32> -> vector<2000x64xf32>
    %add3A_43 = arith.addf %add3A_39, %dot_general3A_42 : vector<2000x64xf32>
    %slice3A_44 = vector.extract_strided_slice %get3A_4 {offsets = [96, 0], sizes = [32, 64], strides = [1, 1]} : vector<128x64xf32> to vector<32x64xf32>
    %dot_general3A_45 = arith.constant dense<0.000000e+00> : vector<2000x64xf32>
    %dot_general3A_46 = tpu.matmul %mul3A_28, %slice3A_44, %dot_general3A_45 {dimension_numbers = #tpu.dot_dimension_numbers<[1], [0], [0], [1], [0, 0, 1, 1], [], []>, transpose_lhs_hint = false} : vector<2000x32xf32>, vector<32x64xf32>, vector<2000x64xf32> -> vector<2000x64xf32>
    %add3A_47 = arith.addf %add3A_43, %dot_general3A_46 : vector<2000x64xf32>
    %max3A = arith.constant 0.000000e+00 : f32
    %max3A_48 = vector.broadcast %max3A : f32 to vector<2000x64xf32>
    %max3A_49 = arith.maximumf %add3A_47, %max3A_48 : vector<2000x64xf32>
    %slice3A_50 = vector.extract_strided_slice %max3A_49 {offsets = [0, 0], sizes = [2000, 32], strides = [1, 1]} : vector<2000x64xf32> to vector<2000x32xf32>
    %swap3A = arith.constant 0 : index
    %swap3A_51 = arith.constant 0 : index
    %swap3A_52 = vector.load %arg9[%swap3A, %swap3A_51] : memref<2000x32xf32, #tpu.memory_space<vmem>>, vector<2000x32xf32>
    tpu.vector_store %arg9[%swap3A, %swap3A_51], %slice3A_50 {strides = array<i32>} : memref<2000x32xf32, #tpu.memory_space<vmem>>, vector<2000x32xf32>,
    %slice3A_53 = vector.extract_strided_slice %max3A_49 {offsets = [0, 32], sizes = [2000, 32], strides = [1, 1]} : vector<2000x64xf32> to vector<2000x32xf32>
    %swap3A_54 = arith.constant 0 : index
    %swap3A_55 = arith.constant 0 : index
    %swap3A_56 = vector.load %arg10[%swap3A_54, %swap3A_55] : memref<2000x32xf32, #tpu.memory_space<vmem>>, vector<2000x32xf32>
    tpu.vector_store %arg10[%swap3A_54, %swap3A_55], %slice3A_53 {strides = array<i32>} : memref<2000x32xf32, #tpu.memory_space<vmem>>, vector<2000x32xf32>,
    return
  }
  func.func @transform_0(%arg0: i32) -> (i32, i32) {
    %c0_i32 = arith.constant 0 : i32
    %c0_i32_0 = arith.constant 0 : i32
    return %arg0, %c0_i32 : i32, i32
  }
  func.func @transform_1(%arg0: i32) -> (i32, i32) {
    %c0_i32 = arith.constant 0 : i32
    %c0_i32_0 = arith.constant 0 : i32
    return %arg0, %c0_i32 : i32, i32
  }
  func.func @transform_2(%arg0: i32) -> (i32, i32) {
    %c0_i32 = arith.constant 0 : i32
    %c0_i32_0 = arith.constant 0 : i32
    return %arg0, %c0_i32 : i32, i32
  }
  func.func @transform_3(%arg0: i32) -> (i32, i32) {
    %c0_i32 = arith.constant 0 : i32
    %c0_i32_0 = arith.constant 0 : i32
    return %arg0, %c0_i32 : i32, i32
  }
  func.func @transform_4(%arg0: i32) -> (i32, i32) {
    %c0_i32 = arith.constant 0 : i32
    %c0_i32_0 = arith.constant 0 : i32
    return %arg0, %c0_i32 : i32, i32
  }
  func.func @transform_5(%arg0: i32) -> (i32, i32) {
    %c0_i32 = arith.constant 0 : i32
    %c0_i32_0 = arith.constant 0 : i32
    return %arg0, %c0_i32 : i32, i32
  }
  func.func @transform_6(%arg0: i32) -> (i32, i32) {
    %c0_i32 = arith.constant 0 : i32
    %c0_i32_0 = arith.constant 0 : i32
    return %arg0, %c0_i32 : i32, i32
  }
  func.func @transform_7(%arg0: i32) -> (i32, i32) {
    %c0_i32 = arith.constant 0 : i32
    %c0_i32_0 = arith.constant 0 : i32
    %c0_i32_1 = arith.constant 0 : i32
    return %c0_i32, %c0_i32_0 : i32, i32
  }
  func.func @transform_8(%arg0: i32) -> (i32, i32) {
    %c0_i32 = arith.constant 0 : i32
    %c0_i32_0 = arith.constant 0 : i32
    return %arg0, %c0_i32 : i32, i32
  }
  func.func @transform_9(%arg0: i32) -> (i32, i32) {
    %c0_i32 = arith.constant 0 : i32
    %c0_i32_0 = arith.constant 0 : i32
    return %arg0, %c0_i32 : i32, i32
  }
}

module attributes {stable_mosaic.version = 14 : i64} {
  func.func @_tc4_body(%arg0: i32, %arg1: memref<2000x32xf32, #tpu.memory_space<vmem>>, %arg2: memref<2000x32xf32, #tpu.memory_space<vmem>>, %arg3: memref<2000x32xf32, #tpu.memory_space<vmem>>, %arg4: memref<2000x32xf32, #tpu.memory_space<vmem>>, %arg5: memref<2000x32xf32, #tpu.memory_space<vmem>>, %arg6: memref<2000x32xf32, #tpu.memory_space<vmem>>, %arg7: memref<2000x1xf32, #tpu.memory_space<vmem>>, %arg8: memref<128x32xf32, #tpu.memory_space<vmem>>, %arg9: memref<32x16xf32, #tpu.memory_space<vmem>>, %arg10: memref<2000x16xf32, #tpu.memory_space<vmem>>) attributes {dimension_semantics = [#tpu.dimension_semantics<arbitrary>], iteration_bounds = array<i64: 25>, scalar_prefetch = 0 : i64, scratch_operands = 0 : i64, tpu.core_type = #tpu.core_type<tc>, window_params = [{transform_indices = @transform_0, window_bounds = array<i64: 2000, 32>}, {transform_indices = @transform_1, window_bounds = array<i64: 2000, 32>}, {transform_indices = @transform_2, window_bounds = array<i64: 2000, 32>}, {transform_indices = @transform_3, window_bounds = array<i64: 2000, 32>}, {transform_indices = @transform_4, window_bounds = array<i64: 2000, 32>}, {transform_indices = @transform_5, window_bounds = array<i64: 2000, 32>}, {transform_indices = @transform_6, window_bounds = array<i64: 2000, 1>}, {pipeline_mode = #tpu.pipeline_mode<synchronous>, transform_indices = @transform_7, window_bounds = array<i64: 128, 32>}, {pipeline_mode = #tpu.pipeline_mode<synchronous>, transform_indices = @transform_8, window_bounds = array<i64: 32, 16>}, {transform_indices = @transform_9, window_bounds = array<i64: 2000, 16>}]} {
    %get3A = arith.constant 0 : index
    %get3A_0 = arith.constant 0 : index
    %get3A_1 = vector.load %arg7[%get3A, %get3A_0] : memref<2000x1xf32, #tpu.memory_space<vmem>>, vector<2000x1xf32>
    %get3A_2 = arith.constant 0 : index
    %get3A_3 = arith.constant 0 : index
    %get3A_4 = vector.load %arg8[%get3A_2, %get3A_3] : memref<128x32xf32, #tpu.memory_space<vmem>>, vector<128x32xf32>
    %get3A_5 = arith.constant 0 : index
    %get3A_6 = arith.constant 0 : index
    %get3A_7 = vector.load %arg3[%get3A_5, %get3A_6] : memref<2000x32xf32, #tpu.memory_space<vmem>>, vector<2000x32xf32>
    %get3A_8 = arith.constant 0 : index
    %get3A_9 = arith.constant 0 : index
    %get3A_10 = vector.load %arg4[%get3A_8, %get3A_9] : memref<2000x32xf32, #tpu.memory_space<vmem>>, vector<2000x32xf32>
    %add3A = arith.addf %get3A_7, %get3A_10 : vector<2000x32xf32>
    %get3A_11 = arith.constant 0 : index
    %get3A_12 = arith.constant 0 : index
    %get3A_13 = vector.load %arg1[%get3A_11, %get3A_12] : memref<2000x32xf32, #tpu.memory_space<vmem>>, vector<2000x32xf32>
    %add3A_14 = arith.addf %add3A, %get3A_13 : vector<2000x32xf32>
    %mul3A = vector.broadcast %get3A_1 : vector<2000x1xf32> to vector<2000x32xf32>
    %mul3A_15 = arith.mulf %add3A_14, %mul3A : vector<2000x32xf32>
    %get3A_16 = arith.constant 0 : index
    %get3A_17 = arith.constant 0 : index
    %get3A_18 = vector.load %arg5[%get3A_16, %get3A_17] : memref<2000x32xf32, #tpu.memory_space<vmem>>, vector<2000x32xf32>
    %get3A_19 = arith.constant 0 : index
    %get3A_20 = arith.constant 0 : index
    %get3A_21 = vector.load %arg6[%get3A_19, %get3A_20] : memref<2000x32xf32, #tpu.memory_space<vmem>>, vector<2000x32xf32>
    %add3A_22 = arith.addf %get3A_18, %get3A_21 : vector<2000x32xf32>
    %get3A_23 = arith.constant 0 : index
    %get3A_24 = arith.constant 0 : index
    %get3A_25 = vector.load %arg2[%get3A_23, %get3A_24] : memref<2000x32xf32, #tpu.memory_space<vmem>>, vector<2000x32xf32>
    %add3A_26 = arith.addf %add3A_22, %get3A_25 : vector<2000x32xf32>
    %mul3A_27 = vector.broadcast %get3A_1 : vector<2000x1xf32> to vector<2000x32xf32>
    %mul3A_28 = arith.mulf %add3A_26, %mul3A_27 : vector<2000x32xf32>
    %get3A_29 = arith.constant 0 : index
    %get3A_30 = arith.constant 0 : index
    %get3A_31 = vector.load %arg1[%get3A_29, %get3A_30] : memref<2000x32xf32, #tpu.memory_space<vmem>>, vector<2000x32xf32>
    %slice3A = vector.extract_strided_slice %get3A_4 {offsets = [0, 0], sizes = [32, 32], strides = [1, 1]} : vector<128x32xf32> to vector<32x32xf32>
    %dot_general3A = arith.constant dense<0.000000e+00> : vector<2000x32xf32>
    %dot_general3A_32 = tpu.matmul %get3A_31, %slice3A, %dot_general3A {dimension_numbers = #tpu.dot_dimension_numbers<[1], [0], [0], [1], [0, 0, 1, 1], [], []>, transpose_lhs_hint = false} : vector<2000x32xf32>, vector<32x32xf32>, vector<2000x32xf32> -> vector<2000x32xf32>
    %get3A_33 = arith.constant 0 : index
    %get3A_34 = arith.constant 0 : index
    %get3A_35 = vector.load %arg2[%get3A_33, %get3A_34] : memref<2000x32xf32, #tpu.memory_space<vmem>>, vector<2000x32xf32>
    %slice3A_36 = vector.extract_strided_slice %get3A_4 {offsets = [32, 0], sizes = [32, 32], strides = [1, 1]} : vector<128x32xf32> to vector<32x32xf32>
    %dot_general3A_37 = arith.constant dense<0.000000e+00> : vector<2000x32xf32>
    %dot_general3A_38 = tpu.matmul %get3A_35, %slice3A_36, %dot_general3A_37 {dimension_numbers = #tpu.dot_dimension_numbers<[1], [0], [0], [1], [0, 0, 1, 1], [], []>, transpose_lhs_hint = false} : vector<2000x32xf32>, vector<32x32xf32>, vector<2000x32xf32> -> vector<2000x32xf32>
    %add3A_39 = arith.addf %dot_general3A_32, %dot_general3A_38 : vector<2000x32xf32>
    %slice3A_40 = vector.extract_strided_slice %get3A_4 {offsets = [64, 0], sizes = [32, 32], strides = [1, 1]} : vector<128x32xf32> to vector<32x32xf32>
    %dot_general3A_41 = arith.constant dense<0.000000e+00> : vector<2000x32xf32>
    %dot_general3A_42 = tpu.matmul %mul3A_15, %slice3A_40, %dot_general3A_41 {dimension_numbers = #tpu.dot_dimension_numbers<[1], [0], [0], [1], [0, 0, 1, 1], [], []>, transpose_lhs_hint = false} : vector<2000x32xf32>, vector<32x32xf32>, vector<2000x32xf32> -> vector<2000x32xf32>
    %add3A_43 = arith.addf %add3A_39, %dot_general3A_42 : vector<2000x32xf32>
    %slice3A_44 = vector.extract_strided_slice %get3A_4 {offsets = [96, 0], sizes = [32, 32], strides = [1, 1]} : vector<128x32xf32> to vector<32x32xf32>
    %dot_general3A_45 = arith.constant dense<0.000000e+00> : vector<2000x32xf32>
    %dot_general3A_46 = tpu.matmul %mul3A_28, %slice3A_44, %dot_general3A_45 {dimension_numbers = #tpu.dot_dimension_numbers<[1], [0], [0], [1], [0, 0, 1, 1], [], []>, transpose_lhs_hint = false} : vector<2000x32xf32>, vector<32x32xf32>, vector<2000x32xf32> -> vector<2000x32xf32>
    %add3A_47 = arith.addf %add3A_43, %dot_general3A_46 : vector<2000x32xf32>
    %max3A = arith.constant 0.000000e+00 : f32
    %max3A_48 = vector.broadcast %max3A : f32 to vector<2000x32xf32>
    %max3A_49 = arith.maximumf %add3A_47, %max3A_48 : vector<2000x32xf32>
    %get3A_50 = arith.constant 0 : index
    %get3A_51 = arith.constant 0 : index
    %get3A_52 = vector.load %arg9[%get3A_50, %get3A_51] : memref<32x16xf32, #tpu.memory_space<vmem>>, vector<32x16xf32>
    %dot_general3A_53 = arith.constant dense<0.000000e+00> : vector<2000x16xf32>
    %dot_general3A_54 = tpu.matmul %max3A_49, %get3A_52, %dot_general3A_53 {dimension_numbers = #tpu.dot_dimension_numbers<[1], [0], [0], [1], [0, 0, 1, 1], [], []>, transpose_lhs_hint = false} : vector<2000x32xf32>, vector<32x16xf32>, vector<2000x16xf32> -> vector<2000x16xf32>
    %swap3A = arith.constant 0 : index
    %swap3A_55 = arith.constant 0 : index
    %swap3A_56 = vector.load %arg10[%swap3A, %swap3A_55] : memref<2000x16xf32, #tpu.memory_space<vmem>>, vector<2000x16xf32>
    tpu.vector_store %arg10[%swap3A, %swap3A_55], %dot_general3A_54 {strides = array<i32>} : memref<2000x16xf32, #tpu.memory_space<vmem>>, vector<2000x16xf32>,
    return
  }
  func.func @transform_0(%arg0: i32) -> (i32, i32) {
    %c0_i32 = arith.constant 0 : i32
    %c0_i32_0 = arith.constant 0 : i32
    return %arg0, %c0_i32 : i32, i32
  }
  func.func @transform_1(%arg0: i32) -> (i32, i32) {
    %c0_i32 = arith.constant 0 : i32
    %c0_i32_0 = arith.constant 0 : i32
    return %arg0, %c0_i32 : i32, i32
  }
  func.func @transform_2(%arg0: i32) -> (i32, i32) {
    %c0_i32 = arith.constant 0 : i32
    %c0_i32_0 = arith.constant 0 : i32
    return %arg0, %c0_i32 : i32, i32
  }
  func.func @transform_3(%arg0: i32) -> (i32, i32) {
    %c0_i32 = arith.constant 0 : i32
    %c0_i32_0 = arith.constant 0 : i32
    return %arg0, %c0_i32 : i32, i32
  }
  func.func @transform_4(%arg0: i32) -> (i32, i32) {
    %c0_i32 = arith.constant 0 : i32
    %c0_i32_0 = arith.constant 0 : i32
    return %arg0, %c0_i32 : i32, i32
  }
  func.func @transform_5(%arg0: i32) -> (i32, i32) {
    %c0_i32 = arith.constant 0 : i32
    %c0_i32_0 = arith.constant 0 : i32
    return %arg0, %c0_i32 : i32, i32
  }
  func.func @transform_6(%arg0: i32) -> (i32, i32) {
    %c0_i32 = arith.constant 0 : i32
    %c0_i32_0 = arith.constant 0 : i32
    return %arg0, %c0_i32 : i32, i32
  }
  func.func @transform_7(%arg0: i32) -> (i32, i32) {
    %c0_i32 = arith.constant 0 : i32
    %c0_i32_0 = arith.constant 0 : i32
    %c0_i32_1 = arith.constant 0 : i32
    return %c0_i32, %c0_i32_0 : i32, i32
  }
  func.func @transform_8(%arg0: i32) -> (i32, i32) {
    %c0_i32 = arith.constant 0 : i32
    %c0_i32_0 = arith.constant 0 : i32
    %c0_i32_1 = arith.constant 0 : i32
    return %c0_i32, %c0_i32_0 : i32, i32
  }
  func.func @transform_9(%arg0: i32) -> (i32, i32) {
    %c0_i32 = arith.constant 0 : i32
    %c0_i32_0 = arith.constant 0 : i32
    return %arg0, %c0_i32 : i32, i32
  }
}

</mosaic_0001>

<sc_bundles>
// kernel: kernel.13.cloned.1.call-start
scs
__scs_entry_jumppad:
0x0: {  	(pc) =	sbr.rel $0x88, $3  }
0x1: {  	(tag) =	ssettag $0x0;
	lr =	simm.s32 $0x1  }
0x2: {  	[smem:$0x3F99] =	sst lr;
	_ =	strace $0xD0000000  }
0x3: {  	_ = 	snop  }
0x4: {  	_ = 	snop  }
0x5: {  	_ = 	snop  }
0x6: {  	_ = 	snop  }
0x7: {  	_ = 	snop  }
__scs_overlays_trampoline_lowered:
0x8: {  	[smem:$0x3FA8] =	sst s0  }
0x9: {  	[smem:$0x3FA9] =	sst s1  }
0xa: {  	[smem:$0x3FAA] =	sst s2  }
0xb: {  	[smem:$0x3FAB] =	sst s3  }
0xc: {  	[smem:$0x3FAC] =	sst s4  }
0xd: {  	[smem:$0x3FAD] =	sst s5  }
0xe: {  	[smem:$0x3FAE] =	sst s6  }
0xf: {  	[smem:$0x3FAF] =	sst s7  }
0x10: {  	[smem:$0x3FB0] =	sst s8  }
0x11: {  	[smem:$0x3FB1] =	sst s9;
	s0 =	simm.s32 @!p0 $0x0  }
0x12: {  	s1 =	sld [smem:$0x3F97];
	s0 =	simm.s32 @p0 $0x1  }
0x13: {  	[smem:$0x3FB2] =	sst s0;
	s0 =	simm.s32 @!p1 $0x0  }
0x14: {  	s2 =	sld [smem:$0x3F96];
	s0 =	simm.s32 @p1 $0x1  }
0x15: {  	[smem:$0x3FB3] =	sst s0;
	s0 =	simm.s32 @!p2 $0x0  }
0x16: {  	s3 =	sld [smem:$0x3FDB];
	s0 =	simm.s32 @p2 $0x1  }
0x17: {  	s4 =	simm.s32 $0x1BF5;
	[smem:$0x3FB5] =	sst s0  }
0x18: {  	s0 =	sld [smem:$0x3F98];
	_ =	swait.ge [sflag:s4], $0x0  }
0x19: {  	s7 =	sld [smem:$0x3F99]  }
0x1a: {  	s8 =	sadd.s32 $0xFFFFE003, lr  }
0x1b: {  	s9 =	sadd.s32 $0xFFFFFEF7, lr;
	s5 =	simm.s32 $0xFFFFFFFF;
	p2 =	slt.u32 s8, $0xFFFFF086  }
0x1c: {  	p1 =	slt.u32 s9, $0xF7A;
	s5 =	simm.s32 @!p2 $0x0  }
0x1d: {  	s5 =	simm.s32 @p1 $0x1;
	p0 =	seq.s32 s7, s2  }
0x1e: {  	s7 =	smul.u32 @!p0 $0xF7A, s2;
	p2 =	seq.s32 @!p0 s5, $0x0  }
0x1f: {  	s9 =	smul.u32 $0xF7A, s1;
	s8 =	simm.s32 @!p0 $0x1BF5;
	p2 =	por !p2, p0  }
0x20: {  	[sflag:s8] =	ssyncset.s32 @!p0 $0xFFFFF086;
	s6 =	sadd.s32 @!p0 s3, s7;
	s7 =	simm.s32 @!p0 $0x108  }
0x21: {  	s3 =	sadd.s32 s3, s9;
	s6 =	sadd.s32 @!p0 $0x88, s6;
	s7 =	simm.s32 @p2 $0x1082  }
0x22: {  	[simem:s7], [sflag:s8] =	dma.local @!p0 [hbm:s6], $0xF7A  }
0x23: {  	s9 =	sor.u32 $0xD0000000, s2;
	s6 =	simm.s32 $0x108;
	_ =	swait.ge @!p0 [sflag:s8], $0x0  }
0x24: {  	s3 =	sadd.s32 $0x88, s3;
	s6 =	simm.s32 @!p1 $0x1082;
	[sflag:s4] =	ssyncset.s32 $0xFFFFF086  }
0x25: {  	[simem:s6], [sflag:s4] =	dma.local [hbm:s3], $0xF7A  }
0x26: {  	[smem:$0x3F99] =	sst s1;
	(tag) =	ssettag s2;
	_ =	strace s9  }
0x27: {  	s1 =	sld [smem:$0x3FA9]  }
0x28: {  	s2 =	sld [smem:$0x3FAA]  }
0x29: {  	s4 =	sld [smem:$0x3FAC]  }
0x2a: {  	p0 =	seq.s32 s5, $0x0;
	s5 =	sld [smem:$0x3FAD]  }
0x2b: {  	s6 =	sld [smem:$0x3FAE]  }
0x2c: {  	s7 =	sld [smem:$0x3FAF]  }
0x2d: {  	s3 =	simm.s32 $0x108;
	s8 =	sld [smem:$0x3FB0]  }
0x2e: {  	s3 =	simm.s32 @!p0 $0x1082;
	s9 =	sld [smem:$0x3FB1]  }
0x2f: {  	lr =	sadd.s32 s0, s3;
	s0 =	sld [smem:$0x3FA8]  }
0x30: {  	s3 =	sld [smem:$0x3FAB]  }
0x31: {  	[smem:$0x3FB4] =	sst s10  }
0x32: {  	s10 =	sld [smem:$0x3FB2];
	_ =	sdelay $0x3  }
0x33: {  	p0 =	seq.s32 s10, $0x1;
	s10 =	sld [smem:$0x3FB4];
	_ =	sdelay $0x3  }
0x34: {  	[smem:$0x3FB4] =	sst s10  }
0x35: {  	s10 =	sld [smem:$0x3FB3];
	_ =	sdelay $0x3  }
0x36: {  	p1 =	seq.s32 s10, $0x1;
	s10 =	sld [smem:$0x3FB4];
	_ =	sdelay $0x3  }
0x37: {  	[smem:$0x3FB4] =	sst s10  }
0x38: {  	s10 =	sld [smem:$0x3FB5]  }
0x39: {  	_ = 	snop;
	(pc) =	sbr.ind lr, $3  }
0x3a: {  	_ = 	snop  }
0x3b: {  	_ = 	snop  }
0x3c: {  	p2 =	seq.s32 s10, $0x1;
	s10 =	sld [smem:$0x3FB4]  }
0x3d: {  	_ =	shalt  }
0x3e: {  	_ =	shalt  }
0x3f: {  	_ =	shalt  }
0x40: {  	_ =	shalt  }
0x41: {  	_ =	shalt  }
0x42: {  	_ =	shalt  }
0x43: {  	_ =	shalt  }
0x44: {  	_ =	shalt  }
0x45: {  	_ =	shalt  }
0x46: {  	_ =	shalt  }
0x47: {  	_ =	shalt  }
0x48: {  	_ =	shalt  }
0x49: {  	_ =	shalt  }
0x4a: {  	_ =	shalt  }
0x4b: {  	_ =	shalt  }
0x4c: {  	_ =	shalt  }
0x4d: {  	_ =	shalt  }
0x4e: {  	_ =	shalt  }
0x4f: {  	_ =	shalt  }
0x50: {  	_ =	shalt  }
0x51: {  	_ =	shalt  }
0x52: {  	_ =	shalt  }
0x53: {  	_ =	shalt  }
0x54: {  	_ =	shalt  }
0x55: {  	_ =	shalt  }
0x56: {  	_ =	shalt  }
0x57: {  	_ =	shalt  }
0x58: {  	_ =	shalt  }
0x59: {  	_ =	shalt  }
0x5a: {  	_ =	shalt  }
0x5b: {  	_ =	shalt  }
0x5c: {  	_ =	shalt  }
0x5d: {  	_ =	shalt  }
0x5e: {  	_ =	shalt  }
0x5f: {  	_ =	shalt  }
0x60: {  	_ =	shalt  }
0x61: {  	_ =	shalt  }
0x62: {  	_ =	shalt  }
0x63: {  	_ =	shalt  }
0x64: {  	_ =	shalt  }
0x65: {  	_ =	shalt  }
0x66: {  	_ =	shalt  }
0x67: {  	_ =	shalt  }
0x68: {  	_ =	shalt  }
0x69: {  	_ =	shalt  }
0x6a: {  	_ =	shalt  }
0x6b: {  	_ =	shalt  }
0x6c: {  	_ =	shalt  }
0x6d: {  	_ =	shalt  }
0x6e: {  	_ =	shalt  }
0x6f: {  	_ =	shalt  }
0x70: {  	_ =	shalt  }
0x71: {  	_ =	shalt  }
0x72: {  	_ =	shalt  }
0x73: {  	_ =	shalt  }
0x74: {  	_ =	shalt  }
0x75: {  	_ =	shalt  }
0x76: {  	_ =	shalt  }
0x77: {  	_ =	shalt  }
0x78: {  	_ =	shalt  }
0x79: {  	_ =	shalt  }
0x7a: {  	_ =	shalt  }
0x7b: {  	_ =	shalt  }
0x7c: {  	_ =	shalt  }
0x7d: {  	_ =	shalt  }
0x7e: {  	_ =	shalt  }
0x7f: {  	_ =	shalt  }
0x80: {  	_ =	shalt  }
0x81: {  	_ =	shalt  }
0x82: {  	_ =	shalt  }
0x83: {  	_ =	shalt  }
0x84: {  	_ =	shalt  }
0x85: {  	_ =	shalt  }
0x86: {  	_ =	shalt  }
0x87: {  	_ =	shalt  }
.Lfunc_end0:
.L_simem_size_0:
called_computation_lowered:
.L_overlay_start_0:
0x88: {  	s2 =	sld [smem:$0x3FD9]  }
0x89: {  	s3 =	sld [smem:$0x3FFE];
	_ =	sdelay $0x1  }
0x8a: {  	s1 =	srdreg.scid  }
0x8b: {  	s0 =	sand.u32 $0x1, s1  }
0x8c: {  	s16 =	sshll.u32 s0, $0xA;
	s2 =	sadd.s32 s3, s2  }
0x8d: {  	s2 =	sadd.s32 s2, s16  }
0x8e: {  	[smem:$0x3FC0] =	sst s2  }
0x8f: {  	_ = 	snop  }
0x90: {  	(tm) =	ssettm $0x1  }
0x91: {  	s17 =	sld [smem:$0x3FFB];
	_ =	sdelay $0x3  }
0x92: {  	_ =	strace s17  }
0x93: {  	s2 =	sld [smem:$0x3FFC];
	_ =	sdelay $0x3  }
0x94: {  	_ =	strace s2  }
0x95: {  	s2 =	sld [smem:$0x3FFD];
	_ =	sdelay $0x3  }
0x96: {  	_ =	strace s2  }
0x97: {  	_ =	strace $0x8FFFFFFF  }
0x98: {  	s18 =	sld [smem:$0x3FDB];
	_ =	sdelay $0x1  }
0x99: {  	s19 =	simm.s32 $_scs_section_size  }
0x9a: {  	s4 =	simm.s32 $_size__tile_overlayer_lowered;
	s5 =	simm.s32 $_tile_overlayer_lowered  }
0x9b: {  	s22 =	simm.s32 $0x1BFF;
	s21 =	sshll.u32 s5, $0x1;
	s2 =	sadd.s32 s19, s18  }
0x9c: {  	s6 =	simm.s32 $0x0;
	s20 =	sshll.u32 s4, $0x1;
	s4 =	sadd.s32 s21, s2  }
0x9d: {  	[timem:s6], [sflag:s22] =	dma.local [hbm:s4], s20  }
0x9e: {  	_ =	swait.ge [sflag:s22], s20  }
0x9f: {  	s3 =	ssub.s32 $0x0, s20;
	[sflag:s22] =	ssyncset.done $0x0  }
0xa0: {  	[sflag:s22] =	ssyncadd.s32 s3;
	_ =	sdelay $0x1  }
0xa1: {  	s23 =	simm.s32 $0x1B8B  }
0xa2: {  	_ =	swait.ge [sflag:s23], $0x1  }
0xa3: {  	[sflag:s23] =	ssyncset.done $0x0  }
0xa4: {  	s25 =	simm.s32 $0x1B8E;
	s24 =	sld [smem:$0x3FFE];
	[sflag:s23] =	ssyncadd.s32 $0xFFFFFFFF  }
0xa5: {  	s26 =	simm.s32 $execute0_lowered;
	[smem:$0x3FD2] =	sst s25  }
0xa6: {  	s4 =	sshll.u32 s26, $0x1;
	_ =	strace $0x80000046;
	[dreg:$0x1] =	wrdreg $0xFFFFFFFF  }
0xa7: {  	s28 =	simm.s32 $_size_execute0_lowered;
	s2 =	sadd.s32 s2, s4;
	[dreg:$0x0] =	wrdreg $0x0  }
0xa8: {  	s4 =	sshll.u32 s28, $0x1;
	[dreg:$0x2] =	wrdreg s2  }
0xa9: {  	[dreg:$0x3] =	wrdreg s4  }
0xaa: {  	[dreg:$0x4] =	wrdreg $0xC0  }
0xab: {  	_ =	task [dreg:s6], $0x5FFFF  }
0xac: {  	[dreg:$0x1] =	wrdreg $0xFFFFFFFF  }
0xad: {  	[dreg:$0x0] =	wrdreg $0x60  }
0xae: {  	[dreg:$0x2] =	wrdreg s24  }
0xaf: {  	[dreg:$0x3] =	wrdreg $0x0  }
0xb0: {  	[dreg:$0x4] =	wrdreg $0x9  }
0xb1: {  	_ =	task.clear_ibuf [dreg:s6], $0x5FFFF;
	_ =	strace $0x90000046  }
0xb2: {  	s29 =	simm.s32 $0x9;
	_ =	strace $0x80000048  }
0xb3: {  	_ =	swait.ge [sflag:s29], $0x1  }
0xb4: {  	[sflag:s29] =	ssyncadd.s32 $0xFFFFFFFF  }
0xb5: {  	_ =	strace $0x90000048  }
0xb6: {  	_ =	sfence  }
0xb7: {  	s30 =	sld [smem:$0x0];
	_ =	sdelay $0x2  }
0xb8: {  	s31 =	sshll.u32 s1, $0xD;
	s1 =	sshrl.u32 s1, $0x2  }
0xb9: {  	s3 =	sand.u32 $0x4000, s31;
	s1 =	sadd.s32 s1, s30  }
0xba: {  	s0 =	sor.u32 s3, s0;
	s1 =	sshll.u32 s1, $0x11  }
0xbb: {  	s0 =	sor.u32 s1, s0  }
0xbc: {  	s0 =	sadd.s32 $0x8F2B, s0  }
0xbd: {  	[sflag:s0] =	ssyncadd.remote.s32 $0x1  }
0xbe: {  	_ =	sfence.sel $0xFFFF  }
0xbf: {  	[dreg:$0x0] =	wrdreg $0xFFFFFFFF;
	(pc) =	sbr.abs _section_cstart, $3  }
0xc0: {  	[dreg:$0x1] =	wrdreg $0xFFFFFFFF  }
0xc1: {  	_ =	task.clear_ibuf [dreg:s6], $0x2FFFF;
	_ =	strace $0x9FFFFFFF  }
0xc2: {  	(tm) =	ssettm $0x7FFFFFFF  }
0xc3: {  	_ =	shalt  }
tec
execute0_lowered:
.L_overlay_start_1:
0x0: {  	(tag) =	ssettag $0x1  }
0x1: {  	s7 =	rddreg [dreg:$0x0]  }
0x2: {  	s1 =	rddreg [dreg:$0x1];
	s2 =	srdreg.scid  }
0x3: {  	s0 =	rddreg [dreg:$0x2];
	s3 =	simm.s32 $0x0;
	s14 =	simm.s32 $0xCBE0  }
0x4: {  	s15 =	simm.s32 $0x80;
	s16 =	simm.s32 $0xD2E0;
	s17 =	simm.s32 $0x1  }
0x5: {  	s8 =	sand.u32 $0x1, s2;
	s2 =	stileid.u32;
	[smem:$0x7FF] =	sst s3  }
0x6: {  	s4 =	sadd.s32 $0xCA200, s7;
	s5 =	sadd.s32 $0xFB200, s7;
	s9 =	smul.u32 $0xC4E00, s8  }
0x7: {  	s6 =	sadd.s32 $0xE2A00, s7;
	s10 =	smul.u32 $0xC4E0, s2;
	_ =	strace $0x80000047  }
0x8: {  	s11 =	ssub.s32 $0x2, s8;
	s8 =	sshll.u32 s8, $0x4;
	s13 =	smul.u32 $0x31380, s2  }
0x9: {  	s18 =	sshll.u32 s2, $0x6;
	s12 =	sshrl.u32 s11, $0x1;
	s8 =	sor.u32 s2, s8  }
0xa: {  	s18 =	sor.u32 $0x1C02, s18;
	s9 =	sadd.s32 s10, s9;
	s11 =	ssub.s32 s11, s12  }
0xb: {  	s19 =	sadd.s32 s10, s1;
	s31 =	sshrl.u32 s13, $0x2;
	s12 =	simm.s32 $0x2  }
0xc: {  	s13 =	simm.s32 $0xC4E0;
	s9 =	sshrl.u32 s9, $0x3;
	s10 =	sadd.s32 s31, s1  }
0xd: {  	s19 =	sshrl.u32 s19, $0x3;
	s9 =	sadd.s32 s9, s7;
	s7 =	smul.u32 $0x6200, s8  }
0xe: {  	v0 =	vimm.f32 $0.0e+00;
	s8 =	sadd.s32 $0x113A00, s9;
	s9 =	smax.u32 s11, $0x1;
	s11 =	simm.s32 $0xDAE0  }
.LBB2_1:
0xf: {  	s20 =	simm.s32 $0x0  }
.LBB2_2:
0x10: {  	p0 =	sne.s32 s20, $0x2540  }
.Ltmp0:
0x11: {  	_ = 	snop;
	(pc) =	sbr.rel @p0 .LBB2_2-.Ltmp0, $3  }
0x12: {  	_ =	sdelay $0x1  }
0x13: {  	s21 =	sshra.s32 s20, $0x2  }
0x14: {  	s20 =	sadd.s32 $0x40, s20;
	[tilespmem:s21+$0xDAE0] =	vst v0  }
0x15: {  	s20 =	sadd.s32 $0x0, s10  }
0x16: {  	[spmem:s20] =	stream.linear.scatter [tilespmem:s11], [sflag:$0x2], $0x960, $0x38;
	[tilespmem:$0xE440] =	vst v63  }
0x17: {  	s20 =	simm.s32 $0x2580;
	_ =	swait.ge [sflag:s12], $0x960  }
.LBB2_4:
0x18: {  	s21 =	sshra.s32 s20, $0x2;
	[sflag:s12] =	ssyncset.done $0x0;
	p0 =	sne.s32 s20, $0x2EE00  }
.Ltmp1:
0x19: {  	s21 =	sadd.s32 s21, s10;
	[sflag:s12] =	ssyncadd.s32 $0xFFFFF6A0;
	(pc) =	sbr.rel @p0 .LBB2_4-.Ltmp1, $3  }
0x1a: {  	[spmem:s21] =	stream.linear.scatter [tilespmem:s11], [sflag:$0x2], $0x960, $0x38;
	[tilespmem:$0xE440] =	vst v63  }
0x1b: {  	s20 =	sadd.s32 $0x2580, s20;
	_ =	sdelay $0x1  }
0x1c: {  	_ =	swait.ge [sflag:s12], $0x960  }
0x1d: {  	[sflag:s12] =	ssyncset.done $0x0  }
0x1e: {  	[sflag:s12] =	ssyncadd.s32 $0xFFFFF6A0  }
0x1f: {  	s20 =	simm.s32 $0x0;
	s21 =	simm.s32 $0x0;
	[bflag:$0x0] =	sbarrier.arrive $0xFFFF  }
.LBB2_6:
0x20: {  	s22 =	smul.u32 $0x700, s21;
	_ =	sdelay $0x1  }
0x21: {  	s22 =	sadd.s32 s7, s22  }
0x22: {  	s22 =	sshrl.u32 s22, $0x3  }
0x23: {  	s23 =	sadd.s32 s5, s22  }
0x24: {  	[tilespmem:s13], [sflag:$0x2] =	stream.linear.gather [hbm4b:s23+s20], $0x700, $0x38;
	[tilespmem:$0xE440] =	vst v63  }
0x25: {  	_ =	swait.ge [sflag:s12], $0x700  }
0x26: {  	[sflag:s12] =	ssyncset.done $0x0  }
0x27: {  	s22 =	sadd.s32 s6, s22;
	[sflag:s12] =	ssyncadd.s32 $0xFFFFF900  }
0x28: {  	[tilespmem:s14], [sflag:$0x2] =	stream.linear.gather [hbm4b:s22+s20], $0x700, $0x38;
	[tilespmem:$0xE440] =	vst v63  }
0x29: {  	_ =	swait.ge [sflag:s12], $0x700  }
0x2a: {  	[sflag:s12] =	ssyncset.done $0x0  }
0x2b: {  	s30 =	simm.s32 $0xC4E0;
	[sflag:s12] =	ssyncadd.s32 $0xFFFFF900  }
0x2c: {  	[tilespmem:s16], [sflag:$0x1] =	stream.indirect.gather [hbm4b:s4+s15], $0x10, s30, s15, $0xb8;
	[tilespmem:$0xE440] =	vst v63  }
0x2d: {  	_ =	swait.ge [sflag:s17], $0x800  }
0x2e: {  	[sflag:s17] =	ssyncset.done $0x0  }
0x2f: {  	s31 =	simm.s32 $0xCBE0;
	[sflag:s17] =	ssyncadd.s32 $0xFFFFF800  }
0x30: {  	[spmem:s1] =	stream.indirect.scatter.add.f32 [tilespmem:s16], [sflag:$0x2], $0x10, s31, s15, $0xb8;
	[tilespmem:$0xE440] =	vst v63  }
0x31: {  	_ =	swait.ge [sflag:s12], $0x800  }
0x32: {  	s23 =	simm.s32 $0x400;
	s22 =	simm.s32 $0x80;
	[sflag:s12] =	ssyncset.done $0x0  }
.LBB2_7:
0x33: {  	s24 =	sadd.s32 $0xC4E0, s22  }
0x34: {  	[sflag:s12] =	ssyncadd.s32 $0xFFFFF800;
	s25 =	smov.u32 s23;
	s26 =	sadd.s32 $0x200, s23  }
0x35: {  	[tilespmem:s16], [sflag:$0x1] =	stream.indirect.gather [hbm4b:s4+s15], $0x10, s24, s15, $0xb8;
	[tilespmem:$0xE440] =	vst v63  }
0x36: {  	p0 =	sne.s32 s23, $0x1A00;
	_ =	swait.ge [sflag:s17], $0x800  }
.Ltmp2:
0x37: {  	[sflag:s17] =	ssyncset.done $0x0;
	(pc) =	sbr.rel @p0 .LBB2_7-.Ltmp2, $4  }
0x38: {  	s22 =	sadd.s32 $0xCBE0, s22;
	[sflag:s17] =	ssyncadd.s32 $0xFFFFF800  }
0x39: {  	[spmem:s1] =	stream.indirect.scatter.add.f32 [tilespmem:s16], [sflag:$0x2], $0x10, s22, s15, $0xb8;
	[tilespmem:$0xE440] =	vst v63  }
0x3a: {  	_ =	swait.ge [sflag:s12], $0x800  }
0x3b: {  	s23 =	smov.u32 s26;
	s22 =	sshra.s32 s25, $0x2;
	[sflag:s12] =	ssyncset.done $0x0  }
0x3c: {  	s23 =	sadd.s32 $0xC4E0, s22;
	[sflag:s12] =	ssyncadd.s32 $0xFFFFF800  }
0x3d: {  	[tilespmem:s16], [sflag:$0x1] =	stream.indirect.gather [hbm4b:s4+s15], $0x10, s23, s15, $0xb8;
	[tilespmem:$0xE440] =	vst v63  }
0x3e: {  	s21 =	sadd.s32 $0x1, s21;
	_ =	swait.ge [sflag:s17], $0x800  }
0x3f: {  	p0 =	sne.s32 s21, $0xE;
	[sflag:s17] =	ssyncset.done $0x0  }
.Ltmp3:
0x40: {  	s31 =	sadd.s32 $0xCBE0, s22;
	[sflag:s17] =	ssyncadd.s32 $0xFFFFF800;
	(pc) =	sbr.rel @p0 .LBB2_6-.Ltmp3, $4  }
0x41: {  	[spmem:s1] =	stream.indirect.scatter.add.f32 [tilespmem:s16], [sflag:$0x2], $0x10, s31, s15, $0xb8;
	[tilespmem:$0xE440] =	vst v63  }
0x42: {  	_ =	swait.ge [sflag:s12], $0x800  }
0x43: {  	[sflag:s12] =	ssyncset.done $0x0  }
0x44: {  	[sflag:s12] =	ssyncadd.s32 $0xFFFFF800  }
0x45: {  	s3 =	sadd.s32 $0x1, s3  }
0x46: {  	p0 =	sne.s32 s3, s9  }
.Ltmp4:
0x47: {  	[bflag:$0x0] =	sbarrier.arrive $0xFFFF;
	(pc) =	sbr.rel @p0 .LBB2_1-.Ltmp4, $4  }
0x48: {  	[hbm:s8], [sflag:s18] =	dma.local [spmem:s19], $0x189C  }
0x49: {  	_ =	swait.ge [sflag:s12], $0x189C  }
0x4a: {  	[sflag:s12] =	ssyncset.done $0x0  }
0x4b: {  	[sflag:s12] =	ssyncadd.s32 $0xFFFFE764  }
0x4c: {  	_ =	sfence.sel $0x180000  }
0x4d: {  	[bflag:$0x0] =	sbarrier.arrive $0xFFFF  }
0x4e: {  	p0 =	sne.s32 s2, $0x0;
	_ =	strace $0x90000047  }
0x4f: {  	s0 =	sadd.s32 @!p0 $0x100000, s0;
	[bflag:$0x2] =	sbarrier.arrive $0xFFFF  }
0x50: {  	[sflag:s0] =	ssyncadd.tile.s32 @!p0 $0x1;
	_ =	shalt  }
.Lfunc_end2:
_tile_overlayer_lowered:
.L_overlay_start_2:
0x51: {  	(tag) =	ssettag $0x2  }
0x52: {  	s0 =	rddreg [dreg:$0x0];
	s2 =	stileid.u32  }
0x53: {  	s1 =	rddreg [dreg:$0x1];
	p0 =	sne.s32 s2, $0x0  }
0x54: {  	s3 =	rddreg [dreg:$0x2];
	[bflag:$0x3] =	sbarrier.arrive $0xFFFF;
	s2 =	simm.s32 @!p0 $0x1C02  }
0x55: {  	[timem:s3], [sflag:s2] =	dma.local @!p0 [hbm:s0], s1  }
0x56: {  	s0 =	simm.s32 @!p0 $0x2  }
0x57: {  	_ =	swait.ge @!p0 [sflag:s0], s1  }
0x58: {  	s1 =	ssub.s32 @!p0 $0x0, s1;
	[sflag:s0] =	ssyncset.done @!p0 $0x0  }
0x59: {  	[sflag:s0] =	ssyncadd.s32 @!p0 s1  }
0x5a: {  	[bflag:$0x3] =	sbarrier.arrive $0xFFFF  }
0x5b: {  	_ =	shalt  }

// kernel: kernel.16.cloned.1.call-start
scs
__scs_entry_jumppad:
0x0: {  	(pc) =	sbr.rel $0x88, $3  }
0x1: {  	(tag) =	ssettag $0x0;
	lr =	simm.s32 $0x1  }
0x2: {  	[smem:$0x3F99] =	sst lr;
	_ =	strace $0xD0000000  }
0x3: {  	_ = 	snop  }
0x4: {  	_ = 	snop  }
0x5: {  	_ = 	snop  }
0x6: {  	_ = 	snop  }
0x7: {  	_ = 	snop  }
__scs_overlays_trampoline_lowered:
0x8: {  	[smem:$0x3FA8] =	sst s0  }
0x9: {  	[smem:$0x3FA9] =	sst s1  }
0xa: {  	[smem:$0x3FAA] =	sst s2  }
0xb: {  	[smem:$0x3FAB] =	sst s3  }
0xc: {  	[smem:$0x3FAC] =	sst s4  }
0xd: {  	[smem:$0x3FAD] =	sst s5  }
0xe: {  	[smem:$0x3FAE] =	sst s6  }
0xf: {  	[smem:$0x3FAF] =	sst s7  }
0x10: {  	[smem:$0x3FB0] =	sst s8  }
0x11: {  	[smem:$0x3FB1] =	sst s9;
	s0 =	simm.s32 @!p0 $0x0  }
0x12: {  	s1 =	sld [smem:$0x3F97];
	s0 =	simm.s32 @p0 $0x1  }
0x13: {  	[smem:$0x3FB2] =	sst s0;
	s0 =	simm.s32 @!p1 $0x0  }
0x14: {  	s2 =	sld [smem:$0x3F96];
	s0 =	simm.s32 @p1 $0x1  }
0x15: {  	[smem:$0x3FB3] =	sst s0;
	s0 =	simm.s32 @!p2 $0x0  }
0x16: {  	s3 =	sld [smem:$0x3FDB];
	s0 =	simm.s32 @p2 $0x1  }
0x17: {  	s4 =	simm.s32 $0x1BF5;
	[smem:$0x3FB5] =	sst s0  }
0x18: {  	s0 =	sld [smem:$0x3F98];
	_ =	swait.ge [sflag:s4], $0x0  }
0x19: {  	s7 =	sld [smem:$0x3F99]  }
0x1a: {  	s8 =	sadd.s32 $0xFFFFE003, lr  }
0x1b: {  	s9 =	sadd.s32 $0xFFFFFEF7, lr;
	s5 =	simm.s32 $0xFFFFFFFF;
	p2 =	slt.u32 s8, $0xFFFFF086  }
0x1c: {  	p1 =	slt.u32 s9, $0xF7A;
	s5 =	simm.s32 @!p2 $0x0  }
0x1d: {  	s5 =	simm.s32 @p1 $0x1;
	p0 =	seq.s32 s7, s2  }
0x1e: {  	s7 =	smul.u32 @!p0 $0xF7A, s2;
	p2 =	seq.s32 @!p0 s5, $0x0  }
0x1f: {  	s9 =	smul.u32 $0xF7A, s1;
	s8 =	simm.s32 @!p0 $0x1BF5;
	p2 =	por !p2, p0  }
0x20: {  	[sflag:s8] =	ssyncset.s32 @!p0 $0xFFFFF086;
	s6 =	sadd.s32 @!p0 s3, s7;
	s7 =	simm.s32 @!p0 $0x108  }
0x21: {  	s3 =	sadd.s32 s3, s9;
	s6 =	sadd.s32 @!p0 $0x88, s6;
	s7 =	simm.s32 @p2 $0x1082  }
0x22: {  	[simem:s7], [sflag:s8] =	dma.local @!p0 [hbm:s6], $0xF7A  }
0x23: {  	s9 =	sor.u32 $0xD0000000, s2;
	s6 =	simm.s32 $0x108;
	_ =	swait.ge @!p0 [sflag:s8], $0x0  }
0x24: {  	s3 =	sadd.s32 $0x88, s3;
	s6 =	simm.s32 @!p1 $0x1082;
	[sflag:s4] =	ssyncset.s32 $0xFFFFF086  }
0x25: {  	[simem:s6], [sflag:s4] =	dma.local [hbm:s3], $0xF7A  }
0x26: {  	[smem:$0x3F99] =	sst s1;
	(tag) =	ssettag s2;
	_ =	strace s9  }
0x27: {  	s1 =	sld [smem:$0x3FA9]  }
0x28: {  	s2 =	sld [smem:$0x3FAA]  }
0x29: {  	s4 =	sld [smem:$0x3FAC]  }
0x2a: {  	p0 =	seq.s32 s5, $0x0;
	s5 =	sld [smem:$0x3FAD]  }
0x2b: {  	s6 =	sld [smem:$0x3FAE]  }
0x2c: {  	s7 =	sld [smem:$0x3FAF]  }
0x2d: {  	s3 =	simm.s32 $0x108;
	s8 =	sld [smem:$0x3FB0]  }
0x2e: {  	s3 =	simm.s32 @!p0 $0x1082;
	s9 =	sld [smem:$0x3FB1]  }
0x2f: {  	lr =	sadd.s32 s0, s3;
	s0 =	sld [smem:$0x3FA8]  }
0x30: {  	s3 =	sld [smem:$0x3FAB]  }
0x31: {  	[smem:$0x3FB4] =	sst s10  }
0x32: {  	s10 =	sld [smem:$0x3FB2];
	_ =	sdelay $0x3  }
0x33: {  	p0 =	seq.s32 s10, $0x1;
	s10 =	sld [smem:$0x3FB4];
	_ =	sdelay $0x3  }
0x34: {  	[smem:$0x3FB4] =	sst s10  }
0x35: {  	s10 =	sld [smem:$0x3FB3];
	_ =	sdelay $0x3  }
0x36: {  	p1 =	seq.s32 s10, $0x1;
	s10 =	sld [smem:$0x3FB4];
	_ =	sdelay $0x3  }
0x37: {  	[smem:$0x3FB4] =	sst s10  }
0x38: {  	s10 =	sld [smem:$0x3FB5]  }
0x39: {  	_ = 	snop;
	(pc) =	sbr.ind lr, $3  }
0x3a: {  	_ = 	snop  }
0x3b: {  	_ = 	snop  }
0x3c: {  	p2 =	seq.s32 s10, $0x1;
	s10 =	sld [smem:$0x3FB4]  }
0x3d: {  	_ =	shalt  }
0x3e: {  	_ =	shalt  }
0x3f: {  	_ =	shalt  }
0x40: {  	_ =	shalt  }
0x41: {  	_ =	shalt  }
0x42: {  	_ =	shalt  }
0x43: {  	_ =	shalt  }
0x44: {  	_ =	shalt  }
0x45: {  	_ =	shalt  }
0x46: {  	_ =	shalt  }
0x47: {  	_ =	shalt  }
0x48: {  	_ =	shalt  }
0x49: {  	_ =	shalt  }
0x4a: {  	_ =	shalt  }
0x4b: {  	_ =	shalt  }
0x4c: {  	_ =	shalt  }
0x4d: {  	_ =	shalt  }
0x4e: {  	_ =	shalt  }
0x4f: {  	_ =	shalt  }
0x50: {  	_ =	shalt  }
0x51: {  	_ =	shalt  }
0x52: {  	_ =	shalt  }
0x53: {  	_ =	shalt  }
0x54: {  	_ =	shalt  }
0x55: {  	_ =	shalt  }
0x56: {  	_ =	shalt  }
0x57: {  	_ =	shalt  }
0x58: {  	_ =	shalt  }
0x59: {  	_ =	shalt  }
0x5a: {  	_ =	shalt  }
0x5b: {  	_ =	shalt  }
0x5c: {  	_ =	shalt  }
0x5d: {  	_ =	shalt  }
0x5e: {  	_ =	shalt  }
0x5f: {  	_ =	shalt  }
0x60: {  	_ =	shalt  }
0x61: {  	_ =	shalt  }
0x62: {  	_ =	shalt  }
0x63: {  	_ =	shalt  }
0x64: {  	_ =	shalt  }
0x65: {  	_ =	shalt  }
0x66: {  	_ =	shalt  }
0x67: {  	_ =	shalt  }
0x68: {  	_ =	shalt  }
0x69: {  	_ =	shalt  }
0x6a: {  	_ =	shalt  }
0x6b: {  	_ =	shalt  }
0x6c: {  	_ =	shalt  }
0x6d: {  	_ =	shalt  }
0x6e: {  	_ =	shalt  }
0x6f: {  	_ =	shalt  }
0x70: {  	_ =	shalt  }
0x71: {  	_ =	shalt  }
0x72: {  	_ =	shalt  }
0x73: {  	_ =	shalt  }
0x74: {  	_ =	shalt  }
0x75: {  	_ =	shalt  }
0x76: {  	_ =	shalt  }
0x77: {  	_ =	shalt  }
0x78: {  	_ =	shalt  }
0x79: {  	_ =	shalt  }
0x7a: {  	_ =	shalt  }
0x7b: {  	_ =	shalt  }
0x7c: {  	_ =	shalt  }
0x7d: {  	_ =	shalt  }
0x7e: {  	_ =	shalt  }
0x7f: {  	_ =	shalt  }
0x80: {  	_ =	shalt  }
0x81: {  	_ =	shalt  }
0x82: {  	_ =	shalt  }
0x83: {  	_ =	shalt  }
0x84: {  	_ =	shalt  }
0x85: {  	_ =	shalt  }
0x86: {  	_ =	shalt  }
0x87: {  	_ =	shalt  }
.Lfunc_end0:
.L_simem_size_0:
called_computation.1_lowered:
.L_overlay_start_0:
0x88: {  	s2 =	sld [smem:$0x3FD9]  }
0x89: {  	s3 =	sld [smem:$0x3FFE];
	_ =	sdelay $0x1  }
0x8a: {  	s1 =	srdreg.scid  }
0x8b: {  	s0 =	sand.u32 $0x1, s1  }
0x8c: {  	s16 =	sshll.u32 s0, $0xA;
	s2 =	sadd.s32 s3, s2  }
0x8d: {  	s2 =	sadd.s32 s2, s16  }
0x8e: {  	[smem:$0x3FC0] =	sst s2  }
0x8f: {  	_ = 	snop  }
0x90: {  	(tm) =	ssettm $0x1  }
0x91: {  	s17 =	sld [smem:$0x3FFB];
	_ =	sdelay $0x3  }
0x92: {  	_ =	strace s17  }
0x93: {  	s2 =	sld [smem:$0x3FFC];
	_ =	sdelay $0x3  }
0x94: {  	_ =	strace s2  }
0x95: {  	s2 =	sld [smem:$0x3FFD];
	_ =	sdelay $0x3  }
0x96: {  	_ =	strace s2  }
0x97: {  	_ =	strace $0x8FFFFFFF  }
0x98: {  	s18 =	sld [smem:$0x3FDB];
	_ =	sdelay $0x1  }
0x99: {  	s19 =	simm.s32 $_scs_section_size  }
0x9a: {  	s4 =	simm.s32 $_size__tile_overlayer_lowered;
	s5 =	simm.s32 $_tile_overlayer_lowered  }
0x9b: {  	s22 =	simm.s32 $0x1BFF;
	s21 =	sshll.u32 s5, $0x1;
	s2 =	sadd.s32 s19, s18  }
0x9c: {  	s6 =	simm.s32 $0x0;
	s20 =	sshll.u32 s4, $0x1;
	s4 =	sadd.s32 s21, s2  }
0x9d: {  	[timem:s6], [sflag:s22] =	dma.local [hbm:s4], s20  }
0x9e: {  	_ =	swait.ge [sflag:s22], s20  }
0x9f: {  	s3 =	ssub.s32 $0x0, s20;
	[sflag:s22] =	ssyncset.done $0x0  }
0xa0: {  	[sflag:s22] =	ssyncadd.s32 s3;
	_ =	sdelay $0x1  }
0xa1: {  	s23 =	simm.s32 $0x1B8B  }
0xa2: {  	_ =	swait.ge [sflag:s23], $0x1  }
0xa3: {  	[sflag:s23] =	ssyncset.done $0x0  }
0xa4: {  	s25 =	simm.s32 $0x1B8E;
	s24 =	sld [smem:$0x3FFE];
	[sflag:s23] =	ssyncadd.s32 $0xFFFFFFFF  }
0xa5: {  	s26 =	simm.s32 $execute0_lowered;
	[smem:$0x3FD2] =	sst s25  }
0xa6: {  	s4 =	sshll.u32 s26, $0x1;
	_ =	strace $0x80000049;
	[dreg:$0x1] =	wrdreg $0xFFFFFFFF  }
0xa7: {  	s28 =	simm.s32 $_size_execute0_lowered;
	s2 =	sadd.s32 s2, s4;
	[dreg:$0x0] =	wrdreg $0x0  }
0xa8: {  	s4 =	sshll.u32 s28, $0x1;
	[dreg:$0x2] =	wrdreg s2  }
0xa9: {  	[dreg:$0x3] =	wrdreg s4  }
0xaa: {  	[dreg:$0x4] =	wrdreg $0xC0  }
0xab: {  	_ =	task [dreg:s6], $0x5FFFF  }
0xac: {  	[dreg:$0x1] =	wrdreg $0xFFFFFFFF  }
0xad: {  	[dreg:$0x0] =	wrdreg $0x60  }
0xae: {  	[dreg:$0x2] =	wrdreg s24  }
0xaf: {  	[dreg:$0x3] =	wrdreg $0x0  }
0xb0: {  	[dreg:$0x4] =	wrdreg $0x9  }
0xb1: {  	_ =	task.clear_ibuf [dreg:s6], $0x5FFFF;
	_ =	strace $0x90000049  }
0xb2: {  	s29 =	simm.s32 $0x9;
	_ =	strace $0x8000004B  }
0xb3: {  	_ =	swait.ge [sflag:s29], $0x1  }
0xb4: {  	[sflag:s29] =	ssyncadd.s32 $0xFFFFFFFF  }
0xb5: {  	_ =	strace $0x9000004B  }
0xb6: {  	_ =	sfence  }
0xb7: {  	s30 =	sld [smem:$0x0];
	_ =	sdelay $0x2  }
0xb8: {  	s31 =	sshll.u32 s1, $0xD;
	s1 =	sshrl.u32 s1, $0x2  }
0xb9: {  	s3 =	sand.u32 $0x4000, s31;
	s1 =	sadd.s32 s1, s30  }
0xba: {  	s0 =	sor.u32 s3, s0;
	s1 =	sshll.u32 s1, $0x11  }
0xbb: {  	s0 =	sor.u32 s1, s0  }
0xbc: {  	s0 =	sadd.s32 $0x8F2B, s0  }
0xbd: {  	[sflag:s0] =	ssyncadd.remote.s32 $0x1  }
0xbe: {  	_ =	sfence.sel $0xFFFF  }
0xbf: {  	[dreg:$0x0] =	wrdreg $0xFFFFFFFF;
	(pc) =	sbr.abs _section_cstart, $3  }
0xc0: {  	[dreg:$0x1] =	wrdreg $0xFFFFFFFF  }
0xc1: {  	_ =	task.clear_ibuf [dreg:s6], $0x2FFFF;
	_ =	strace $0x9FFFFFFF  }
0xc2: {  	(tm) =	ssettm $0x7FFFFFFF  }
0xc3: {  	_ =	shalt  }
tec
execute0_lowered:
.L_overlay_start_1:
0x0: {  	(tag) =	ssettag $0x1  }
0x1: {  	s7 =	rddreg [dreg:$0x0];
	s0 =	srdreg.scid  }
0x2: {  	s2 =	rddreg [dreg:$0x1];
	s1 =	stileid.u32  }
0x3: {  	s3 =	simm.s32 $0x0;
	s13 =	simm.s32 $0x189C0;
	s14 =	simm.s32 $0x190C0  }
0x4: {  	s15 =	simm.s32 $0x80;
	s16 =	simm.s32 $0x197C0;
	s17 =	simm.s32 $0x1  }
0x5: {  	s8 =	sand.u32 $0x1, s0;
	s0 =	rddreg [dreg:$0x2];
	s9 =	smul.u32 $0x189C0, s1  }
0x6: {  	[smem:$0x7FF] =	sst s3;
	s4 =	sadd.s32 $0x6C00, s7;
	s12 =	smul.u32 $0x62700, s1  }
0x7: {  	s6 =	sadd.s32 $0xE2A00, s7;
	s5 =	smul.u32 $0x189C00, s8;
	s30 =	ssub.s32 $0x2, s8  }
0x8: {  	_ =	strace $0x8000004A;
	s8 =	sshll.u32 s8, $0x4;
	s11 =	sshrl.u32 s30, $0x1  }
0x9: {  	s8 =	sor.u32 s1, s8;
	s18 =	sadd.s32 s9, s2;
	s31 =	sshrl.u32 s12, $0x2  }
0xa: {  	s12 =	simm.s32 $0x2;
	s10 =	sadd.s32 s9, s5;
	s5 =	sadd.s32 $0xFB200, s7  }
0xb: {  	s11 =	ssub.s32 s30, s11;
	s18 =	sshrl.u32 s18, $0x3;
	s10 =	sshrl.u32 s10, $0x3  }
0xc: {  	s9 =	smax.u32 s11, $0x1;
	s11 =	simm.s32 $0x1A7C0;
	s10 =	sadd.s32 s10, s7  }
0xd: {  	v0 =	vimm.f32 $0.0e+00;
	s7 =	smul.u32 $0x6200, s8;
	s8 =	sadd.s32 $0x37A00, s10;
	s10 =	sadd.s32 s31, s2  }
.LBB2_1:
0xe: {  	s19 =	simm.s32 $0x0  }
.LBB2_2:
0xf: {  	p0 =	sne.s32 s19, $0x4A80  }
.Ltmp0:
0x10: {  	_ = 	snop;
	(pc) =	sbr.rel @p0 .LBB2_2-.Ltmp0, $4  }
0x11: {  	_ = 	snop  }
0x12: {  	s20 =	sshra.s32 s19, $0x2  }
0x13: {  	[tilespmem:s20+$0x1A7C0] =	vst v0  }
0x14: {  	s19 =	sadd.s32 $0x80, s19;
	[tilespmem:s20+$0x1A7D0] =	vst v0  }
0x15: {  	s19 =	sadd.s32 $0x0, s10  }
0x16: {  	[spmem:s19] =	stream.linear.scatter [tilespmem:s11], [sflag:$0x2], $0x12C0, $0x38;
	[tilespmem:$0x1BA80] =	vst v63  }
0x17: {  	s19 =	simm.s32 $0x4B00;
	_ =	swait.ge [sflag:s12], $0x12C0  }
.LBB2_4:
0x18: {  	s20 =	sshra.s32 s19, $0x2;
	[sflag:s12] =	ssyncset.done $0x0;
	p0 =	sne.s32 s19, $0x5DC00  }
.Ltmp1:
0x19: {  	s20 =	sadd.s32 s20, s10;
	[sflag:s12] =	ssyncadd.s32 $0xFFFFED40;
	(pc) =	sbr.rel @p0 .LBB2_4-.Ltmp1, $3  }
0x1a: {  	[spmem:s20] =	stream.linear.scatter [tilespmem:s11], [sflag:$0x2], $0x12C0, $0x38;
	[tilespmem:$0x1BA80] =	vst v63  }
0x1b: {  	s19 =	sadd.s32 $0x4B00, s19;
	_ =	sdelay $0x1  }
0x1c: {  	_ =	swait.ge [sflag:s12], $0x12C0  }
0x1d: {  	[sflag:s12] =	ssyncset.done $0x0  }
0x1e: {  	[sflag:s12] =	ssyncadd.s32 $0xFFFFED40  }
0x1f: {  	s19 =	simm.s32 $0x0;
	s20 =	simm.s32 $0x0;
	[bflag:$0x0] =	sbarrier.arrive $0xFFFF  }
.LBB2_6:
0x20: {  	s21 =	smul.u32 $0x700, s20;
	_ =	sdelay $0x1  }
0x21: {  	s21 =	sadd.s32 s7, s21  }
0x22: {  	s21 =	sshrl.u32 s21, $0x3  }
0x23: {  	s22 =	sadd.s32 s5, s21  }
0x24: {  	[tilespmem:s13], [sflag:$0x2] =	stream.linear.gather [hbm4b:s22+s19], $0x700, $0x38;
	[tilespmem:$0x1BA80] =	vst v63  }
0x25: {  	_ =	swait.ge [sflag:s12], $0x700  }
0x26: {  	[sflag:s12] =	ssyncset.done $0x0  }
0x27: {  	s21 =	sadd.s32 s6, s21;
	[sflag:s12] =	ssyncadd.s32 $0xFFFFF900  }
0x28: {  	[tilespmem:s14], [sflag:$0x2] =	stream.linear.gather [hbm4b:s21+s19], $0x700, $0x38;
	[tilespmem:$0x1BA80] =	vst v63  }
0x29: {  	_ =	swait.ge [sflag:s12], $0x700  }
0x2a: {  	[sflag:s12] =	ssyncset.done $0x0  }
0x2b: {  	s30 =	simm.s32 $0x189C0;
	[sflag:s12] =	ssyncadd.s32 $0xFFFFF900  }
0x2c: {  	[tilespmem:s16], [sflag:$0x1] =	stream.indirect.gather [hbm4b:s4+s15], $0x20, s30, s15, $0xb8;
	[tilespmem:$0x1BA80] =	vst v63  }
0x2d: {  	_ =	swait.ge [sflag:s17], $0x1000  }
0x2e: {  	[sflag:s17] =	ssyncset.done $0x0  }
0x2f: {  	s31 =	simm.s32 $0x190C0;
	[sflag:s17] =	ssyncadd.s32 $0xFFFFF000  }
0x30: {  	[spmem:s2] =	stream.indirect.scatter.add.f32 [tilespmem:s16], [sflag:$0x2], $0x20, s31, s15, $0xb8;
	[tilespmem:$0x1BA80] =	vst v63  }
0x31: {  	_ =	swait.ge [sflag:s12], $0x1000  }
0x32: {  	s22 =	simm.s32 $0x400;
	s21 =	simm.s32 $0x80;
	[sflag:s12] =	ssyncset.done $0x0  }
.LBB2_7:
0x33: {  	s23 =	sadd.s32 $0x189C0, s21  }
0x34: {  	[sflag:s12] =	ssyncadd.s32 $0xFFFFF000;
	s24 =	smov.u32 s22;
	s25 =	sadd.s32 $0x200, s22  }
0x35: {  	[tilespmem:s16], [sflag:$0x1] =	stream.indirect.gather [hbm4b:s4+s15], $0x20, s23, s15, $0xb8;
	[tilespmem:$0x1BA80] =	vst v63  }
0x36: {  	p0 =	sne.s32 s22, $0x1A00;
	_ =	swait.ge [sflag:s17], $0x1000  }
.Ltmp2:
0x37: {  	[sflag:s17] =	ssyncset.done $0x0;
	(pc) =	sbr.rel @p0 .LBB2_7-.Ltmp2, $4  }
0x38: {  	s21 =	sadd.s32 $0x190C0, s21;
	[sflag:s17] =	ssyncadd.s32 $0xFFFFF000  }
0x39: {  	[spmem:s2] =	stream.indirect.scatter.add.f32 [tilespmem:s16], [sflag:$0x2], $0x20, s21, s15, $0xb8;
	[tilespmem:$0x1BA80] =	vst v63  }
0x3a: {  	_ =	swait.ge [sflag:s12], $0x1000  }
0x3b: {  	s22 =	smov.u32 s25;
	s21 =	sshra.s32 s24, $0x2;
	[sflag:s12] =	ssyncset.done $0x0  }
0x3c: {  	s22 =	sadd.s32 $0x189C0, s21;
	[sflag:s12] =	ssyncadd.s32 $0xFFFFF000  }
0x3d: {  	[tilespmem:s16], [sflag:$0x1] =	stream.indirect.gather [hbm4b:s4+s15], $0x20, s22, s15, $0xb8;
	[tilespmem:$0x1BA80] =	vst v63  }
0x3e: {  	s20 =	sadd.s32 $0x1, s20;
	_ =	swait.ge [sflag:s17], $0x1000  }
0x3f: {  	p0 =	sne.s32 s20, $0xE;
	[sflag:s17] =	ssyncset.done $0x0  }
.Ltmp3:
0x40: {  	s31 =	sadd.s32 $0x190C0, s21;
	[sflag:s17] =	ssyncadd.s32 $0xFFFFF000;
	(pc) =	sbr.rel @p0 .LBB2_6-.Ltmp3, $4  }
0x41: {  	[spmem:s2] =	stream.indirect.scatter.add.f32 [tilespmem:s16], [sflag:$0x2], $0x20, s31, s15, $0xb8;
	[tilespmem:$0x1BA80] =	vst v63  }
0x42: {  	_ =	swait.ge [sflag:s12], $0x1000  }
0x43: {  	[sflag:s12] =	ssyncset.done $0x0  }
0x44: {  	[sflag:s12] =	ssyncadd.s32 $0xFFFFF000  }
0x45: {  	s3 =	sadd.s32 $0x1, s3  }
0x46: {  	s19 =	sshll.u32 s1, $0x6;
	p0 =	sne.s32 s3, s9  }
.Ltmp4:
0x47: {  	[bflag:$0x0] =	sbarrier.arrive $0xFFFF;
	s19 =	sor.u32 $0x1C02, s19;
	(pc) =	sbr.rel @p0 .LBB2_1-.Ltmp4, $4  }
0x48: {  	[hbm:s8], [sflag:s19] =	dma.local [spmem:s18], $0x3138  }
0x49: {  	_ =	swait.ge [sflag:s12], $0x3138  }
0x4a: {  	[sflag:s12] =	ssyncset.done $0x0  }
0x4b: {  	[sflag:s12] =	ssyncadd.s32 $0xFFFFCEC8  }
0x4c: {  	_ =	sfence.sel $0x180000  }
0x4d: {  	[bflag:$0x0] =	sbarrier.arrive $0xFFFF  }
0x4e: {  	p0 =	sne.s32 s1, $0x0;
	_ =	strace $0x9000004A  }
0x4f: {  	s0 =	sadd.s32 @!p0 $0x100000, s0;
	[bflag:$0x2] =	sbarrier.arrive $0xFFFF  }
0x50: {  	[sflag:s0] =	ssyncadd.tile.s32 @!p0 $0x1;
	_ =	shalt  }
.Lfunc_end2:
_tile_overlayer_lowered:
.L_overlay_start_2:
0x51: {  	(tag) =	ssettag $0x2  }
0x52: {  	s0 =	rddreg [dreg:$0x0];
	s2 =	stileid.u32  }
0x53: {  	s1 =	rddreg [dreg:$0x1];
	p0 =	sne.s32 s2, $0x0  }
0x54: {  	s3 =	rddreg [dreg:$0x2];
	[bflag:$0x3] =	sbarrier.arrive $0xFFFF;
	s2 =	simm.s32 @!p0 $0x1C02  }
0x55: {  	[timem:s3], [sflag:s2] =	dma.local @!p0 [hbm:s0], s1  }
0x56: {  	s0 =	simm.s32 @!p0 $0x2  }
0x57: {  	_ =	swait.ge @!p0 [sflag:s0], s1  }
0x58: {  	s1 =	ssub.s32 @!p0 $0x0, s1;
	[sflag:s0] =	ssyncset.done @!p0 $0x0  }
0x59: {  	[sflag:s0] =	ssyncadd.s32 @!p0 s1  }
0x5a: {  	[bflag:$0x3] =	sbarrier.arrive $0xFFFF  }
0x5b: {  	_ =	shalt  }

// kernel: kernel.19.cloned.1.call-start
scs
__scs_entry_jumppad:
0x0: {  	(pc) =	sbr.rel $0x88, $3  }
0x1: {  	(tag) =	ssettag $0x0;
	lr =	simm.s32 $0x1  }
0x2: {  	[smem:$0x3F99] =	sst lr;
	_ =	strace $0xD0000000  }
0x3: {  	_ = 	snop  }
0x4: {  	_ = 	snop  }
0x5: {  	_ = 	snop  }
0x6: {  	_ = 	snop  }
0x7: {  	_ = 	snop  }
__scs_overlays_trampoline_lowered:
0x8: {  	[smem:$0x3FA8] =	sst s0  }
0x9: {  	[smem:$0x3FA9] =	sst s1  }
0xa: {  	[smem:$0x3FAA] =	sst s2  }
0xb: {  	[smem:$0x3FAB] =	sst s3  }
0xc: {  	[smem:$0x3FAC] =	sst s4  }
0xd: {  	[smem:$0x3FAD] =	sst s5  }
0xe: {  	[smem:$0x3FAE] =	sst s6  }
0xf: {  	[smem:$0x3FAF] =	sst s7  }
0x10: {  	[smem:$0x3FB0] =	sst s8  }
0x11: {  	[smem:$0x3FB1] =	sst s9;
	s0 =	simm.s32 @!p0 $0x0  }
0x12: {  	s1 =	sld [smem:$0x3F97];
	s0 =	simm.s32 @p0 $0x1  }
0x13: {  	[smem:$0x3FB2] =	sst s0;
	s0 =	simm.s32 @!p1 $0x0  }
0x14: {  	s2 =	sld [smem:$0x3F96];
	s0 =	simm.s32 @p1 $0x1  }
0x15: {  	[smem:$0x3FB3] =	sst s0;
	s0 =	simm.s32 @!p2 $0x0  }
0x16: {  	s3 =	sld [smem:$0x3FDB];
	s0 =	simm.s32 @p2 $0x1  }
0x17: {  	s4 =	simm.s32 $0x1BF5;
	[smem:$0x3FB5] =	sst s0  }
0x18: {  	s0 =	sld [smem:$0x3F98];
	_ =	swait.ge [sflag:s4], $0x0  }
0x19: {  	s7 =	sld [smem:$0x3F99]  }
0x1a: {  	s8 =	sadd.s32 $0xFFFFE003, lr  }
0x1b: {  	s9 =	sadd.s32 $0xFFFFFEF7, lr;
	s5 =	simm.s32 $0xFFFFFFFF;
	p2 =	slt.u32 s8, $0xFFFFF086  }
0x1c: {  	p1 =	slt.u32 s9, $0xF7A;
	s5 =	simm.s32 @!p2 $0x0  }
0x1d: {  	s5 =	simm.s32 @p1 $0x1;
	p0 =	seq.s32 s7, s2  }
0x1e: {  	s7 =	smul.u32 @!p0 $0xF7A, s2;
	p2 =	seq.s32 @!p0 s5, $0x0  }
0x1f: {  	s9 =	smul.u32 $0xF7A, s1;
	s8 =	simm.s32 @!p0 $0x1BF5;
	p2 =	por !p2, p0  }
0x20: {  	[sflag:s8] =	ssyncset.s32 @!p0 $0xFFFFF086;
	s6 =	sadd.s32 @!p0 s3, s7;
	s7 =	simm.s32 @!p0 $0x108  }
0x21: {  	s3 =	sadd.s32 s3, s9;
	s6 =	sadd.s32 @!p0 $0x88, s6;
	s7 =	simm.s32 @p2 $0x1082  }
0x22: {  	[simem:s7], [sflag:s8] =	dma.local @!p0 [hbm:s6], $0xF7A  }
0x23: {  	s9 =	sor.u32 $0xD0000000, s2;
	s6 =	simm.s32 $0x108;
	_ =	swait.ge @!p0 [sflag:s8], $0x0  }
0x24: {  	s3 =	sadd.s32 $0x88, s3;
	s6 =	simm.s32 @!p1 $0x1082;
	[sflag:s4] =	ssyncset.s32 $0xFFFFF086  }
0x25: {  	[simem:s6], [sflag:s4] =	dma.local [hbm:s3], $0xF7A  }
0x26: {  	[smem:$0x3F99] =	sst s1;
	(tag) =	ssettag s2;
	_ =	strace s9  }
0x27: {  	s1 =	sld [smem:$0x3FA9]  }
0x28: {  	s2 =	sld [smem:$0x3FAA]  }
0x29: {  	s4 =	sld [smem:$0x3FAC]  }
0x2a: {  	p0 =	seq.s32 s5, $0x0;
	s5 =	sld [smem:$0x3FAD]  }
0x2b: {  	s6 =	sld [smem:$0x3FAE]  }
0x2c: {  	s7 =	sld [smem:$0x3FAF]  }
0x2d: {  	s3 =	simm.s32 $0x108;
	s8 =	sld [smem:$0x3FB0]  }
0x2e: {  	s3 =	simm.s32 @!p0 $0x1082;
	s9 =	sld [smem:$0x3FB1]  }
0x2f: {  	lr =	sadd.s32 s0, s3;
	s0 =	sld [smem:$0x3FA8]  }
0x30: {  	s3 =	sld [smem:$0x3FAB]  }
0x31: {  	[smem:$0x3FB4] =	sst s10  }
0x32: {  	s10 =	sld [smem:$0x3FB2];
	_ =	sdelay $0x3  }
0x33: {  	p0 =	seq.s32 s10, $0x1;
	s10 =	sld [smem:$0x3FB4];
	_ =	sdelay $0x3  }
0x34: {  	[smem:$0x3FB4] =	sst s10  }
0x35: {  	s10 =	sld [smem:$0x3FB3];
	_ =	sdelay $0x3  }
0x36: {  	p1 =	seq.s32 s10, $0x1;
	s10 =	sld [smem:$0x3FB4];
	_ =	sdelay $0x3  }
0x37: {  	[smem:$0x3FB4] =	sst s10  }
0x38: {  	s10 =	sld [smem:$0x3FB5]  }
0x39: {  	_ = 	snop;
	(pc) =	sbr.ind lr, $3  }
0x3a: {  	_ = 	snop  }
0x3b: {  	_ = 	snop  }
0x3c: {  	p2 =	seq.s32 s10, $0x1;
	s10 =	sld [smem:$0x3FB4]  }
0x3d: {  	_ =	shalt  }
0x3e: {  	_ =	shalt  }
0x3f: {  	_ =	shalt  }
0x40: {  	_ =	shalt  }
0x41: {  	_ =	shalt  }
0x42: {  	_ =	shalt  }
0x43: {  	_ =	shalt  }
0x44: {  	_ =	shalt  }
0x45: {  	_ =	shalt  }
0x46: {  	_ =	shalt  }
0x47: {  	_ =	shalt  }
0x48: {  	_ =	shalt  }
0x49: {  	_ =	shalt  }
0x4a: {  	_ =	shalt  }
0x4b: {  	_ =	shalt  }
0x4c: {  	_ =	shalt  }
0x4d: {  	_ =	shalt  }
0x4e: {  	_ =	shalt  }
0x4f: {  	_ =	shalt  }
0x50: {  	_ =	shalt  }
0x51: {  	_ =	shalt  }
0x52: {  	_ =	shalt  }
0x53: {  	_ =	shalt  }
0x54: {  	_ =	shalt  }
0x55: {  	_ =	shalt  }
0x56: {  	_ =	shalt  }
0x57: {  	_ =	shalt  }
0x58: {  	_ =	shalt  }
0x59: {  	_ =	shalt  }
0x5a: {  	_ =	shalt  }
0x5b: {  	_ =	shalt  }
0x5c: {  	_ =	shalt  }
0x5d: {  	_ =	shalt  }
0x5e: {  	_ =	shalt  }
0x5f: {  	_ =	shalt  }
0x60: {  	_ =	shalt  }
0x61: {  	_ =	shalt  }
0x62: {  	_ =	shalt  }
0x63: {  	_ =	shalt  }
0x64: {  	_ =	shalt  }
0x65: {  	_ =	shalt  }
0x66: {  	_ =	shalt  }
0x67: {  	_ =	shalt  }
0x68: {  	_ =	shalt  }
0x69: {  	_ =	shalt  }
0x6a: {  	_ =	shalt  }
0x6b: {  	_ =	shalt  }
0x6c: {  	_ =	shalt  }
0x6d: {  	_ =	shalt  }
0x6e: {  	_ =	shalt  }
0x6f: {  	_ =	shalt  }
0x70: {  	_ =	shalt  }
0x71: {  	_ =	shalt  }
0x72: {  	_ =	shalt  }
0x73: {  	_ =	shalt  }
0x74: {  	_ =	shalt  }
0x75: {  	_ =	shalt  }
0x76: {  	_ =	shalt  }
0x77: {  	_ =	shalt  }
0x78: {  	_ =	shalt  }
0x79: {  	_ =	shalt  }
0x7a: {  	_ =	shalt  }
0x7b: {  	_ =	shalt  }
0x7c: {  	_ =	shalt  }
0x7d: {  	_ =	shalt  }
0x7e: {  	_ =	shalt  }
0x7f: {  	_ =	shalt  }
0x80: {  	_ =	shalt  }
0x81: {  	_ =	shalt  }
0x82: {  	_ =	shalt  }
0x83: {  	_ =	shalt  }
0x84: {  	_ =	shalt  }
0x85: {  	_ =	shalt  }
0x86: {  	_ =	shalt  }
0x87: {  	_ =	shalt  }
.Lfunc_end0:
.L_simem_size_0:
called_computation.2_lowered:
.L_overlay_start_0:
0x88: {  	s2 =	sld [smem:$0x3FD9]  }
0x89: {  	s3 =	sld [smem:$0x3FFE];
	_ =	sdelay $0x1  }
0x8a: {  	s1 =	srdreg.scid  }
0x8b: {  	s0 =	sand.u32 $0x1, s1  }
0x8c: {  	s16 =	sshll.u32 s0, $0xA;
	s2 =	sadd.s32 s3, s2  }
0x8d: {  	s2 =	sadd.s32 s2, s16  }
0x8e: {  	[smem:$0x3FC0] =	sst s2  }
0x8f: {  	_ = 	snop  }
0x90: {  	(tm) =	ssettm $0x1  }
0x91: {  	s17 =	sld [smem:$0x3FFB];
	_ =	sdelay $0x3  }
0x92: {  	_ =	strace s17  }
0x93: {  	s2 =	sld [smem:$0x3FFC];
	_ =	sdelay $0x3  }
0x94: {  	_ =	strace s2  }
0x95: {  	s2 =	sld [smem:$0x3FFD];
	_ =	sdelay $0x3  }
0x96: {  	_ =	strace s2  }
0x97: {  	_ =	strace $0x8FFFFFFF  }
0x98: {  	s18 =	sld [smem:$0x3FDB];
	_ =	sdelay $0x1  }
0x99: {  	s19 =	simm.s32 $_scs_section_size  }
0x9a: {  	s4 =	simm.s32 $_size__tile_overlayer_lowered;
	s5 =	simm.s32 $_tile_overlayer_lowered  }
0x9b: {  	s22 =	simm.s32 $0x1BFF;
	s21 =	sshll.u32 s5, $0x1;
	s2 =	sadd.s32 s19, s18  }
0x9c: {  	s6 =	simm.s32 $0x0;
	s20 =	sshll.u32 s4, $0x1;
	s4 =	sadd.s32 s21, s2  }
0x9d: {  	[timem:s6], [sflag:s22] =	dma.local [hbm:s4], s20  }
0x9e: {  	_ =	swait.ge [sflag:s22], s20  }
0x9f: {  	s3 =	ssub.s32 $0x0, s20;
	[sflag:s22] =	ssyncset.done $0x0  }
0xa0: {  	[sflag:s22] =	ssyncadd.s32 s3;
	_ =	sdelay $0x1  }
0xa1: {  	s23 =	simm.s32 $0x1B8B  }
0xa2: {  	_ =	swait.ge [sflag:s23], $0x1  }
0xa3: {  	[sflag:s23] =	ssyncset.done $0x0  }
0xa4: {  	s25 =	simm.s32 $0x1B8E;
	s24 =	sld [smem:$0x3FFE];
	[sflag:s23] =	ssyncadd.s32 $0xFFFFFFFF  }
0xa5: {  	s26 =	simm.s32 $execute0_lowered;
	[smem:$0x3FD2] =	sst s25  }
0xa6: {  	s4 =	sshll.u32 s26, $0x1;
	_ =	strace $0x8000004C;
	[dreg:$0x1] =	wrdreg $0xFFFFFFFF  }
0xa7: {  	s28 =	simm.s32 $_size_execute0_lowered;
	s2 =	sadd.s32 s2, s4;
	[dreg:$0x0] =	wrdreg $0x0  }
0xa8: {  	s4 =	sshll.u32 s28, $0x1;
	[dreg:$0x2] =	wrdreg s2  }
0xa9: {  	[dreg:$0x3] =	wrdreg s4  }
0xaa: {  	[dreg:$0x4] =	wrdreg $0xC0  }
0xab: {  	_ =	task [dreg:s6], $0x5FFFF  }
0xac: {  	[dreg:$0x1] =	wrdreg $0xFFFFFFFF  }
0xad: {  	[dreg:$0x0] =	wrdreg $0x60  }
0xae: {  	[dreg:$0x2] =	wrdreg s24  }
0xaf: {  	[dreg:$0x3] =	wrdreg $0x0  }
0xb0: {  	[dreg:$0x4] =	wrdreg $0x9  }
0xb1: {  	_ =	task.clear_ibuf [dreg:s6], $0x5FFFF;
	_ =	strace $0x9000004C  }
0xb2: {  	s29 =	simm.s32 $0x9;
	_ =	strace $0x8000004E  }
0xb3: {  	_ =	swait.ge [sflag:s29], $0x1  }
0xb4: {  	[sflag:s29] =	ssyncadd.s32 $0xFFFFFFFF  }
0xb5: {  	_ =	strace $0x9000004E  }
0xb6: {  	_ =	sfence  }
0xb7: {  	s30 =	sld [smem:$0x0];
	_ =	sdelay $0x2  }
0xb8: {  	s31 =	sshll.u32 s1, $0xD;
	s1 =	sshrl.u32 s1, $0x2  }
0xb9: {  	s3 =	sand.u32 $0x4000, s31;
	s1 =	sadd.s32 s1, s30  }
0xba: {  	s0 =	sor.u32 s3, s0;
	s1 =	sshll.u32 s1, $0x11  }
0xbb: {  	s0 =	sor.u32 s1, s0  }
0xbc: {  	s0 =	sadd.s32 $0x8F2B, s0  }
0xbd: {  	[sflag:s0] =	ssyncadd.remote.s32 $0x1  }
0xbe: {  	_ =	sfence.sel $0xFFFF  }
0xbf: {  	[dreg:$0x0] =	wrdreg $0xFFFFFFFF;
	(pc) =	sbr.abs _section_cstart, $3  }
0xc0: {  	[dreg:$0x1] =	wrdreg $0xFFFFFFFF  }
0xc1: {  	_ =	task.clear_ibuf [dreg:s6], $0x2FFFF;
	_ =	strace $0x9FFFFFFF  }
0xc2: {  	(tm) =	ssettm $0x7FFFFFFF  }
0xc3: {  	_ =	shalt  }
tec
execute0_lowered:
.L_overlay_start_1:
0x0: {  	(tag) =	ssettag $0x1  }
0x1: {  	s7 =	rddreg [dreg:$0x0];
	s0 =	srdreg.scid  }
0x2: {  	s2 =	rddreg [dreg:$0x1];
	s1 =	stileid.u32  }
0x3: {  	s3 =	simm.s32 $0x0;
	s13 =	simm.s32 $0x189C0;
	s14 =	simm.s32 $0x190C0  }
0x4: {  	s15 =	simm.s32 $0x80;
	s16 =	simm.s32 $0x197C0;
	s17 =	simm.s32 $0x1  }
0x5: {  	s8 =	sand.u32 $0x1, s0;
	s0 =	rddreg [dreg:$0x2];
	s9 =	smul.u32 $0x189C0, s1  }
0x6: {  	[smem:$0x7FF] =	sst s3;
	s4 =	sadd.s32 $0x113A00, s7;
	s12 =	smul.u32 $0x62700, s1  }
0x7: {  	s6 =	sadd.s32 $0xE2A00, s7;
	s5 =	smul.u32 $0x189C00, s8;
	s30 =	ssub.s32 $0x2, s8  }
0x8: {  	_ =	strace $0x8000004D;
	s8 =	sshll.u32 s8, $0x4;
	s11 =	sshrl.u32 s30, $0x1  }
0x9: {  	s8 =	sor.u32 s1, s8;
	s18 =	sadd.s32 s9, s2;
	s31 =	sshrl.u32 s12, $0x2  }
0xa: {  	s12 =	simm.s32 $0x2;
	s10 =	sadd.s32 s9, s5;
	s5 =	sadd.s32 $0xFB200, s7  }
0xb: {  	s11 =	ssub.s32 s30, s11;
	s18 =	sshrl.u32 s18, $0x3;
	s10 =	sshrl.u32 s10, $0x3  }
0xc: {  	s9 =	smax.u32 s11, $0x1;
	s11 =	simm.s32 $0x1A7C0;
	s10 =	sadd.s32 s10, s7  }
0xd: {  	v0 =	vimm.f32 $0.0e+00;
	s7 =	smul.u32 $0x6200, s8;
	s8 =	sadd.s32 $0x144800, s10;
	s10 =	sadd.s32 s31, s2  }
.LBB2_1:
0xe: {  	s19 =	simm.s32 $0x0  }
.LBB2_2:
0xf: {  	p0 =	sne.s32 s19, $0x4A80  }
.Ltmp0:
0x10: {  	_ = 	snop;
	(pc) =	sbr.rel @p0 .LBB2_2-.Ltmp0, $4  }
0x11: {  	_ = 	snop  }
0x12: {  	s20 =	sshra.s32 s19, $0x2  }
0x13: {  	[tilespmem:s20+$0x1A7C0] =	vst v0  }
0x14: {  	s19 =	sadd.s32 $0x80, s19;
	[tilespmem:s20+$0x1A7D0] =	vst v0  }
0x15: {  	s19 =	sadd.s32 $0x0, s10  }
0x16: {  	[spmem:s19] =	stream.linear.scatter [tilespmem:s11], [sflag:$0x2], $0x12C0, $0x38;
	[tilespmem:$0x1BA80] =	vst v63  }
0x17: {  	s19 =	simm.s32 $0x4B00;
	_ =	swait.ge [sflag:s12], $0x12C0  }
.LBB2_4:
0x18: {  	s20 =	sshra.s32 s19, $0x2;
	[sflag:s12] =	ssyncset.done $0x0;
	p0 =	sne.s32 s19, $0x5DC00  }
.Ltmp1:
0x19: {  	s20 =	sadd.s32 s20, s10;
	[sflag:s12] =	ssyncadd.s32 $0xFFFFED40;
	(pc) =	sbr.rel @p0 .LBB2_4-.Ltmp1, $3  }
0x1a: {  	[spmem:s20] =	stream.linear.scatter [tilespmem:s11], [sflag:$0x2], $0x12C0, $0x38;
	[tilespmem:$0x1BA80] =	vst v63  }
0x1b: {  	s19 =	sadd.s32 $0x4B00, s19;
	_ =	sdelay $0x1  }
0x1c: {  	_ =	swait.ge [sflag:s12], $0x12C0  }
0x1d: {  	[sflag:s12] =	ssyncset.done $0x0  }
0x1e: {  	[sflag:s12] =	ssyncadd.s32 $0xFFFFED40  }
0x1f: {  	s19 =	simm.s32 $0x0;
	s20 =	simm.s32 $0x0;
	[bflag:$0x0] =	sbarrier.arrive $0xFFFF  }
.LBB2_6:
0x20: {  	s21 =	smul.u32 $0x700, s20;
	_ =	sdelay $0x1  }
0x21: {  	s21 =	sadd.s32 s7, s21  }
0x22: {  	s21 =	sshrl.u32 s21, $0x3  }
0x23: {  	s22 =	sadd.s32 s5, s21  }
0x24: {  	[tilespmem:s13], [sflag:$0x2] =	stream.linear.gather [hbm4b:s22+s19], $0x700, $0x38;
	[tilespmem:$0x1BA80] =	vst v63  }
0x25: {  	_ =	swait.ge [sflag:s12], $0x700  }
0x26: {  	[sflag:s12] =	ssyncset.done $0x0  }
0x27: {  	s21 =	sadd.s32 s6, s21;
	[sflag:s12] =	ssyncadd.s32 $0xFFFFF900  }
0x28: {  	[tilespmem:s14], [sflag:$0x2] =	stream.linear.gather [hbm4b:s21+s19], $0x700, $0x38;
	[tilespmem:$0x1BA80] =	vst v63  }
0x29: {  	_ =	swait.ge [sflag:s12], $0x700  }
0x2a: {  	[sflag:s12] =	ssyncset.done $0x0  }
0x2b: {  	s30 =	simm.s32 $0x189C0;
	[sflag:s12] =	ssyncadd.s32 $0xFFFFF900  }
0x2c: {  	[tilespmem:s16], [sflag:$0x1] =	stream.indirect.gather [hbm4b:s4+s15], $0x20, s30, s15, $0xb8;
	[tilespmem:$0x1BA80] =	vst v63  }
0x2d: {  	_ =	swait.ge [sflag:s17], $0x1000  }
0x2e: {  	[sflag:s17] =	ssyncset.done $0x0  }
0x2f: {  	s31 =	simm.s32 $0x190C0;
	[sflag:s17] =	ssyncadd.s32 $0xFFFFF000  }
0x30: {  	[spmem:s2] =	stream.indirect.scatter.add.f32 [tilespmem:s16], [sflag:$0x2], $0x20, s31, s15, $0xb8;
	[tilespmem:$0x1BA80] =	vst v63  }
0x31: {  	_ =	swait.ge [sflag:s12], $0x1000  }
0x32: {  	s22 =	simm.s32 $0x400;
	s21 =	simm.s32 $0x80;
	[sflag:s12] =	ssyncset.done $0x0  }
.LBB2_7:
0x33: {  	s23 =	sadd.s32 $0x189C0, s21  }
0x34: {  	[sflag:s12] =	ssyncadd.s32 $0xFFFFF000;
	s24 =	smov.u32 s22;
	s25 =	sadd.s32 $0x200, s22  }
0x35: {  	[tilespmem:s16], [sflag:$0x1] =	stream.indirect.gather [hbm4b:s4+s15], $0x20, s23, s15, $0xb8;
	[tilespmem:$0x1BA80] =	vst v63  }
0x36: {  	p0 =	sne.s32 s22, $0x1A00;
	_ =	swait.ge [sflag:s17], $0x1000  }
.Ltmp2:
0x37: {  	[sflag:s17] =	ssyncset.done $0x0;
	(pc) =	sbr.rel @p0 .LBB2_7-.Ltmp2, $4  }
0x38: {  	s21 =	sadd.s32 $0x190C0, s21;
	[sflag:s17] =	ssyncadd.s32 $0xFFFFF000  }
0x39: {  	[spmem:s2] =	stream.indirect.scatter.add.f32 [tilespmem:s16], [sflag:$0x2], $0x20, s21, s15, $0xb8;
	[tilespmem:$0x1BA80] =	vst v63  }
0x3a: {  	_ =	swait.ge [sflag:s12], $0x1000  }
0x3b: {  	s22 =	smov.u32 s25;
	s21 =	sshra.s32 s24, $0x2;
	[sflag:s12] =	ssyncset.done $0x0  }
0x3c: {  	s22 =	sadd.s32 $0x189C0, s21;
	[sflag:s12] =	ssyncadd.s32 $0xFFFFF000  }
0x3d: {  	[tilespmem:s16], [sflag:$0x1] =	stream.indirect.gather [hbm4b:s4+s15], $0x20, s22, s15, $0xb8;
	[tilespmem:$0x1BA80] =	vst v63  }
0x3e: {  	s20 =	sadd.s32 $0x1, s20;
	_ =	swait.ge [sflag:s17], $0x1000  }
0x3f: {  	p0 =	sne.s32 s20, $0xE;
	[sflag:s17] =	ssyncset.done $0x0  }
.Ltmp3:
0x40: {  	s31 =	sadd.s32 $0x190C0, s21;
	[sflag:s17] =	ssyncadd.s32 $0xFFFFF000;
	(pc) =	sbr.rel @p0 .LBB2_6-.Ltmp3, $4  }
0x41: {  	[spmem:s2] =	stream.indirect.scatter.add.f32 [tilespmem:s16], [sflag:$0x2], $0x20, s31, s15, $0xb8;
	[tilespmem:$0x1BA80] =	vst v63  }
0x42: {  	_ =	swait.ge [sflag:s12], $0x1000  }
0x43: {  	[sflag:s12] =	ssyncset.done $0x0  }
0x44: {  	[sflag:s12] =	ssyncadd.s32 $0xFFFFF000  }
0x45: {  	s3 =	sadd.s32 $0x1, s3  }
0x46: {  	s19 =	sshll.u32 s1, $0x6;
	p0 =	sne.s32 s3, s9  }
.Ltmp4:
0x47: {  	[bflag:$0x0] =	sbarrier.arrive $0xFFFF;
	s19 =	sor.u32 $0x1C02, s19;
	(pc) =	sbr.rel @p0 .LBB2_1-.Ltmp4, $4  }
0x48: {  	[hbm:s8], [sflag:s19] =	dma.local [spmem:s18], $0x3138  }
0x49: {  	_ =	swait.ge [sflag:s12], $0x3138  }
0x4a: {  	[sflag:s12] =	ssyncset.done $0x0  }
0x4b: {  	[sflag:s12] =	ssyncadd.s32 $0xFFFFCEC8  }
0x4c: {  	_ =	sfence.sel $0x180000  }
0x4d: {  	[bflag:$0x0] =	sbarrier.arrive $0xFFFF  }
0x4e: {  	p0 =	sne.s32 s1, $0x0;
	_ =	strace $0x9000004D  }
0x4f: {  	s0 =	sadd.s32 @!p0 $0x100000, s0;
	[bflag:$0x2] =	sbarrier.arrive $0xFFFF  }
0x50: {  	[sflag:s0] =	ssyncadd.tile.s32 @!p0 $0x1;
	_ =	shalt  }
.Lfunc_end2:
_tile_overlayer_lowered:
.L_overlay_start_2:
0x51: {  	(tag) =	ssettag $0x2  }
0x52: {  	s0 =	rddreg [dreg:$0x0];
	s2 =	stileid.u32  }
0x53: {  	s1 =	rddreg [dreg:$0x1];
	p0 =	sne.s32 s2, $0x0  }
0x54: {  	s3 =	rddreg [dreg:$0x2];
	[bflag:$0x3] =	sbarrier.arrive $0xFFFF;
	s2 =	simm.s32 @!p0 $0x1C02  }
0x55: {  	[timem:s3], [sflag:s2] =	dma.local @!p0 [hbm:s0], s1  }
0x56: {  	s0 =	simm.s32 @!p0 $0x2  }
0x57: {  	_ =	swait.ge @!p0 [sflag:s0], s1  }
0x58: {  	s1 =	ssub.s32 @!p0 $0x0, s1;
	[sflag:s0] =	ssyncset.done @!p0 $0x0  }
0x59: {  	[sflag:s0] =	ssyncadd.s32 @!p0 s1  }
0x5a: {  	[bflag:$0x3] =	sbarrier.arrive $0xFFFF  }
0x5b: {  	_ =	shalt  }

// kernel: kernel.22.cloned.1.call-start
scs
__scs_entry_jumppad:
0x0: {  	(pc) =	sbr.rel $0x88, $3  }
0x1: {  	(tag) =	ssettag $0x0;
	lr =	simm.s32 $0x1  }
0x2: {  	[smem:$0x3F99] =	sst lr;
	_ =	strace $0xD0000000  }
0x3: {  	_ = 	snop  }
0x4: {  	_ = 	snop  }
0x5: {  	_ = 	snop  }
0x6: {  	_ = 	snop  }
0x7: {  	_ = 	snop  }
__scs_overlays_trampoline_lowered:
0x8: {  	[smem:$0x3FA8] =	sst s0  }
0x9: {  	[smem:$0x3FA9] =	sst s1  }
0xa: {  	[smem:$0x3FAA] =	sst s2  }
0xb: {  	[smem:$0x3FAB] =	sst s3  }
0xc: {  	[smem:$0x3FAC] =	sst s4  }
0xd: {  	[smem:$0x3FAD] =	sst s5  }
0xe: {  	[smem:$0x3FAE] =	sst s6  }
0xf: {  	[smem:$0x3FAF] =	sst s7  }
0x10: {  	[smem:$0x3FB0] =	sst s8  }
0x11: {  	[smem:$0x3FB1] =	sst s9;
	s0 =	simm.s32 @!p0 $0x0  }
0x12: {  	s1 =	sld [smem:$0x3F97];
	s0 =	simm.s32 @p0 $0x1  }
0x13: {  	[smem:$0x3FB2] =	sst s0;
	s0 =	simm.s32 @!p1 $0x0  }
0x14: {  	s2 =	sld [smem:$0x3F96];
	s0 =	simm.s32 @p1 $0x1  }
0x15: {  	[smem:$0x3FB3] =	sst s0;
	s0 =	simm.s32 @!p2 $0x0  }
0x16: {  	s3 =	sld [smem:$0x3FDB];
	s0 =	simm.s32 @p2 $0x1  }
0x17: {  	s4 =	simm.s32 $0x1BF5;
	[smem:$0x3FB5] =	sst s0  }
0x18: {  	s0 =	sld [smem:$0x3F98];
	_ =	swait.ge [sflag:s4], $0x0  }
0x19: {  	s7 =	sld [smem:$0x3F99]  }
0x1a: {  	s8 =	sadd.s32 $0xFFFFE003, lr  }
0x1b: {  	s9 =	sadd.s32 $0xFFFFFEF7, lr;
	s5 =	simm.s32 $0xFFFFFFFF;
	p2 =	slt.u32 s8, $0xFFFFF086  }
0x1c: {  	p1 =	slt.u32 s9, $0xF7A;
	s5 =	simm.s32 @!p2 $0x0  }
0x1d: {  	s5 =	simm.s32 @p1 $0x1;
	p0 =	seq.s32 s7, s2  }
0x1e: {  	s7 =	smul.u32 @!p0 $0xF7A, s2;
	p2 =	seq.s32 @!p0 s5, $0x0  }
0x1f: {  	s9 =	smul.u32 $0xF7A, s1;
	s8 =	simm.s32 @!p0 $0x1BF5;
	p2 =	por !p2, p0  }
0x20: {  	[sflag:s8] =	ssyncset.s32 @!p0 $0xFFFFF086;
	s6 =	sadd.s32 @!p0 s3, s7;
	s7 =	simm.s32 @!p0 $0x108  }
0x21: {  	s3 =	sadd.s32 s3, s9;
	s6 =	sadd.s32 @!p0 $0x88, s6;
	s7 =	simm.s32 @p2 $0x1082  }
0x22: {  	[simem:s7], [sflag:s8] =	dma.local @!p0 [hbm:s6], $0xF7A  }
0x23: {  	s9 =	sor.u32 $0xD0000000, s2;
	s6 =	simm.s32 $0x108;
	_ =	swait.ge @!p0 [sflag:s8], $0x0  }
0x24: {  	s3 =	sadd.s32 $0x88, s3;
	s6 =	simm.s32 @!p1 $0x1082;
	[sflag:s4] =	ssyncset.s32 $0xFFFFF086  }
0x25: {  	[simem:s6], [sflag:s4] =	dma.local [hbm:s3], $0xF7A  }
0x26: {  	[smem:$0x3F99] =	sst s1;
	(tag) =	ssettag s2;
	_ =	strace s9  }
0x27: {  	s1 =	sld [smem:$0x3FA9]  }
0x28: {  	s2 =	sld [smem:$0x3FAA]  }
0x29: {  	s4 =	sld [smem:$0x3FAC]  }
0x2a: {  	p0 =	seq.s32 s5, $0x0;
	s5 =	sld [smem:$0x3FAD]  }
0x2b: {  	s6 =	sld [smem:$0x3FAE]  }
0x2c: {  	s7 =	sld [smem:$0x3FAF]  }
0x2d: {  	s3 =	simm.s32 $0x108;
	s8 =	sld [smem:$0x3FB0]  }
0x2e: {  	s3 =	simm.s32 @!p0 $0x1082;
	s9 =	sld [smem:$0x3FB1]  }
0x2f: {  	lr =	sadd.s32 s0, s3;
	s0 =	sld [smem:$0x3FA8]  }
0x30: {  	s3 =	sld [smem:$0x3FAB]  }
0x31: {  	[smem:$0x3FB4] =	sst s10  }
0x32: {  	s10 =	sld [smem:$0x3FB2];
	_ =	sdelay $0x3  }
0x33: {  	p0 =	seq.s32 s10, $0x1;
	s10 =	sld [smem:$0x3FB4];
	_ =	sdelay $0x3  }
0x34: {  	[smem:$0x3FB4] =	sst s10  }
0x35: {  	s10 =	sld [smem:$0x3FB3];
	_ =	sdelay $0x3  }
0x36: {  	p1 =	seq.s32 s10, $0x1;
	s10 =	sld [smem:$0x3FB4];
	_ =	sdelay $0x3  }
0x37: {  	[smem:$0x3FB4] =	sst s10  }
0x38: {  	s10 =	sld [smem:$0x3FB5]  }
0x39: {  	_ = 	snop;
	(pc) =	sbr.ind lr, $3  }
0x3a: {  	_ = 	snop  }
0x3b: {  	_ = 	snop  }
0x3c: {  	p2 =	seq.s32 s10, $0x1;
	s10 =	sld [smem:$0x3FB4]  }
0x3d: {  	_ =	shalt  }
0x3e: {  	_ =	shalt  }
0x3f: {  	_ =	shalt  }
0x40: {  	_ =	shalt  }
0x41: {  	_ =	shalt  }
0x42: {  	_ =	shalt  }
0x43: {  	_ =	shalt  }
0x44: {  	_ =	shalt  }
0x45: {  	_ =	shalt  }
0x46: {  	_ =	shalt  }
0x47: {  	_ =	shalt  }
0x48: {  	_ =	shalt  }
0x49: {  	_ =	shalt  }
0x4a: {  	_ =	shalt  }
0x4b: {  	_ =	shalt  }
0x4c: {  	_ =	shalt  }
0x4d: {  	_ =	shalt  }
0x4e: {  	_ =	shalt  }
0x4f: {  	_ =	shalt  }
0x50: {  	_ =	shalt  }
0x51: {  	_ =	shalt  }
0x52: {  	_ =	shalt  }
0x53: {  	_ =	shalt  }
0x54: {  	_ =	shalt  }
0x55: {  	_ =	shalt  }
0x56: {  	_ =	shalt  }
0x57: {  	_ =	shalt  }
0x58: {  	_ =	shalt  }
0x59: {  	_ =	shalt  }
0x5a: {  	_ =	shalt  }
0x5b: {  	_ =	shalt  }
0x5c: {  	_ =	shalt  }
0x5d: {  	_ =	shalt  }
0x5e: {  	_ =	shalt  }
0x5f: {  	_ =	shalt  }
0x60: {  	_ =	shalt  }
0x61: {  	_ =	shalt  }
0x62: {  	_ =	shalt  }
0x63: {  	_ =	shalt  }
0x64: {  	_ =	shalt  }
0x65: {  	_ =	shalt  }
0x66: {  	_ =	shalt  }
0x67: {  	_ =	shalt  }
0x68: {  	_ =	shalt  }
0x69: {  	_ =	shalt  }
0x6a: {  	_ =	shalt  }
0x6b: {  	_ =	shalt  }
0x6c: {  	_ =	shalt  }
0x6d: {  	_ =	shalt  }
0x6e: {  	_ =	shalt  }
0x6f: {  	_ =	shalt  }
0x70: {  	_ =	shalt  }
0x71: {  	_ =	shalt  }
0x72: {  	_ =	shalt  }
0x73: {  	_ =	shalt  }
0x74: {  	_ =	shalt  }
0x75: {  	_ =	shalt  }
0x76: {  	_ =	shalt  }
0x77: {  	_ =	shalt  }
0x78: {  	_ =	shalt  }
0x79: {  	_ =	shalt  }
0x7a: {  	_ =	shalt  }
0x7b: {  	_ =	shalt  }
0x7c: {  	_ =	shalt  }
0x7d: {  	_ =	shalt  }
0x7e: {  	_ =	shalt  }
0x7f: {  	_ =	shalt  }
0x80: {  	_ =	shalt  }
0x81: {  	_ =	shalt  }
0x82: {  	_ =	shalt  }
0x83: {  	_ =	shalt  }
0x84: {  	_ =	shalt  }
0x85: {  	_ =	shalt  }
0x86: {  	_ =	shalt  }
0x87: {  	_ =	shalt  }
.Lfunc_end0:
.L_simem_size_0:
called_computation.3_lowered:
.L_overlay_start_0:
0x88: {  	s2 =	sld [smem:$0x3FD9]  }
0x89: {  	s3 =	sld [smem:$0x3FFE];
	_ =	sdelay $0x1  }
0x8a: {  	s1 =	srdreg.scid  }
0x8b: {  	s0 =	sand.u32 $0x1, s1  }
0x8c: {  	s17 =	sshll.u32 s0, $0xA;
	s2 =	sadd.s32 s3, s2  }
0x8d: {  	s2 =	sadd.s32 s2, s17  }
0x8e: {  	[smem:$0x3FC0] =	sst s2  }
0x8f: {  	_ = 	snop  }
0x90: {  	(tm) =	ssettm $0x1  }
0x91: {  	s18 =	sld [smem:$0x3FFB];
	_ =	sdelay $0x3  }
0x92: {  	_ =	strace s18  }
0x93: {  	s2 =	sld [smem:$0x3FFC];
	_ =	sdelay $0x3  }
0x94: {  	_ =	strace s2  }
0x95: {  	s2 =	sld [smem:$0x3FFD];
	_ =	sdelay $0x3  }
0x96: {  	_ =	strace s2  }
0x97: {  	_ =	strace $0x8FFFFFFF  }
0x98: {  	s19 =	sld [smem:$0x3FDB];
	_ =	sdelay $0x1  }
0x99: {  	s20 =	simm.s32 $_scs_section_size  }
0x9a: {  	s4 =	simm.s32 $_size__tile_overlayer_lowered;
	s5 =	simm.s32 $_tile_overlayer_lowered  }
0x9b: {  	s6 =	simm.s32 $0x1BFF;
	s21 =	sshll.u32 s5, $0x1;
	s3 =	sadd.s32 s20, s19  }
0x9c: {  	s22 =	simm.s32 $0x0;
	s4 =	sshll.u32 s4, $0x1;
	s5 =	sadd.s32 s21, s3  }
0x9d: {  	[timem:s22], [sflag:s6] =	dma.local [hbm:s5], s4  }
0x9e: {  	_ =	swait.ge [sflag:s6], s4  }
0x9f: {  	s4 =	ssub.s32 $0x0, s4;
	[sflag:s6] =	ssyncset.done $0x0  }
0xa0: {  	[sflag:s6] =	ssyncadd.s32 s4;
	_ =	sdelay $0x1  }
0xa1: {  	s23 =	simm.s32 $0x1B8B  }
0xa2: {  	_ =	swait.ge [sflag:s23], $0x1  }
0xa3: {  	[sflag:s23] =	ssyncset.done $0x0  }
0xa4: {  	[sflag:s23] =	ssyncadd.s32 $0xFFFFFFFF  }
0xa5: {  	s4 =	sld [smem:$0x0]  }
0xa6: {  	s5 =	sand.u32 $0xFFFFFFFE, s1  }
0xa7: {  	p0 =	sne.s32 s1, s5  }
0xa8: {  	s5 =	sshll.u32 @p0 s5, $0xE  }
0xa9: {  	s5 =	sadd.s32 @p0 $0x11B8D, s5;
	s6 =	sshll.u32 @p0 s4, $0x11  }
0xaa: {  	s5 =	sor.u32 @p0 s6, s5  }
0xab: {  	[sflag:s5] =	ssyncadd.remote.s32 @p0 $0x1;
	_ =	sdelay $0x1  }
0xac: {  	s5 =	simm.s32 @p0 $0x1B8D  }
0xad: {  	_ =	swait.eq @p0 [sflag:s5], $0x1  }
0xae: {  	[sflag:s5] =	ssyncadd.s32 @p0 $0xFFFFFFFF  }
0xaf: {  	s6 =	sshll.u32 @!p0 s1, $0xE  }
0xb0: {  	s6 =	sor.u32 @!p0 $0x4000, s6;
	s5 =	simm.s32 @!p0 $0x1B8D  }
0xb1: {  	s4 =	sshll.u32 @!p0 s4, $0x11;
	s6 =	sadd.s32 @!p0 $0x11B8D, s6;
	_ =	swait.eq @!p0 [sflag:s5], $0x1  }
0xb2: {  	s4 =	sor.u32 @!p0 s4, s6;
	[sflag:s5] =	ssyncadd.s32 @!p0 $0xFFFFFFFF  }
0xb3: {  	s25 =	simm.s32 $0x1B8E;
	s24 =	sld [smem:$0x3FFE];
	[sflag:s4] =	ssyncadd.remote.s32 @!p0 $0x1  }
0xb4: {  	s26 =	simm.s32 $execute0_lowered;
	[smem:$0x3FD2] =	sst s25  }
0xb5: {  	s5 =	sshll.u32 s26, $0x1;
	_ =	strace $0x8000004F;
	[dreg:$0x1] =	wrdreg $0xFFFFFFFF  }
0xb6: {  	s28 =	simm.s32 $_size_execute0_lowered;
	s3 =	sadd.s32 s3, s5;
	[dreg:$0x0] =	wrdreg $0x0  }
0xb7: {  	s5 =	sshll.u32 s28, $0x1;
	[dreg:$0x2] =	wrdreg s3  }
0xb8: {  	[dreg:$0x3] =	wrdreg s5  }
0xb9: {  	[dreg:$0x4] =	wrdreg $0xC0  }
0xba: {  	_ =	task [dreg:s22], $0x5FFFF  }
0xbb: {  	[dreg:$0x1] =	wrdreg $0xFFFFFFFF  }
0xbc: {  	[dreg:$0x0] =	wrdreg $0x60  }
0xbd: {  	[dreg:$0x2] =	wrdreg s24  }
0xbe: {  	[dreg:$0x3] =	wrdreg $0x0  }
0xbf: {  	[dreg:$0x4] =	wrdreg $0xA  }
0xc0: {  	_ =	task.clear_ibuf [dreg:s22], $0x5FFFF;
	_ =	strace $0x9000004F  }
0xc1: {  	s29 =	simm.s32 $0xA;
	_ =	strace $0x80000051  }
0xc2: {  	_ =	swait.ge [sflag:s29], $0x1  }
0xc3: {  	[sflag:s29] =	ssyncadd.s32 $0xFFFFFFFF  }
0xc4: {  	_ =	strace $0x90000051  }
0xc5: {  	_ =	sfence  }
0xc6: {  	s30 =	sld [smem:$0x0];
	_ =	sdelay $0x2  }
0xc7: {  	s31 =	sshll.u32 s1, $0xD;
	s1 =	sshrl.u32 s1, $0x2  }
0xc8: {  	s4 =	sand.u32 $0x4000, s31;
	s1 =	sadd.s32 s1, s30  }
0xc9: {  	s0 =	sor.u32 s4, s0;
	s1 =	sshll.u32 s1, $0x11  }
0xca: {  	s0 =	sor.u32 s1, s0  }
0xcb: {  	s0 =	sadd.s32 $0x8F2B, s0  }
0xcc: {  	[sflag:s0] =	ssyncadd.remote.s32 $0x1  }
0xcd: {  	_ =	sfence.sel $0xFFFF  }
0xce: {  	[dreg:$0x0] =	wrdreg $0xFFFFFFFF;
	(pc) =	sbr.abs _section_cstart, $3  }
0xcf: {  	[dreg:$0x1] =	wrdreg $0xFFFFFFFF  }
0xd0: {  	_ =	task.clear_ibuf [dreg:s22], $0x2FFFF;
	_ =	strace $0x9FFFFFFF  }
0xd1: {  	(tm) =	ssettm $0x7FFFFFFF  }
tec
execute0_lowered:
.L_overlay_start_1:
0x0: {  	(tag) =	ssettag $0x1  }
0x1: {  	s7 =	rddreg [dreg:$0x0];
	s0 =	srdreg.scid  }
0x2: {  	s2 =	rddreg [dreg:$0x1];
	s1 =	stileid.u32  }
0x3: {  	s3 =	simm.s32 $0x0;
	s13 =	simm.s32 $0x189C0;
	s14 =	simm.s32 $0x190C0  }
0x4: {  	s15 =	simm.s32 $0x80;
	s16 =	simm.s32 $0x197C0;
	s17 =	simm.s32 $0x1  }
0x5: {  	s8 =	sand.u32 $0x1, s0;
	s0 =	rddreg [dreg:$0x2];
	s9 =	smul.u32 $0x189C0, s1  }
0x6: {  	[smem:$0x7FF] =	sst s3;
	s4 =	sadd.s32 $0x6C00, s7;
	s12 =	smul.u32 $0x62700, s1  }
0x7: {  	s6 =	sadd.s32 $0xE2A00, s7;
	s5 =	smul.u32 $0x189C00, s8;
	s30 =	ssub.s32 $0x2, s8  }
0x8: {  	_ =	strace $0x80000050;
	s8 =	sshll.u32 s8, $0x4;
	s11 =	sshrl.u32 s30, $0x1  }
0x9: {  	s8 =	sor.u32 s1, s8;
	s18 =	sadd.s32 s9, s2;
	s31 =	sshrl.u32 s12, $0x2  }
0xa: {  	s12 =	simm.s32 $0x2;
	s10 =	sadd.s32 s9, s5;
	s5 =	sadd.s32 $0xFB200, s7  }
0xb: {  	s11 =	ssub.s32 s30, s11;
	s18 =	sshrl.u32 s18, $0x3;
	s10 =	sshrl.u32 s10, $0x3  }
0xc: {  	s9 =	smax.u32 s11, $0x1;
	s11 =	simm.s32 $0x1A7C0;
	s10 =	sadd.s32 s10, s7  }
0xd: {  	v0 =	vimm.f32 $0.0e+00;
	s7 =	smul.u32 $0x6200, s8;
	s8 =	sadd.s32 $0x37A00, s10;
	s10 =	sadd.s32 s31, s2  }
.LBB2_1:
0xe: {  	s19 =	simm.s32 $0x0  }
.LBB2_2:
0xf: {  	p0 =	sne.s32 s19, $0x4A80  }
.Ltmp0:
0x10: {  	_ = 	snop;
	(pc) =	sbr.rel @p0 .LBB2_2-.Ltmp0, $4  }
0x11: {  	_ = 	snop  }
0x12: {  	s20 =	sshra.s32 s19, $0x2  }
0x13: {  	[tilespmem:s20+$0x1A7C0] =	vst v0  }
0x14: {  	s19 =	sadd.s32 $0x80, s19;
	[tilespmem:s20+$0x1A7D0] =	vst v0  }
0x15: {  	s19 =	sadd.s32 $0x0, s10  }
0x16: {  	[spmem:s19] =	stream.linear.scatter [tilespmem:s11], [sflag:$0x2], $0x12C0, $0x38;
	[tilespmem:$0x1BA80] =	vst v63  }
0x17: {  	s19 =	simm.s32 $0x4B00;
	_ =	swait.ge [sflag:s12], $0x12C0  }
.LBB2_4:
0x18: {  	s20 =	sshra.s32 s19, $0x2;
	[sflag:s12] =	ssyncset.done $0x0;
	p0 =	sne.s32 s19, $0x5DC00  }
.Ltmp1:
0x19: {  	s20 =	sadd.s32 s20, s10;
	[sflag:s12] =	ssyncadd.s32 $0xFFFFED40;
	(pc) =	sbr.rel @p0 .LBB2_4-.Ltmp1, $3  }
0x1a: {  	[spmem:s20] =	stream.linear.scatter [tilespmem:s11], [sflag:$0x2], $0x12C0, $0x38;
	[tilespmem:$0x1BA80] =	vst v63  }
0x1b: {  	s19 =	sadd.s32 $0x4B00, s19;
	_ =	sdelay $0x1  }
0x1c: {  	_ =	swait.ge [sflag:s12], $0x12C0  }
0x1d: {  	[sflag:s12] =	ssyncset.done $0x0  }
0x1e: {  	[sflag:s12] =	ssyncadd.s32 $0xFFFFED40  }
0x1f: {  	s19 =	simm.s32 $0x0;
	s20 =	simm.s32 $0x0;
	[bflag:$0x0] =	sbarrier.arrive $0xFFFF  }
.LBB2_6:
0x20: {  	s21 =	smul.u32 $0x700, s20;
	_ =	sdelay $0x1  }
0x21: {  	s21 =	sadd.s32 s7, s21  }
0x22: {  	s21 =	sshrl.u32 s21, $0x3  }
0x23: {  	s22 =	sadd.s32 s5, s21  }
0x24: {  	[tilespmem:s13], [sflag:$0x2] =	stream.linear.gather [hbm4b:s22+s19], $0x700, $0x38;
	[tilespmem:$0x1BA80] =	vst v63  }
0x25: {  	_ =	swait.ge [sflag:s12], $0x700  }
0x26: {  	[sflag:s12] =	ssyncset.done $0x0  }
0x27: {  	s21 =	sadd.s32 s6, s21;
	[sflag:s12] =	ssyncadd.s32 $0xFFFFF900  }
0x28: {  	[tilespmem:s14], [sflag:$0x2] =	stream.linear.gather [hbm4b:s21+s19], $0x700, $0x38;
	[tilespmem:$0x1BA80] =	vst v63  }
0x29: {  	_ =	swait.ge [sflag:s12], $0x700  }
0x2a: {  	[sflag:s12] =	ssyncset.done $0x0  }
0x2b: {  	s30 =	simm.s32 $0x189C0;
	[sflag:s12] =	ssyncadd.s32 $0xFFFFF900  }
0x2c: {  	[tilespmem:s16], [sflag:$0x1] =	stream.indirect.gather [hbm4b:s4+s15], $0x20, s30, s15, $0xb8;
	[tilespmem:$0x1BA80] =	vst v63  }
0x2d: {  	_ =	swait.ge [sflag:s17], $0x1000  }
0x2e: {  	[sflag:s17] =	ssyncset.done $0x0  }
0x2f: {  	s31 =	simm.s32 $0x190C0;
	[sflag:s17] =	ssyncadd.s32 $0xFFFFF000  }
0x30: {  	[spmem:s2] =	stream.indirect.scatter.add.f32 [tilespmem:s16], [sflag:$0x2], $0x20, s31, s15, $0xb8;
	[tilespmem:$0x1BA80] =	vst v63  }
0x31: {  	_ =	swait.ge [sflag:s12], $0x1000  }
0x32: {  	s22 =	simm.s32 $0x400;
	s21 =	simm.s32 $0x80;
	[sflag:s12] =	ssyncset.done $0x0  }
.LBB2_7:
0x33: {  	s23 =	sadd.s32 $0x189C0, s21  }
0x34: {  	[sflag:s12] =	ssyncadd.s32 $0xFFFFF000;
	s24 =	smov.u32 s22;
	s25 =	sadd.s32 $0x200, s22  }
0x35: {  	[tilespmem:s16], [sflag:$0x1] =	stream.indirect.gather [hbm4b:s4+s15], $0x20, s23, s15, $0xb8;
	[tilespmem:$0x1BA80] =	vst v63  }
0x36: {  	p0 =	sne.s32 s22, $0x1A00;
	_ =	swait.ge [sflag:s17], $0x1000  }
.Ltmp2:
0x37: {  	[sflag:s17] =	ssyncset.done $0x0;
	(pc) =	sbr.rel @p0 .LBB2_7-.Ltmp2, $4  }
0x38: {  	s21 =	sadd.s32 $0x190C0, s21;
	[sflag:s17] =	ssyncadd.s32 $0xFFFFF000  }
0x39: {  	[spmem:s2] =	stream.indirect.scatter.add.f32 [tilespmem:s16], [sflag:$0x2], $0x20, s21, s15, $0xb8;
	[tilespmem:$0x1BA80] =	vst v63  }
0x3a: {  	_ =	swait.ge [sflag:s12], $0x1000  }
0x3b: {  	s22 =	smov.u32 s25;
	s21 =	sshra.s32 s24, $0x2;
	[sflag:s12] =	ssyncset.done $0x0  }
0x3c: {  	s22 =	sadd.s32 $0x189C0, s21;
	[sflag:s12] =	ssyncadd.s32 $0xFFFFF000  }
0x3d: {  	[tilespmem:s16], [sflag:$0x1] =	stream.indirect.gather [hbm4b:s4+s15], $0x20, s22, s15, $0xb8;
	[tilespmem:$0x1BA80] =	vst v63  }
0x3e: {  	s20 =	sadd.s32 $0x1, s20;
	_ =	swait.ge [sflag:s17], $0x1000  }
0x3f: {  	p0 =	sne.s32 s20, $0xE;
	[sflag:s17] =	ssyncset.done $0x0  }
.Ltmp3:
0x40: {  	s31 =	sadd.s32 $0x190C0, s21;
	[sflag:s17] =	ssyncadd.s32 $0xFFFFF000;
	(pc) =	sbr.rel @p0 .LBB2_6-.Ltmp3, $4  }
0x41: {  	[spmem:s2] =	stream.indirect.scatter.add.f32 [tilespmem:s16], [sflag:$0x2], $0x20, s31, s15, $0xb8;
	[tilespmem:$0x1BA80] =	vst v63  }
0x42: {  	_ =	swait.ge [sflag:s12], $0x1000  }
0x43: {  	[sflag:s12] =	ssyncset.done $0x0  }
0x44: {  	[sflag:s12] =	ssyncadd.s32 $0xFFFFF000  }
0x45: {  	s3 =	sadd.s32 $0x1, s3  }
0x46: {  	s19 =	sshll.u32 s1, $0x6;
	p0 =	sne.s32 s3, s9  }
.Ltmp4:
0x47: {  	[bflag:$0x0] =	sbarrier.arrive $0xFFFF;
	s19 =	sor.u32 $0x1C02, s19;
	(pc) =	sbr.rel @p0 .LBB2_1-.Ltmp4, $4  }
0x48: {  	[hbm:s8], [sflag:s19] =	dma.local [spmem:s18], $0x3138  }
0x49: {  	_ =	swait.ge [sflag:s12], $0x3138  }
0x4a: {  	[sflag:s12] =	ssyncset.done $0x0  }
0x4b: {  	[sflag:s12] =	ssyncadd.s32 $0xFFFFCEC8  }
0x4c: {  	_ =	sfence.sel $0x180000  }
0x4d: {  	[bflag:$0x0] =	sbarrier.arrive $0xFFFF  }
0x4e: {  	p0 =	sne.s32 s1, $0x0;
	_ =	strace $0x90000050  }
0x4f: {  	s0 =	sadd.s32 @!p0 $0x100000, s0;
	[bflag:$0x2] =	sbarrier.arrive $0xFFFF  }
0x50: {  	[sflag:s0] =	ssyncadd.tile.s32 @!p0 $0x1;
	_ =	shalt  }
.Lfunc_end2:
_tile_overlayer_lowered:
.L_overlay_start_2:
0x51: {  	(tag) =	ssettag $0x2  }
0x52: {  	s0 =	rddreg [dreg:$0x0];
	s2 =	stileid.u32  }
0x53: {  	s1 =	rddreg [dreg:$0x1];
	p0 =	sne.s32 s2, $0x0  }
0x54: {  	s3 =	rddreg [dreg:$0x2];
	[bflag:$0x3] =	sbarrier.arrive $0xFFFF;
	s2 =	simm.s32 @!p0 $0x1C02  }
0x55: {  	[timem:s3], [sflag:s2] =	dma.local @!p0 [hbm:s0], s1  }
0x56: {  	s0 =	simm.s32 @!p0 $0x2  }
0x57: {  	_ =	swait.ge @!p0 [sflag:s0], s1  }
0x58: {  	s1 =	ssub.s32 @!p0 $0x0, s1;
	[sflag:s0] =	ssyncset.done @!p0 $0x0  }
0x59: {  	[sflag:s0] =	ssyncadd.s32 @!p0 s1  }
0x5a: {  	[bflag:$0x3] =	sbarrier.arrive $0xFFFF  }
0x5b: {  	_ =	shalt  }

// kernel: kernel.25.cloned.1.call-start
scs
__scs_entry_jumppad:
0x0: {  	(pc) =	sbr.rel $0x88, $3  }
0x1: {  	(tag) =	ssettag $0x0;
	lr =	simm.s32 $0x1  }
0x2: {  	[smem:$0x3F99] =	sst lr;
	_ =	strace $0xD0000000  }
0x3: {  	_ = 	snop  }
0x4: {  	_ = 	snop  }
0x5: {  	_ = 	snop  }
0x6: {  	_ = 	snop  }
0x7: {  	_ = 	snop  }
__scs_overlays_trampoline_lowered:
0x8: {  	[smem:$0x3FA8] =	sst s0  }
0x9: {  	[smem:$0x3FA9] =	sst s1  }
0xa: {  	[smem:$0x3FAA] =	sst s2  }
0xb: {  	[smem:$0x3FAB] =	sst s3  }
0xc: {  	[smem:$0x3FAC] =	sst s4  }
0xd: {  	[smem:$0x3FAD] =	sst s5  }
0xe: {  	[smem:$0x3FAE] =	sst s6  }
0xf: {  	[smem:$0x3FAF] =	sst s7  }
0x10: {  	[smem:$0x3FB0] =	sst s8  }
0x11: {  	[smem:$0x3FB1] =	sst s9;
	s0 =	simm.s32 @!p0 $0x0  }
0x12: {  	s1 =	sld [smem:$0x3F97];
	s0 =	simm.s32 @p0 $0x1  }
0x13: {  	[smem:$0x3FB2] =	sst s0;
	s0 =	simm.s32 @!p1 $0x0  }
0x14: {  	s2 =	sld [smem:$0x3F96];
	s0 =	simm.s32 @p1 $0x1  }
0x15: {  	[smem:$0x3FB3] =	sst s0;
	s0 =	simm.s32 @!p2 $0x0  }
0x16: {  	s3 =	sld [smem:$0x3FDB];
	s0 =	simm.s32 @p2 $0x1  }
0x17: {  	s4 =	simm.s32 $0x1BF5;
	[smem:$0x3FB5] =	sst s0  }
0x18: {  	s0 =	sld [smem:$0x3F98];
	_ =	swait.ge [sflag:s4], $0x0  }
0x19: {  	s7 =	sld [smem:$0x3F99]  }
0x1a: {  	s8 =	sadd.s32 $0xFFFFE003, lr  }
0x1b: {  	s9 =	sadd.s32 $0xFFFFFEF7, lr;
	s5 =	simm.s32 $0xFFFFFFFF;
	p2 =	slt.u32 s8, $0xFFFFF086  }
0x1c: {  	p1 =	slt.u32 s9, $0xF7A;
	s5 =	simm.s32 @!p2 $0x0  }
0x1d: {  	s5 =	simm.s32 @p1 $0x1;
	p0 =	seq.s32 s7, s2  }
0x1e: {  	s7 =	smul.u32 @!p0 $0xF7A, s2;
	p2 =	seq.s32 @!p0 s5, $0x0  }
0x1f: {  	s9 =	smul.u32 $0xF7A, s1;
	s8 =	simm.s32 @!p0 $0x1BF5;
	p2 =	por !p2, p0  }
0x20: {  	[sflag:s8] =	ssyncset.s32 @!p0 $0xFFFFF086;
	s6 =	sadd.s32 @!p0 s3, s7;
	s7 =	simm.s32 @!p0 $0x108  }
0x21: {  	s3 =	sadd.s32 s3, s9;
	s6 =	sadd.s32 @!p0 $0x88, s6;
	s7 =	simm.s32 @p2 $0x1082  }
0x22: {  	[simem:s7], [sflag:s8] =	dma.local @!p0 [hbm:s6], $0xF7A  }
0x23: {  	s9 =	sor.u32 $0xD0000000, s2;
	s6 =	simm.s32 $0x108;
	_ =	swait.ge @!p0 [sflag:s8], $0x0  }
0x24: {  	s3 =	sadd.s32 $0x88, s3;
	s6 =	simm.s32 @!p1 $0x1082;
	[sflag:s4] =	ssyncset.s32 $0xFFFFF086  }
0x25: {  	[simem:s6], [sflag:s4] =	dma.local [hbm:s3], $0xF7A  }
0x26: {  	[smem:$0x3F99] =	sst s1;
	(tag) =	ssettag s2;
	_ =	strace s9  }
0x27: {  	s1 =	sld [smem:$0x3FA9]  }
0x28: {  	s2 =	sld [smem:$0x3FAA]  }
0x29: {  	s4 =	sld [smem:$0x3FAC]  }
0x2a: {  	p0 =	seq.s32 s5, $0x0;
	s5 =	sld [smem:$0x3FAD]  }
0x2b: {  	s6 =	sld [smem:$0x3FAE]  }
0x2c: {  	s7 =	sld [smem:$0x3FAF]  }
0x2d: {  	s3 =	simm.s32 $0x108;
	s8 =	sld [smem:$0x3FB0]  }
0x2e: {  	s3 =	simm.s32 @!p0 $0x1082;
	s9 =	sld [smem:$0x3FB1]  }
0x2f: {  	lr =	sadd.s32 s0, s3;
	s0 =	sld [smem:$0x3FA8]  }
0x30: {  	s3 =	sld [smem:$0x3FAB]  }
0x31: {  	[smem:$0x3FB4] =	sst s10  }
0x32: {  	s10 =	sld [smem:$0x3FB2];
	_ =	sdelay $0x3  }
0x33: {  	p0 =	seq.s32 s10, $0x1;
	s10 =	sld [smem:$0x3FB4];
	_ =	sdelay $0x3  }
0x34: {  	[smem:$0x3FB4] =	sst s10  }
0x35: {  	s10 =	sld [smem:$0x3FB3];
	_ =	sdelay $0x3  }
0x36: {  	p1 =	seq.s32 s10, $0x1;
	s10 =	sld [smem:$0x3FB4];
	_ =	sdelay $0x3  }
0x37: {  	[smem:$0x3FB4] =	sst s10  }
0x38: {  	s10 =	sld [smem:$0x3FB5]  }
0x39: {  	_ = 	snop;
	(pc) =	sbr.ind lr, $3  }
0x3a: {  	_ = 	snop  }
0x3b: {  	_ = 	snop  }
0x3c: {  	p2 =	seq.s32 s10, $0x1;
	s10 =	sld [smem:$0x3FB4]  }
0x3d: {  	_ =	shalt  }
0x3e: {  	_ =	shalt  }
0x3f: {  	_ =	shalt  }
0x40: {  	_ =	shalt  }
0x41: {  	_ =	shalt  }
0x42: {  	_ =	shalt  }
0x43: {  	_ =	shalt  }
0x44: {  	_ =	shalt  }
0x45: {  	_ =	shalt  }
0x46: {  	_ =	shalt  }
0x47: {  	_ =	shalt  }
0x48: {  	_ =	shalt  }
0x49: {  	_ =	shalt  }
0x4a: {  	_ =	shalt  }
0x4b: {  	_ =	shalt  }
0x4c: {  	_ =	shalt  }
0x4d: {  	_ =	shalt  }
0x4e: {  	_ =	shalt  }
0x4f: {  	_ =	shalt  }
0x50: {  	_ =	shalt  }
0x51: {  	_ =	shalt  }
0x52: {  	_ =	shalt  }
0x53: {  	_ =	shalt  }
0x54: {  	_ =	shalt  }
0x55: {  	_ =	shalt  }
0x56: {  	_ =	shalt  }
0x57: {  	_ =	shalt  }
0x58: {  	_ =	shalt  }
0x59: {  	_ =	shalt  }
0x5a: {  	_ =	shalt  }
0x5b: {  	_ =	shalt  }
0x5c: {  	_ =	shalt  }
0x5d: {  	_ =	shalt  }
0x5e: {  	_ =	shalt  }
0x5f: {  	_ =	shalt  }
0x60: {  	_ =	shalt  }
0x61: {  	_ =	shalt  }
0x62: {  	_ =	shalt  }
0x63: {  	_ =	shalt  }
0x64: {  	_ =	shalt  }
0x65: {  	_ =	shalt  }
0x66: {  	_ =	shalt  }
0x67: {  	_ =	shalt  }
0x68: {  	_ =	shalt  }
0x69: {  	_ =	shalt  }
0x6a: {  	_ =	shalt  }
0x6b: {  	_ =	shalt  }
0x6c: {  	_ =	shalt  }
0x6d: {  	_ =	shalt  }
0x6e: {  	_ =	shalt  }
0x6f: {  	_ =	shalt  }
0x70: {  	_ =	shalt  }
0x71: {  	_ =	shalt  }
0x72: {  	_ =	shalt  }
0x73: {  	_ =	shalt  }
0x74: {  	_ =	shalt  }
0x75: {  	_ =	shalt  }
0x76: {  	_ =	shalt  }
0x77: {  	_ =	shalt  }
0x78: {  	_ =	shalt  }
0x79: {  	_ =	shalt  }
0x7a: {  	_ =	shalt  }
0x7b: {  	_ =	shalt  }
0x7c: {  	_ =	shalt  }
0x7d: {  	_ =	shalt  }
0x7e: {  	_ =	shalt  }
0x7f: {  	_ =	shalt  }
0x80: {  	_ =	shalt  }
0x81: {  	_ =	shalt  }
0x82: {  	_ =	shalt  }
0x83: {  	_ =	shalt  }
0x84: {  	_ =	shalt  }
0x85: {  	_ =	shalt  }
0x86: {  	_ =	shalt  }
0x87: {  	_ =	shalt  }
.Lfunc_end0:
.L_simem_size_0:
called_computation.4_lowered:
.L_overlay_start_0:
0x88: {  	s2 =	sld [smem:$0x3FD9]  }
0x89: {  	s3 =	sld [smem:$0x3FFE];
	_ =	sdelay $0x1  }
0x8a: {  	s1 =	srdreg.scid  }
0x8b: {  	s0 =	sand.u32 $0x1, s1  }
0x8c: {  	s17 =	sshll.u32 s0, $0xA;
	s2 =	sadd.s32 s3, s2  }
0x8d: {  	s2 =	sadd.s32 s2, s17  }
0x8e: {  	[smem:$0x3FC0] =	sst s2  }
0x8f: {  	_ = 	snop  }
0x90: {  	(tm) =	ssettm $0x1  }
0x91: {  	s18 =	sld [smem:$0x3FFB];
	_ =	sdelay $0x3  }
0x92: {  	_ =	strace s18  }
0x93: {  	s2 =	sld [smem:$0x3FFC];
	_ =	sdelay $0x3  }
0x94: {  	_ =	strace s2  }
0x95: {  	s2 =	sld [smem:$0x3FFD];
	_ =	sdelay $0x3  }
0x96: {  	_ =	strace s2  }
0x97: {  	_ =	strace $0x8FFFFFFF  }
0x98: {  	s19 =	sld [smem:$0x3FDB];
	_ =	sdelay $0x1  }
0x99: {  	s20 =	simm.s32 $_scs_section_size  }
0x9a: {  	s4 =	simm.s32 $_size__tile_overlayer_lowered;
	s5 =	simm.s32 $_tile_overlayer_lowered  }
0x9b: {  	s6 =	simm.s32 $0x1BFF;
	s21 =	sshll.u32 s5, $0x1;
	s3 =	sadd.s32 s20, s19  }
0x9c: {  	s22 =	simm.s32 $0x0;
	s4 =	sshll.u32 s4, $0x1;
	s5 =	sadd.s32 s21, s3  }
0x9d: {  	[timem:s22], [sflag:s6] =	dma.local [hbm:s5], s4  }
0x9e: {  	_ =	swait.ge [sflag:s6], s4  }
0x9f: {  	s4 =	ssub.s32 $0x0, s4;
	[sflag:s6] =	ssyncset.done $0x0  }
0xa0: {  	[sflag:s6] =	ssyncadd.s32 s4;
	_ =	sdelay $0x1  }
0xa1: {  	s23 =	simm.s32 $0x1B8B  }
0xa2: {  	_ =	swait.ge [sflag:s23], $0x1  }
0xa3: {  	[sflag:s23] =	ssyncset.done $0x0  }
0xa4: {  	[sflag:s23] =	ssyncadd.s32 $0xFFFFFFFF  }
0xa5: {  	s4 =	sld [smem:$0x0]  }
0xa6: {  	s5 =	sand.u32 $0xFFFFFFFE, s1  }
0xa7: {  	p0 =	sne.s32 s1, s5  }
0xa8: {  	s5 =	sshll.u32 @p0 s5, $0xE  }
0xa9: {  	s5 =	sadd.s32 @p0 $0x11B8D, s5;
	s6 =	sshll.u32 @p0 s4, $0x11  }
0xaa: {  	s5 =	sor.u32 @p0 s6, s5  }
0xab: {  	[sflag:s5] =	ssyncadd.remote.s32 @p0 $0x1;
	_ =	sdelay $0x1  }
0xac: {  	s5 =	simm.s32 @p0 $0x1B8D  }
0xad: {  	_ =	swait.eq @p0 [sflag:s5], $0x1  }
0xae: {  	[sflag:s5] =	ssyncadd.s32 @p0 $0xFFFFFFFF  }
0xaf: {  	s6 =	sshll.u32 @!p0 s1, $0xE  }
0xb0: {  	s6 =	sor.u32 @!p0 $0x4000, s6;
	s5 =	simm.s32 @!p0 $0x1B8D  }
0xb1: {  	s4 =	sshll.u32 @!p0 s4, $0x11;
	s6 =	sadd.s32 @!p0 $0x11B8D, s6;
	_ =	swait.eq @!p0 [sflag:s5], $0x1  }
0xb2: {  	s4 =	sor.u32 @!p0 s4, s6;
	[sflag:s5] =	ssyncadd.s32 @!p0 $0xFFFFFFFF  }
0xb3: {  	s25 =	simm.s32 $0x1B8E;
	s24 =	sld [smem:$0x3FFE];
	[sflag:s4] =	ssyncadd.remote.s32 @!p0 $0x1  }
0xb4: {  	s26 =	simm.s32 $execute0_lowered;
	[smem:$0x3FD2] =	sst s25  }
0xb5: {  	s5 =	sshll.u32 s26, $0x1;
	_ =	strace $0x80000055;
	[dreg:$0x1] =	wrdreg $0xFFFFFFFF  }
0xb6: {  	s28 =	simm.s32 $_size_execute0_lowered;
	s3 =	sadd.s32 s3, s5;
	[dreg:$0x0] =	wrdreg $0x0  }
0xb7: {  	s5 =	sshll.u32 s28, $0x1;
	[dreg:$0x2] =	wrdreg s3  }
0xb8: {  	[dreg:$0x3] =	wrdreg s5  }
0xb9: {  	[dreg:$0x4] =	wrdreg $0xC0  }
0xba: {  	_ =	task [dreg:s22], $0x5FFFF  }
0xbb: {  	[dreg:$0x1] =	wrdreg $0xFFFFFFFF  }
0xbc: {  	[dreg:$0x0] =	wrdreg $0x60  }
0xbd: {  	[dreg:$0x2] =	wrdreg s24  }
0xbe: {  	[dreg:$0x3] =	wrdreg $0x0  }
0xbf: {  	[dreg:$0x4] =	wrdreg $0x9  }
0xc0: {  	_ =	task.clear_ibuf [dreg:s22], $0x5FFFF;
	_ =	strace $0x90000055  }
0xc1: {  	s29 =	simm.s32 $0x9;
	_ =	strace $0x80000057  }
0xc2: {  	_ =	swait.ge [sflag:s29], $0x1  }
0xc3: {  	[sflag:s29] =	ssyncadd.s32 $0xFFFFFFFF  }
0xc4: {  	_ =	strace $0x90000057  }
0xc5: {  	_ =	sfence  }
0xc6: {  	s30 =	sld [smem:$0x0];
	_ =	sdelay $0x2  }
0xc7: {  	s31 =	sshll.u32 s1, $0xD;
	s1 =	sshrl.u32 s1, $0x2  }
0xc8: {  	s4 =	sand.u32 $0x4000, s31;
	s1 =	sadd.s32 s1, s30  }
0xc9: {  	s0 =	sor.u32 s4, s0;
	s1 =	sshll.u32 s1, $0x11  }
0xca: {  	s0 =	sor.u32 s1, s0  }
0xcb: {  	s0 =	sadd.s32 $0x8F2B, s0  }
0xcc: {  	[sflag:s0] =	ssyncadd.remote.s32 $0x1  }
0xcd: {  	_ =	sfence.sel $0xFFFF  }
0xce: {  	[dreg:$0x0] =	wrdreg $0xFFFFFFFF;
	(pc) =	sbr.abs _section_cstart, $3  }
0xcf: {  	[dreg:$0x1] =	wrdreg $0xFFFFFFFF  }
0xd0: {  	_ =	task.clear_ibuf [dreg:s22], $0x2FFFF;
	_ =	strace $0x9FFFFFFF  }
0xd1: {  	(tm) =	ssettm $0x7FFFFFFF  }
tec
execute0_lowered:
.L_overlay_start_1:
0x0: {  	(tag) =	ssettag $0x1  }
0x1: {  	s7 =	rddreg [dreg:$0x0];
	s0 =	srdreg.scid  }
0x2: {  	s2 =	rddreg [dreg:$0x1];
	s1 =	stileid.u32  }
0x3: {  	s3 =	simm.s32 $0x0;
	s13 =	simm.s32 $0x189C0;
	s14 =	simm.s32 $0x190C0  }
0x4: {  	s15 =	simm.s32 $0x80;
	s16 =	simm.s32 $0x197C0;
	s17 =	simm.s32 $0x1  }
0x5: {  	s8 =	sand.u32 $0x1, s0;
	s0 =	rddreg [dreg:$0x2];
	s9 =	smul.u32 $0x189C0, s1  }
0x6: {  	[smem:$0x7FF] =	sst s3;
	s4 =	sadd.s32 $0x6C00, s7;
	s12 =	smul.u32 $0x62700, s1  }
0x7: {  	s6 =	sadd.s32 $0xE2A00, s7;
	s5 =	smul.u32 $0x189C00, s8;
	s30 =	ssub.s32 $0x2, s8  }
0x8: {  	_ =	strace $0x80000056;
	s8 =	sshll.u32 s8, $0x4;
	s11 =	sshrl.u32 s30, $0x1  }
0x9: {  	s8 =	sor.u32 s1, s8;
	s18 =	sadd.s32 s9, s2;
	s31 =	sshrl.u32 s12, $0x2  }
0xa: {  	s12 =	simm.s32 $0x2;
	s10 =	sadd.s32 s9, s5;
	s5 =	sadd.s32 $0xFB200, s7  }
0xb: {  	s11 =	ssub.s32 s30, s11;
	s18 =	sshrl.u32 s18, $0x3;
	s10 =	sshrl.u32 s10, $0x3  }
0xc: {  	s9 =	smax.u32 s11, $0x1;
	s11 =	simm.s32 $0x1A7C0;
	s10 =	sadd.s32 s10, s7  }
0xd: {  	v0 =	vimm.f32 $0.0e+00;
	s7 =	smul.u32 $0x6200, s8;
	s8 =	sadd.s32 $0x37A00, s10;
	s10 =	sadd.s32 s31, s2  }
.LBB2_1:
0xe: {  	s19 =	simm.s32 $0x0  }
.LBB2_2:
0xf: {  	p0 =	sne.s32 s19, $0x4A80  }
.Ltmp0:
0x10: {  	_ = 	snop;
	(pc) =	sbr.rel @p0 .LBB2_2-.Ltmp0, $4  }
0x11: {  	_ = 	snop  }
0x12: {  	s20 =	sshra.s32 s19, $0x2  }
0x13: {  	[tilespmem:s20+$0x1A7C0] =	vst v0  }
0x14: {  	s19 =	sadd.s32 $0x80, s19;
	[tilespmem:s20+$0x1A7D0] =	vst v0  }
0x15: {  	s19 =	sadd.s32 $0x0, s10  }
0x16: {  	[spmem:s19] =	stream.linear.scatter [tilespmem:s11], [sflag:$0x2], $0x12C0, $0x38;
	[tilespmem:$0x1BA80] =	vst v63  }
0x17: {  	s19 =	simm.s32 $0x4B00;
	_ =	swait.ge [sflag:s12], $0x12C0  }
.LBB2_4:
0x18: {  	s20 =	sshra.s32 s19, $0x2;
	[sflag:s12] =	ssyncset.done $0x0;
	p0 =	sne.s32 s19, $0x5DC00  }
.Ltmp1:
0x19: {  	s20 =	sadd.s32 s20, s10;
	[sflag:s12] =	ssyncadd.s32 $0xFFFFED40;
	(pc) =	sbr.rel @p0 .LBB2_4-.Ltmp1, $3  }
0x1a: {  	[spmem:s20] =	stream.linear.scatter [tilespmem:s11], [sflag:$0x2], $0x12C0, $0x38;
	[tilespmem:$0x1BA80] =	vst v63  }
0x1b: {  	s19 =	sadd.s32 $0x4B00, s19;
	_ =	sdelay $0x1  }
0x1c: {  	_ =	swait.ge [sflag:s12], $0x12C0  }
0x1d: {  	[sflag:s12] =	ssyncset.done $0x0  }
0x1e: {  	[sflag:s12] =	ssyncadd.s32 $0xFFFFED40  }
0x1f: {  	s19 =	simm.s32 $0x0;
	s20 =	simm.s32 $0x0;
	[bflag:$0x0] =	sbarrier.arrive $0xFFFF  }
.LBB2_6:
0x20: {  	s21 =	smul.u32 $0x700, s20;
	_ =	sdelay $0x1  }
0x21: {  	s21 =	sadd.s32 s7, s21  }
0x22: {  	s21 =	sshrl.u32 s21, $0x3  }
0x23: {  	s22 =	sadd.s32 s5, s21  }
0x24: {  	[tilespmem:s13], [sflag:$0x2] =	stream.linear.gather [hbm4b:s22+s19], $0x700, $0x38;
	[tilespmem:$0x1BA80] =	vst v63  }
0x25: {  	_ =	swait.ge [sflag:s12], $0x700  }
0x26: {  	[sflag:s12] =	ssyncset.done $0x0  }
0x27: {  	s21 =	sadd.s32 s6, s21;
	[sflag:s12] =	ssyncadd.s32 $0xFFFFF900  }
0x28: {  	[tilespmem:s14], [sflag:$0x2] =	stream.linear.gather [hbm4b:s21+s19], $0x700, $0x38;
	[tilespmem:$0x1BA80] =	vst v63  }
0x29: {  	_ =	swait.ge [sflag:s12], $0x700  }
0x2a: {  	[sflag:s12] =	ssyncset.done $0x0  }
0x2b: {  	s30 =	simm.s32 $0x189C0;
	[sflag:s12] =	ssyncadd.s32 $0xFFFFF900  }
0x2c: {  	[tilespmem:s16], [sflag:$0x1] =	stream.indirect.gather [hbm4b:s4+s15], $0x20, s30, s15, $0xb8;
	[tilespmem:$0x1BA80] =	vst v63  }
0x2d: {  	_ =	swait.ge [sflag:s17], $0x1000  }
0x2e: {  	[sflag:s17] =	ssyncset.done $0x0  }
0x2f: {  	s31 =	simm.s32 $0x190C0;
	[sflag:s17] =	ssyncadd.s32 $0xFFFFF000  }
0x30: {  	[spmem:s2] =	stream.indirect.scatter.add.f32 [tilespmem:s16], [sflag:$0x2], $0x20, s31, s15, $0xb8;
	[tilespmem:$0x1BA80] =	vst v63  }
0x31: {  	_ =	swait.ge [sflag:s12], $0x1000  }
0x32: {  	s22 =	simm.s32 $0x400;
	s21 =	simm.s32 $0x80;
	[sflag:s12] =	ssyncset.done $0x0  }
.LBB2_7:
0x33: {  	s23 =	sadd.s32 $0x189C0, s21  }
0x34: {  	[sflag:s12] =	ssyncadd.s32 $0xFFFFF000;
	s24 =	smov.u32 s22;
	s25 =	sadd.s32 $0x200, s22  }
0x35: {  	[tilespmem:s16], [sflag:$0x1] =	stream.indirect.gather [hbm4b:s4+s15], $0x20, s23, s15, $0xb8;
	[tilespmem:$0x1BA80] =	vst v63  }
0x36: {  	p0 =	sne.s32 s22, $0x1A00;
	_ =	swait.ge [sflag:s17], $0x1000  }
.Ltmp2:
0x37: {  	[sflag:s17] =	ssyncset.done $0x0;
	(pc) =	sbr.rel @p0 .LBB2_7-.Ltmp2, $4  }
0x38: {  	s21 =	sadd.s32 $0x190C0, s21;
	[sflag:s17] =	ssyncadd.s32 $0xFFFFF000  }
0x39: {  	[spmem:s2] =	stream.indirect.scatter.add.f32 [tilespmem:s16], [sflag:$0x2], $0x20, s21, s15, $0xb8;
	[tilespmem:$0x1BA80] =	vst v63  }
0x3a: {  	_ =	swait.ge [sflag:s12], $0x1000  }
0x3b: {  	s22 =	smov.u32 s25;
	s21 =	sshra.s32 s24, $0x2;
	[sflag:s12] =	ssyncset.done $0x0  }
0x3c: {  	s22 =	sadd.s32 $0x189C0, s21;
	[sflag:s12] =	ssyncadd.s32 $0xFFFFF000  }
0x3d: {  	[tilespmem:s16], [sflag:$0x1] =	stream.indirect.gather [hbm4b:s4+s15], $0x20, s22, s15, $0xb8;
	[tilespmem:$0x1BA80] =	vst v63  }
0x3e: {  	s20 =	sadd.s32 $0x1, s20;
	_ =	swait.ge [sflag:s17], $0x1000  }
0x3f: {  	p0 =	sne.s32 s20, $0xE;
	[sflag:s17] =	ssyncset.done $0x0  }
.Ltmp3:
0x40: {  	s31 =	sadd.s32 $0x190C0, s21;
	[sflag:s17] =	ssyncadd.s32 $0xFFFFF000;
	(pc) =	sbr.rel @p0 .LBB2_6-.Ltmp3, $4  }
0x41: {  	[spmem:s2] =	stream.indirect.scatter.add.f32 [tilespmem:s16], [sflag:$0x2], $0x20, s31, s15, $0xb8;
	[tilespmem:$0x1BA80] =	vst v63  }
0x42: {  	_ =	swait.ge [sflag:s12], $0x1000  }
0x43: {  	[sflag:s12] =	ssyncset.done $0x0  }
0x44: {  	[sflag:s12] =	ssyncadd.s32 $0xFFFFF000  }
0x45: {  	s3 =	sadd.s32 $0x1, s3  }
0x46: {  	s19 =	sshll.u32 s1, $0x6;
	p0 =	sne.s32 s3, s9  }
.Ltmp4:
0x47: {  	[bflag:$0x0] =	sbarrier.arrive $0xFFFF;
	s19 =	sor.u32 $0x1C02, s19;
	(pc) =	sbr.rel @p0 .LBB2_1-.Ltmp4, $4  }
0x48: {  	[hbm:s8], [sflag:s19] =	dma.local [spmem:s18], $0x3138  }
0x49: {  	_ =	swait.ge [sflag:s12], $0x3138  }
0x4a: {  	[sflag:s12] =	ssyncset.done $0x0  }
0x4b: {  	[sflag:s12] =	ssyncadd.s32 $0xFFFFCEC8  }
0x4c: {  	_ =	sfence.sel $0x180000  }
0x4d: {  	[bflag:$0x0] =	sbarrier.arrive $0xFFFF  }
0x4e: {  	p0 =	sne.s32 s1, $0x0;
	_ =	strace $0x90000056  }
0x4f: {  	s0 =	sadd.s32 @!p0 $0x100000, s0;
	[bflag:$0x2] =	sbarrier.arrive $0xFFFF  }
0x50: {  	[sflag:s0] =	ssyncadd.tile.s32 @!p0 $0x1;
	_ =	shalt  }
.Lfunc_end2:
_tile_overlayer_lowered:
.L_overlay_start_2:
0x51: {  	(tag) =	ssettag $0x2  }
0x52: {  	s0 =	rddreg [dreg:$0x0];
	s2 =	stileid.u32  }
0x53: {  	s1 =	rddreg [dreg:$0x1];
	p0 =	sne.s32 s2, $0x0  }
0x54: {  	s3 =	rddreg [dreg:$0x2];
	[bflag:$0x3] =	sbarrier.arrive $0xFFFF;
	s2 =	simm.s32 @!p0 $0x1C02  }
0x55: {  	[timem:s3], [sflag:s2] =	dma.local @!p0 [hbm:s0], s1  }
0x56: {  	s0 =	simm.s32 @!p0 $0x2  }
0x57: {  	_ =	swait.ge @!p0 [sflag:s0], s1  }
0x58: {  	s1 =	ssub.s32 @!p0 $0x0, s1;
	[sflag:s0] =	ssyncset.done @!p0 $0x0  }
0x59: {  	[sflag:s0] =	ssyncadd.s32 @!p0 s1  }
0x5a: {  	[bflag:$0x3] =	sbarrier.arrive $0xFFFF  }
0x5b: {  	_ =	shalt  }

// kernel: kernel.28.cloned.1.call-start
scs
__scs_entry_jumppad:
0x0: {  	(pc) =	sbr.rel $0x88, $3  }
0x1: {  	(tag) =	ssettag $0x0;
	lr =	simm.s32 $0x1  }
0x2: {  	[smem:$0x3F99] =	sst lr;
	_ =	strace $0xD0000000  }
0x3: {  	_ = 	snop  }
0x4: {  	_ = 	snop  }
0x5: {  	_ = 	snop  }
0x6: {  	_ = 	snop  }
0x7: {  	_ = 	snop  }
__scs_overlays_trampoline_lowered:
0x8: {  	[smem:$0x3FA8] =	sst s0  }
0x9: {  	[smem:$0x3FA9] =	sst s1  }
0xa: {  	[smem:$0x3FAA] =	sst s2  }
0xb: {  	[smem:$0x3FAB] =	sst s3  }
0xc: {  	[smem:$0x3FAC] =	sst s4  }
0xd: {  	[smem:$0x3FAD] =	sst s5  }
0xe: {  	[smem:$0x3FAE] =	sst s6  }
0xf: {  	[smem:$0x3FAF] =	sst s7  }
0x10: {  	[smem:$0x3FB0] =	sst s8  }
0x11: {  	[smem:$0x3FB1] =	sst s9;
	s0 =	simm.s32 @!p0 $0x0  }
0x12: {  	s1 =	sld [smem:$0x3F97];
	s0 =	simm.s32 @p0 $0x1  }
0x13: {  	[smem:$0x3FB2] =	sst s0;
	s0 =	simm.s32 @!p1 $0x0  }
0x14: {  	s2 =	sld [smem:$0x3F96];
	s0 =	simm.s32 @p1 $0x1  }
0x15: {  	[smem:$0x3FB3] =	sst s0;
	s0 =	simm.s32 @!p2 $0x0  }
0x16: {  	s3 =	sld [smem:$0x3FDB];
	s0 =	simm.s32 @p2 $0x1  }
0x17: {  	s4 =	simm.s32 $0x1BF5;
	[smem:$0x3FB5] =	sst s0  }
0x18: {  	s0 =	sld [smem:$0x3F98];
	_ =	swait.ge [sflag:s4], $0x0  }
0x19: {  	s7 =	sld [smem:$0x3F99]  }
0x1a: {  	s8 =	sadd.s32 $0xFFFFE003, lr  }
0x1b: {  	s9 =	sadd.s32 $0xFFFFFEF7, lr;
	s5 =	simm.s32 $0xFFFFFFFF;
	p2 =	slt.u32 s8, $0xFFFFF086  }
0x1c: {  	p1 =	slt.u32 s9, $0xF7A;
	s5 =	simm.s32 @!p2 $0x0  }
0x1d: {  	s5 =	simm.s32 @p1 $0x1;
	p0 =	seq.s32 s7, s2  }
0x1e: {  	s7 =	smul.u32 @!p0 $0xF7A, s2;
	p2 =	seq.s32 @!p0 s5, $0x0  }
0x1f: {  	s9 =	smul.u32 $0xF7A, s1;
	s8 =	simm.s32 @!p0 $0x1BF5;
	p2 =	por !p2, p0  }
0x20: {  	[sflag:s8] =	ssyncset.s32 @!p0 $0xFFFFF086;
	s6 =	sadd.s32 @!p0 s3, s7;
	s7 =	simm.s32 @!p0 $0x108  }
0x21: {  	s3 =	sadd.s32 s3, s9;
	s6 =	sadd.s32 @!p0 $0x88, s6;
	s7 =	simm.s32 @p2 $0x1082  }
0x22: {  	[simem:s7], [sflag:s8] =	dma.local @!p0 [hbm:s6], $0xF7A  }
0x23: {  	s9 =	sor.u32 $0xD0000000, s2;
	s6 =	simm.s32 $0x108;
	_ =	swait.ge @!p0 [sflag:s8], $0x0  }
0x24: {  	s3 =	sadd.s32 $0x88, s3;
	s6 =	simm.s32 @!p1 $0x1082;
	[sflag:s4] =	ssyncset.s32 $0xFFFFF086  }
0x25: {  	[simem:s6], [sflag:s4] =	dma.local [hbm:s3], $0xF7A  }
0x26: {  	[smem:$0x3F99] =	sst s1;
	(tag) =	ssettag s2;
	_ =	strace s9  }
0x27: {  	s1 =	sld [smem:$0x3FA9]  }
0x28: {  	s2 =	sld [smem:$0x3FAA]  }
0x29: {  	s4 =	sld [smem:$0x3FAC]  }
0x2a: {  	p0 =	seq.s32 s5, $0x0;
	s5 =	sld [smem:$0x3FAD]  }
0x2b: {  	s6 =	sld [smem:$0x3FAE]  }
0x2c: {  	s7 =	sld [smem:$0x3FAF]  }
0x2d: {  	s3 =	simm.s32 $0x108;
	s8 =	sld [smem:$0x3FB0]  }
0x2e: {  	s3 =	simm.s32 @!p0 $0x1082;
	s9 =	sld [smem:$0x3FB1]  }
0x2f: {  	lr =	sadd.s32 s0, s3;
	s0 =	sld [smem:$0x3FA8]  }
0x30: {  	s3 =	sld [smem:$0x3FAB]  }
0x31: {  	[smem:$0x3FB4] =	sst s10  }
0x32: {  	s10 =	sld [smem:$0x3FB2];
	_ =	sdelay $0x3  }
0x33: {  	p0 =	seq.s32 s10, $0x1;
	s10 =	sld [smem:$0x3FB4];
	_ =	sdelay $0x3  }
0x34: {  	[smem:$0x3FB4] =	sst s10  }
0x35: {  	s10 =	sld [smem:$0x3FB3];
	_ =	sdelay $0x3  }
0x36: {  	p1 =	seq.s32 s10, $0x1;
	s10 =	sld [smem:$0x3FB4];
	_ =	sdelay $0x3  }
0x37: {  	[smem:$0x3FB4] =	sst s10  }
0x38: {  	s10 =	sld [smem:$0x3FB5]  }
0x39: {  	_ = 	snop;
	(pc) =	sbr.ind lr, $3  }
0x3a: {  	_ = 	snop  }
0x3b: {  	_ = 	snop  }
0x3c: {  	p2 =	seq.s32 s10, $0x1;
	s10 =	sld [smem:$0x3FB4]  }
0x3d: {  	_ =	shalt  }
0x3e: {  	_ =	shalt  }
0x3f: {  	_ =	shalt  }
0x40: {  	_ =	shalt  }
0x41: {  	_ =	shalt  }
0x42: {  	_ =	shalt  }
0x43: {  	_ =	shalt  }
0x44: {  	_ =	shalt  }
0x45: {  	_ =	shalt  }
0x46: {  	_ =	shalt  }
0x47: {  	_ =	shalt  }
0x48: {  	_ =	shalt  }
0x49: {  	_ =	shalt  }
0x4a: {  	_ =	shalt  }
0x4b: {  	_ =	shalt  }
0x4c: {  	_ =	shalt  }
0x4d: {  	_ =	shalt  }
0x4e: {  	_ =	shalt  }
0x4f: {  	_ =	shalt  }
0x50: {  	_ =	shalt  }
0x51: {  	_ =	shalt  }
0x52: {  	_ =	shalt  }
0x53: {  	_ =	shalt  }
0x54: {  	_ =	shalt  }
0x55: {  	_ =	shalt  }
0x56: {  	_ =	shalt  }
0x57: {  	_ =	shalt  }
0x58: {  	_ =	shalt  }
0x59: {  	_ =	shalt  }
0x5a: {  	_ =	shalt  }
0x5b: {  	_ =	shalt  }
0x5c: {  	_ =	shalt  }
0x5d: {  	_ =	shalt  }
0x5e: {  	_ =	shalt  }
0x5f: {  	_ =	shalt  }
0x60: {  	_ =	shalt  }
0x61: {  	_ =	shalt  }
0x62: {  	_ =	shalt  }
0x63: {  	_ =	shalt  }
0x64: {  	_ =	shalt  }
0x65: {  	_ =	shalt  }
0x66: {  	_ =	shalt  }
0x67: {  	_ =	shalt  }
0x68: {  	_ =	shalt  }
0x69: {  	_ =	shalt  }
0x6a: {  	_ =	shalt  }
0x6b: {  	_ =	shalt  }
0x6c: {  	_ =	shalt  }
0x6d: {  	_ =	shalt  }
0x6e: {  	_ =	shalt  }
0x6f: {  	_ =	shalt  }
0x70: {  	_ =	shalt  }
0x71: {  	_ =	shalt  }
0x72: {  	_ =	shalt  }
0x73: {  	_ =	shalt  }
0x74: {  	_ =	shalt  }
0x75: {  	_ =	shalt  }
0x76: {  	_ =	shalt  }
0x77: {  	_ =	shalt  }
0x78: {  	_ =	shalt  }
0x79: {  	_ =	shalt  }
0x7a: {  	_ =	shalt  }
0x7b: {  	_ =	shalt  }
0x7c: {  	_ =	shalt  }
0x7d: {  	_ =	shalt  }
0x7e: {  	_ =	shalt  }
0x7f: {  	_ =	shalt  }
0x80: {  	_ =	shalt  }
0x81: {  	_ =	shalt  }
0x82: {  	_ =	shalt  }
0x83: {  	_ =	shalt  }
0x84: {  	_ =	shalt  }
0x85: {  	_ =	shalt  }
0x86: {  	_ =	shalt  }
0x87: {  	_ =	shalt  }
.Lfunc_end0:
.L_simem_size_0:
called_computation.5_lowered:
.L_overlay_start_0:
0x88: {  	s2 =	sld [smem:$0x3FD9]  }
0x89: {  	s3 =	sld [smem:$0x3FFE];
	_ =	sdelay $0x1  }
0x8a: {  	s1 =	srdreg.scid  }
0x8b: {  	s0 =	sand.u32 $0x1, s1  }
0x8c: {  	s16 =	sshll.u32 s0, $0xA;
	s2 =	sadd.s32 s3, s2  }
0x8d: {  	s2 =	sadd.s32 s2, s16  }
0x8e: {  	[smem:$0x3FC0] =	sst s2  }
0x8f: {  	_ = 	snop  }
0x90: {  	(tm) =	ssettm $0x1  }
0x91: {  	s17 =	sld [smem:$0x3FFB];
	_ =	sdelay $0x3  }
0x92: {  	_ =	strace s17  }
0x93: {  	s2 =	sld [smem:$0x3FFC];
	_ =	sdelay $0x3  }
0x94: {  	_ =	strace s2  }
0x95: {  	s2 =	sld [smem:$0x3FFD];
	_ =	sdelay $0x3  }
0x96: {  	_ =	strace s2  }
0x97: {  	_ =	strace $0x8FFFFFFF  }
0x98: {  	s18 =	sld [smem:$0x3FDB];
	_ =	sdelay $0x1  }
0x99: {  	s19 =	simm.s32 $_scs_section_size  }
0x9a: {  	s4 =	simm.s32 $_size__tile_overlayer_lowered;
	s5 =	simm.s32 $_tile_overlayer_lowered  }
0x9b: {  	s22 =	simm.s32 $0x1BFF;
	s21 =	sshll.u32 s5, $0x1;
	s2 =	sadd.s32 s19, s18  }
0x9c: {  	s6 =	simm.s32 $0x0;
	s20 =	sshll.u32 s4, $0x1;
	s4 =	sadd.s32 s21, s2  }
0x9d: {  	[timem:s6], [sflag:s22] =	dma.local [hbm:s4], s20  }
0x9e: {  	_ =	swait.ge [sflag:s22], s20  }
0x9f: {  	s3 =	ssub.s32 $0x0, s20;
	[sflag:s22] =	ssyncset.done $0x0  }
0xa0: {  	[sflag:s22] =	ssyncadd.s32 s3;
	_ =	sdelay $0x1  }
0xa1: {  	s23 =	simm.s32 $0x1B8B  }
0xa2: {  	_ =	swait.ge [sflag:s23], $0x1  }
0xa3: {  	[sflag:s23] =	ssyncset.done $0x0  }
0xa4: {  	s25 =	simm.s32 $0x1B8E;
	s24 =	sld [smem:$0x3FFE];
	[sflag:s23] =	ssyncadd.s32 $0xFFFFFFFF  }
0xa5: {  	s26 =	simm.s32 $execute0_lowered;
	[smem:$0x3FD2] =	sst s25  }
0xa6: {  	s4 =	sshll.u32 s26, $0x1;
	_ =	strace $0x80000052;
	[dreg:$0x1] =	wrdreg $0xFFFFFFFF  }
0xa7: {  	s28 =	simm.s32 $_size_execute0_lowered;
	s2 =	sadd.s32 s2, s4;
	[dreg:$0x0] =	wrdreg $0x0  }
0xa8: {  	s4 =	sshll.u32 s28, $0x1;
	[dreg:$0x2] =	wrdreg s2  }
0xa9: {  	[dreg:$0x3] =	wrdreg s4  }
0xaa: {  	[dreg:$0x4] =	wrdreg $0xC0  }
0xab: {  	_ =	task [dreg:s6], $0x5FFFF  }
0xac: {  	[dreg:$0x1] =	wrdreg $0xFFFFFFFF  }
0xad: {  	[dreg:$0x0] =	wrdreg $0x60  }
0xae: {  	[dreg:$0x2] =	wrdreg s24  }
0xaf: {  	[dreg:$0x3] =	wrdreg $0x0  }
0xb0: {  	[dreg:$0x4] =	wrdreg $0xA  }
0xb1: {  	_ =	task.clear_ibuf [dreg:s6], $0x5FFFF;
	_ =	strace $0x90000052  }
0xb2: {  	s29 =	simm.s32 $0xA;
	_ =	strace $0x80000054  }
0xb3: {  	_ =	swait.ge [sflag:s29], $0x1  }
0xb4: {  	[sflag:s29] =	ssyncadd.s32 $0xFFFFFFFF  }
0xb5: {  	_ =	strace $0x90000054  }
0xb6: {  	_ =	sfence  }
0xb7: {  	s30 =	sld [smem:$0x0];
	_ =	sdelay $0x2  }
0xb8: {  	s31 =	sshll.u32 s1, $0xD;
	s1 =	sshrl.u32 s1, $0x2  }
0xb9: {  	s3 =	sand.u32 $0x4000, s31;
	s1 =	sadd.s32 s1, s30  }
0xba: {  	s0 =	sor.u32 s3, s0;
	s1 =	sshll.u32 s1, $0x11  }
0xbb: {  	s0 =	sor.u32 s1, s0  }
0xbc: {  	s0 =	sadd.s32 $0x8F2B, s0  }
0xbd: {  	[sflag:s0] =	ssyncadd.remote.s32 $0x1  }
0xbe: {  	_ =	sfence.sel $0xFFFF  }
0xbf: {  	[dreg:$0x0] =	wrdreg $0xFFFFFFFF;
	(pc) =	sbr.abs _section_cstart, $3  }
0xc0: {  	[dreg:$0x1] =	wrdreg $0xFFFFFFFF  }
0xc1: {  	_ =	task.clear_ibuf [dreg:s6], $0x2FFFF;
	_ =	strace $0x9FFFFFFF  }
0xc2: {  	(tm) =	ssettm $0x7FFFFFFF  }
0xc3: {  	_ =	shalt  }
tec
execute0_lowered:
.L_overlay_start_1:
0x0: {  	(tag) =	ssettag $0x1  }
0x1: {  	s7 =	rddreg [dreg:$0x0];
	s0 =	srdreg.scid  }
0x2: {  	s2 =	rddreg [dreg:$0x1];
	s1 =	stileid.u32  }
0x3: {  	s3 =	simm.s32 $0x0;
	s13 =	simm.s32 $0x189C0;
	s14 =	simm.s32 $0x190C0  }
0x4: {  	s15 =	simm.s32 $0x80;
	s16 =	simm.s32 $0x197C0;
	s17 =	simm.s32 $0x1  }
0x5: {  	s8 =	sand.u32 $0x1, s0;
	s0 =	rddreg [dreg:$0x2];
	s9 =	smul.u32 $0x189C0, s1  }
0x6: {  	[smem:$0x7FF] =	sst s3;
	s4 =	sadd.s32 $0x113A00, s7;
	s12 =	smul.u32 $0x62700, s1  }
0x7: {  	s6 =	sadd.s32 $0xE2A00, s7;
	s5 =	smul.u32 $0x189C00, s8;
	s30 =	ssub.s32 $0x2, s8  }
0x8: {  	_ =	strace $0x80000053;
	s8 =	sshll.u32 s8, $0x4;
	s11 =	sshrl.u32 s30, $0x1  }
0x9: {  	s8 =	sor.u32 s1, s8;
	s18 =	sadd.s32 s9, s2;
	s31 =	sshrl.u32 s12, $0x2  }
0xa: {  	s12 =	simm.s32 $0x2;
	s10 =	sadd.s32 s9, s5;
	s5 =	sadd.s32 $0xFB200, s7  }
0xb: {  	s11 =	ssub.s32 s30, s11;
	s18 =	sshrl.u32 s18, $0x3;
	s10 =	sshrl.u32 s10, $0x3  }
0xc: {  	s9 =	smax.u32 s11, $0x1;
	s11 =	simm.s32 $0x1A7C0;
	s10 =	sadd.s32 s10, s7  }
0xd: {  	v0 =	vimm.f32 $0.0e+00;
	s7 =	smul.u32 $0x6200, s8;
	s8 =	sadd.s32 $0x144800, s10;
	s10 =	sadd.s32 s31, s2  }
.LBB2_1:
0xe: {  	s19 =	simm.s32 $0x0  }
.LBB2_2:
0xf: {  	p0 =	sne.s32 s19, $0x4A80  }
.Ltmp0:
0x10: {  	_ = 	snop;
	(pc) =	sbr.rel @p0 .LBB2_2-.Ltmp0, $4  }
0x11: {  	_ = 	snop  }
0x12: {  	s20 =	sshra.s32 s19, $0x2  }
0x13: {  	[tilespmem:s20+$0x1A7C0] =	vst v0  }
0x14: {  	s19 =	sadd.s32 $0x80, s19;
	[tilespmem:s20+$0x1A7D0] =	vst v0  }
0x15: {  	s19 =	sadd.s32 $0x0, s10  }
0x16: {  	[spmem:s19] =	stream.linear.scatter [tilespmem:s11], [sflag:$0x2], $0x12C0, $0x38;
	[tilespmem:$0x1BA80] =	vst v63  }
0x17: {  	s19 =	simm.s32 $0x4B00;
	_ =	swait.ge [sflag:s12], $0x12C0  }
.LBB2_4:
0x18: {  	s20 =	sshra.s32 s19, $0x2;
	[sflag:s12] =	ssyncset.done $0x0;
	p0 =	sne.s32 s19, $0x5DC00  }
.Ltmp1:
0x19: {  	s20 =	sadd.s32 s20, s10;
	[sflag:s12] =	ssyncadd.s32 $0xFFFFED40;
	(pc) =	sbr.rel @p0 .LBB2_4-.Ltmp1, $3  }
0x1a: {  	[spmem:s20] =	stream.linear.scatter [tilespmem:s11], [sflag:$0x2], $0x12C0, $0x38;
	[tilespmem:$0x1BA80] =	vst v63  }
0x1b: {  	s19 =	sadd.s32 $0x4B00, s19;
	_ =	sdelay $0x1  }
0x1c: {  	_ =	swait.ge [sflag:s12], $0x12C0  }
0x1d: {  	[sflag:s12] =	ssyncset.done $0x0  }
0x1e: {  	[sflag:s12] =	ssyncadd.s32 $0xFFFFED40  }
0x1f: {  	s19 =	simm.s32 $0x0;
	s20 =	simm.s32 $0x0;
	[bflag:$0x0] =	sbarrier.arrive $0xFFFF  }
.LBB2_6:
0x20: {  	s21 =	smul.u32 $0x700, s20;
	_ =	sdelay $0x1  }
0x21: {  	s21 =	sadd.s32 s7, s21  }
0x22: {  	s21 =	sshrl.u32 s21, $0x3  }
0x23: {  	s22 =	sadd.s32 s5, s21  }
0x24: {  	[tilespmem:s13], [sflag:$0x2] =	stream.linear.gather [hbm4b:s22+s19], $0x700, $0x38;
	[tilespmem:$0x1BA80] =	vst v63  }
0x25: {  	_ =	swait.ge [sflag:s12], $0x700  }
0x26: {  	[sflag:s12] =	ssyncset.done $0x0  }
0x27: {  	s21 =	sadd.s32 s6, s21;
	[sflag:s12] =	ssyncadd.s32 $0xFFFFF900  }
0x28: {  	[tilespmem:s14], [sflag:$0x2] =	stream.linear.gather [hbm4b:s21+s19], $0x700, $0x38;
	[tilespmem:$0x1BA80] =	vst v63  }
0x29: {  	_ =	swait.ge [sflag:s12], $0x700  }
0x2a: {  	[sflag:s12] =	ssyncset.done $0x0  }
0x2b: {  	s30 =	simm.s32 $0x189C0;
	[sflag:s12] =	ssyncadd.s32 $0xFFFFF900  }
0x2c: {  	[tilespmem:s16], [sflag:$0x1] =	stream.indirect.gather [hbm4b:s4+s15], $0x20, s30, s15, $0xb8;
	[tilespmem:$0x1BA80] =	vst v63  }
0x2d: {  	_ =	swait.ge [sflag:s17], $0x1000  }
0x2e: {  	[sflag:s17] =	ssyncset.done $0x0  }
0x2f: {  	s31 =	simm.s32 $0x190C0;
	[sflag:s17] =	ssyncadd.s32 $0xFFFFF000  }
0x30: {  	[spmem:s2] =	stream.indirect.scatter.add.f32 [tilespmem:s16], [sflag:$0x2], $0x20, s31, s15, $0xb8;
	[tilespmem:$0x1BA80] =	vst v63  }
0x31: {  	_ =	swait.ge [sflag:s12], $0x1000  }
0x32: {  	s22 =	simm.s32 $0x400;
	s21 =	simm.s32 $0x80;
	[sflag:s12] =	ssyncset.done $0x0  }
.LBB2_7:
0x33: {  	s23 =	sadd.s32 $0x189C0, s21  }
0x34: {  	[sflag:s12] =	ssyncadd.s32 $0xFFFFF000;
	s24 =	smov.u32 s22;
	s25 =	sadd.s32 $0x200, s22  }
0x35: {  	[tilespmem:s16], [sflag:$0x1] =	stream.indirect.gather [hbm4b:s4+s15], $0x20, s23, s15, $0xb8;
	[tilespmem:$0x1BA80] =	vst v63  }
0x36: {  	p0 =	sne.s32 s22, $0x1A00;
	_ =	swait.ge [sflag:s17], $0x1000  }
.Ltmp2:
0x37: {  	[sflag:s17] =	ssyncset.done $0x0;
	(pc) =	sbr.rel @p0 .LBB2_7-.Ltmp2, $4  }
0x38: {  	s21 =	sadd.s32 $0x190C0, s21;
	[sflag:s17] =	ssyncadd.s32 $0xFFFFF000  }
0x39: {  	[spmem:s2] =	stream.indirect.scatter.add.f32 [tilespmem:s16], [sflag:$0x2], $0x20, s21, s15, $0xb8;
	[tilespmem:$0x1BA80] =	vst v63  }
0x3a: {  	_ =	swait.ge [sflag:s12], $0x1000  }
0x3b: {  	s22 =	smov.u32 s25;
	s21 =	sshra.s32 s24, $0x2;
	[sflag:s12] =	ssyncset.done $0x0  }
0x3c: {  	s22 =	sadd.s32 $0x189C0, s21;
	[sflag:s12] =	ssyncadd.s32 $0xFFFFF000  }
0x3d: {  	[tilespmem:s16], [sflag:$0x1] =	stream.indirect.gather [hbm4b:s4+s15], $0x20, s22, s15, $0xb8;
	[tilespmem:$0x1BA80] =	vst v63  }
0x3e: {  	s20 =	sadd.s32 $0x1, s20;
	_ =	swait.ge [sflag:s17], $0x1000  }
0x3f: {  	p0 =	sne.s32 s20, $0xE;
	[sflag:s17] =	ssyncset.done $0x0  }
.Ltmp3:
0x40: {  	s31 =	sadd.s32 $0x190C0, s21;
	[sflag:s17] =	ssyncadd.s32 $0xFFFFF000;
	(pc) =	sbr.rel @p0 .LBB2_6-.Ltmp3, $4  }
0x41: {  	[spmem:s2] =	stream.indirect.scatter.add.f32 [tilespmem:s16], [sflag:$0x2], $0x20, s31, s15, $0xb8;
	[tilespmem:$0x1BA80] =	vst v63  }
0x42: {  	_ =	swait.ge [sflag:s12], $0x1000  }
0x43: {  	[sflag:s12] =	ssyncset.done $0x0  }
0x44: {  	[sflag:s12] =	ssyncadd.s32 $0xFFFFF000  }
0x45: {  	s3 =	sadd.s32 $0x1, s3  }
0x46: {  	s19 =	sshll.u32 s1, $0x6;
	p0 =	sne.s32 s3, s9  }
.Ltmp4:
0x47: {  	[bflag:$0x0] =	sbarrier.arrive $0xFFFF;
	s19 =	sor.u32 $0x1C02, s19;
	(pc) =	sbr.rel @p0 .LBB2_1-.Ltmp4, $4  }
0x48: {  	[hbm:s8], [sflag:s19] =	dma.local [spmem:s18], $0x3138  }
0x49: {  	_ =	swait.ge [sflag:s12], $0x3138  }
0x4a: {  	[sflag:s12] =	ssyncset.done $0x0  }
0x4b: {  	[sflag:s12] =	ssyncadd.s32 $0xFFFFCEC8  }
0x4c: {  	_ =	sfence.sel $0x180000  }
0x4d: {  	[bflag:$0x0] =	sbarrier.arrive $0xFFFF  }
0x4e: {  	p0 =	sne.s32 s1, $0x0;
	_ =	strace $0x90000053  }
0x4f: {  	s0 =	sadd.s32 @!p0 $0x100000, s0;
	[bflag:$0x2] =	sbarrier.arrive $0xFFFF  }
0x50: {  	[sflag:s0] =	ssyncadd.tile.s32 @!p0 $0x1;
	_ =	shalt  }
.Lfunc_end2:
_tile_overlayer_lowered:
.L_overlay_start_2:
0x51: {  	(tag) =	ssettag $0x2  }
0x52: {  	s0 =	rddreg [dreg:$0x0];
	s2 =	stileid.u32  }
0x53: {  	s1 =	rddreg [dreg:$0x1];
	p0 =	sne.s32 s2, $0x0  }
0x54: {  	s3 =	rddreg [dreg:$0x2];
	[bflag:$0x3] =	sbarrier.arrive $0xFFFF;
	s2 =	simm.s32 @!p0 $0x1C02  }
0x55: {  	[timem:s3], [sflag:s2] =	dma.local @!p0 [hbm:s0], s1  }
0x56: {  	s0 =	simm.s32 @!p0 $0x2  }
0x57: {  	_ =	swait.ge @!p0 [sflag:s0], s1  }
0x58: {  	s1 =	ssub.s32 @!p0 $0x0, s1;
	[sflag:s0] =	ssyncset.done @!p0 $0x0  }
0x59: {  	[sflag:s0] =	ssyncadd.s32 @!p0 s1  }
0x5a: {  	[bflag:$0x3] =	sbarrier.arrive $0xFFFF  }
0x5b: {  	_ =	shalt  }

// kernel: kernel.31.cloned.1.call-start
scs
__scs_entry_jumppad:
0x0: {  	(pc) =	sbr.rel $0x88, $3  }
0x1: {  	(tag) =	ssettag $0x0;
	lr =	simm.s32 $0x1  }
0x2: {  	[smem:$0x3F99] =	sst lr;
	_ =	strace $0xD0000000  }
0x3: {  	_ = 	snop  }
0x4: {  	_ = 	snop  }
0x5: {  	_ = 	snop  }
0x6: {  	_ = 	snop  }
0x7: {  	_ = 	snop  }
__scs_overlays_trampoline_lowered:
0x8: {  	[smem:$0x3FA8] =	sst s0  }
0x9: {  	[smem:$0x3FA9] =	sst s1  }
0xa: {  	[smem:$0x3FAA] =	sst s2  }
0xb: {  	[smem:$0x3FAB] =	sst s3  }
0xc: {  	[smem:$0x3FAC] =	sst s4  }
0xd: {  	[smem:$0x3FAD] =	sst s5  }
0xe: {  	[smem:$0x3FAE] =	sst s6  }
0xf: {  	[smem:$0x3FAF] =	sst s7  }
0x10: {  	[smem:$0x3FB0] =	sst s8  }
0x11: {  	[smem:$0x3FB1] =	sst s9;
	s0 =	simm.s32 @!p0 $0x0  }
0x12: {  	s1 =	sld [smem:$0x3F97];
	s0 =	simm.s32 @p0 $0x1  }
0x13: {  	[smem:$0x3FB2] =	sst s0;
	s0 =	simm.s32 @!p1 $0x0  }
0x14: {  	s2 =	sld [smem:$0x3F96];
	s0 =	simm.s32 @p1 $0x1  }
0x15: {  	[smem:$0x3FB3] =	sst s0;
	s0 =	simm.s32 @!p2 $0x0  }
0x16: {  	s3 =	sld [smem:$0x3FDB];
	s0 =	simm.s32 @p2 $0x1  }
0x17: {  	s4 =	simm.s32 $0x1BF5;
	[smem:$0x3FB5] =	sst s0  }
0x18: {  	s0 =	sld [smem:$0x3F98];
	_ =	swait.ge [sflag:s4], $0x0  }
0x19: {  	s7 =	sld [smem:$0x3F99]  }
0x1a: {  	s8 =	sadd.s32 $0xFFFFE003, lr  }
0x1b: {  	s9 =	sadd.s32 $0xFFFFFEF7, lr;
	s5 =	simm.s32 $0xFFFFFFFF;
	p2 =	slt.u32 s8, $0xFFFFF086  }
0x1c: {  	p1 =	slt.u32 s9, $0xF7A;
	s5 =	simm.s32 @!p2 $0x0  }
0x1d: {  	s5 =	simm.s32 @p1 $0x1;
	p0 =	seq.s32 s7, s2  }
0x1e: {  	s7 =	smul.u32 @!p0 $0xF7A, s2;
	p2 =	seq.s32 @!p0 s5, $0x0  }
0x1f: {  	s9 =	smul.u32 $0xF7A, s1;
	s8 =	simm.s32 @!p0 $0x1BF5;
	p2 =	por !p2, p0  }
0x20: {  	[sflag:s8] =	ssyncset.s32 @!p0 $0xFFFFF086;
	s6 =	sadd.s32 @!p0 s3, s7;
	s7 =	simm.s32 @!p0 $0x108  }
0x21: {  	s3 =	sadd.s32 s3, s9;
	s6 =	sadd.s32 @!p0 $0x88, s6;
	s7 =	simm.s32 @p2 $0x1082  }
0x22: {  	[simem:s7], [sflag:s8] =	dma.local @!p0 [hbm:s6], $0xF7A  }
0x23: {  	s9 =	sor.u32 $0xD0000000, s2;
	s6 =	simm.s32 $0x108;
	_ =	swait.ge @!p0 [sflag:s8], $0x0  }
0x24: {  	s3 =	sadd.s32 $0x88, s3;
	s6 =	simm.s32 @!p1 $0x1082;
	[sflag:s4] =	ssyncset.s32 $0xFFFFF086  }
0x25: {  	[simem:s6], [sflag:s4] =	dma.local [hbm:s3], $0xF7A  }
0x26: {  	[smem:$0x3F99] =	sst s1;
	(tag) =	ssettag s2;
	_ =	strace s9  }
0x27: {  	s1 =	sld [smem:$0x3FA9]  }
0x28: {  	s2 =	sld [smem:$0x3FAA]  }
0x29: {  	s4 =	sld [smem:$0x3FAC]  }
0x2a: {  	p0 =	seq.s32 s5, $0x0;
	s5 =	sld [smem:$0x3FAD]  }
0x2b: {  	s6 =	sld [smem:$0x3FAE]  }
0x2c: {  	s7 =	sld [smem:$0x3FAF]  }
0x2d: {  	s3 =	simm.s32 $0x108;
	s8 =	sld [smem:$0x3FB0]  }
0x2e: {  	s3 =	simm.s32 @!p0 $0x1082;
	s9 =	sld [smem:$0x3FB1]  }
0x2f: {  	lr =	sadd.s32 s0, s3;
	s0 =	sld [smem:$0x3FA8]  }
0x30: {  	s3 =	sld [smem:$0x3FAB]  }
0x31: {  	[smem:$0x3FB4] =	sst s10  }
0x32: {  	s10 =	sld [smem:$0x3FB2];
	_ =	sdelay $0x3  }
0x33: {  	p0 =	seq.s32 s10, $0x1;
	s10 =	sld [smem:$0x3FB4];
	_ =	sdelay $0x3  }
0x34: {  	[smem:$0x3FB4] =	sst s10  }
0x35: {  	s10 =	sld [smem:$0x3FB3];
	_ =	sdelay $0x3  }
0x36: {  	p1 =	seq.s32 s10, $0x1;
	s10 =	sld [smem:$0x3FB4];
	_ =	sdelay $0x3  }
0x37: {  	[smem:$0x3FB4] =	sst s10  }
0x38: {  	s10 =	sld [smem:$0x3FB5]  }
0x39: {  	_ = 	snop;
	(pc) =	sbr.ind lr, $3  }
0x3a: {  	_ = 	snop  }
0x3b: {  	_ = 	snop  }
0x3c: {  	p2 =	seq.s32 s10, $0x1;
	s10 =	sld [smem:$0x3FB4]  }
0x3d: {  	_ =	shalt  }
0x3e: {  	_ =	shalt  }
0x3f: {  	_ =	shalt  }
0x40: {  	_ =	shalt  }
0x41: {  	_ =	shalt  }
0x42: {  	_ =	shalt  }
0x43: {  	_ =	shalt  }
0x44: {  	_ =	shalt  }
0x45: {  	_ =	shalt  }
0x46: {  	_ =	shalt  }
0x47: {  	_ =	shalt  }
0x48: {  	_ =	shalt  }
0x49: {  	_ =	shalt  }
0x4a: {  	_ =	shalt  }
0x4b: {  	_ =	shalt  }
0x4c: {  	_ =	shalt  }
0x4d: {  	_ =	shalt  }
0x4e: {  	_ =	shalt  }
0x4f: {  	_ =	shalt  }
0x50: {  	_ =	shalt  }
0x51: {  	_ =	shalt  }
0x52: {  	_ =	shalt  }
0x53: {  	_ =	shalt  }
0x54: {  	_ =	shalt  }
0x55: {  	_ =	shalt  }
0x56: {  	_ =	shalt  }
0x57: {  	_ =	shalt  }
0x58: {  	_ =	shalt  }
0x59: {  	_ =	shalt  }
0x5a: {  	_ =	shalt  }
0x5b: {  	_ =	shalt  }
0x5c: {  	_ =	shalt  }
0x5d: {  	_ =	shalt  }
0x5e: {  	_ =	shalt  }
0x5f: {  	_ =	shalt  }
0x60: {  	_ =	shalt  }
0x61: {  	_ =	shalt  }
0x62: {  	_ =	shalt  }
0x63: {  	_ =	shalt  }
0x64: {  	_ =	shalt  }
0x65: {  	_ =	shalt  }
0x66: {  	_ =	shalt  }
0x67: {  	_ =	shalt  }
0x68: {  	_ =	shalt  }
0x69: {  	_ =	shalt  }
0x6a: {  	_ =	shalt  }
0x6b: {  	_ =	shalt  }
0x6c: {  	_ =	shalt  }
0x6d: {  	_ =	shalt  }
0x6e: {  	_ =	shalt  }
0x6f: {  	_ =	shalt  }
0x70: {  	_ =	shalt  }
0x71: {  	_ =	shalt  }
0x72: {  	_ =	shalt  }
0x73: {  	_ =	shalt  }
0x74: {  	_ =	shalt  }
0x75: {  	_ =	shalt  }
0x76: {  	_ =	shalt  }
0x77: {  	_ =	shalt  }
0x78: {  	_ =	shalt  }
0x79: {  	_ =	shalt  }
0x7a: {  	_ =	shalt  }
0x7b: {  	_ =	shalt  }
0x7c: {  	_ =	shalt  }
0x7d: {  	_ =	shalt  }
0x7e: {  	_ =	shalt  }
0x7f: {  	_ =	shalt  }
0x80: {  	_ =	shalt  }
0x81: {  	_ =	shalt  }
0x82: {  	_ =	shalt  }
0x83: {  	_ =	shalt  }
0x84: {  	_ =	shalt  }
0x85: {  	_ =	shalt  }
0x86: {  	_ =	shalt  }
0x87: {  	_ =	shalt  }
.Lfunc_end0:
.L_simem_size_0:
called_computation.6_lowered:
.L_overlay_start_0:
0x88: {  	s2 =	sld [smem:$0x3FD9]  }
0x89: {  	s3 =	sld [smem:$0x3FFE];
	_ =	sdelay $0x1  }
0x8a: {  	s1 =	srdreg.scid  }
0x8b: {  	s0 =	sand.u32 $0x1, s1  }
0x8c: {  	s17 =	sshll.u32 s0, $0xA;
	s2 =	sadd.s32 s3, s2  }
0x8d: {  	s2 =	sadd.s32 s2, s17  }
0x8e: {  	[smem:$0x3FC0] =	sst s2  }
0x8f: {  	_ = 	snop  }
0x90: {  	s2 =	sld [smem:$0x3FC8]  }
0x91: {  	s18 =	sld [smem:$0x3FD0];
	(tm) =	ssettm $0x1  }
0x92: {  	s4 =	sld [smem:$0x3FFB];
	_ =	sdelay $0x3  }
0x93: {  	_ =	strace s4  }
0x94: {  	s4 =	sld [smem:$0x3FFC];
	_ =	sdelay $0x3  }
0x95: {  	_ =	strace s4  }
0x96: {  	s4 =	sld [smem:$0x3FFD];
	_ =	sdelay $0x3  }
0x97: {  	_ =	strace s4  }
0x98: {  	_ =	strace $0x8FFFFFFF  }
0x99: {  	s19 =	sld [smem:$0x3FDB];
	_ =	sdelay $0x1  }
0x9a: {  	s5 =	simm.s32 $_scs_section_size  }
0x9b: {  	s6 =	simm.s32 $_size__tile_overlayer_lowered;
	s7 =	simm.s32 $_tile_overlayer_lowered  }
0x9c: {  	s22 =	simm.s32 $0x1BFF;
	s21 =	sshll.u32 s7, $0x1;
	s4 =	sadd.s32 s5, s19  }
0x9d: {  	s8 =	simm.s32 $0x0;
	s20 =	sshll.u32 s6, $0x1;
	s6 =	sadd.s32 s21, s4  }
0x9e: {  	[timem:s8], [sflag:s22] =	dma.local [hbm:s6], s20  }
0x9f: {  	_ =	swait.ge [sflag:s22], s20  }
0xa0: {  	s5 =	ssub.s32 $0x0, s20;
	[sflag:s22] =	ssyncset.done $0x0  }
0xa1: {  	[sflag:s22] =	ssyncadd.s32 s5;
	_ =	sdelay $0x1  }
0xa2: {  	s23 =	simm.s32 $0x1B8B  }
0xa3: {  	_ =	swait.ge [sflag:s23], $0x1  }
0xa4: {  	[sflag:s23] =	ssyncset.done $0x0  }
0xa5: {  	s25 =	simm.s32 $0x1B8E;
	s24 =	sld [smem:$0x3FFE];
	[sflag:s23] =	ssyncadd.s32 $0xFFFFFFFF  }
0xa6: {  	s26 =	simm.s32 $execute0_lowered;
	[smem:$0x3FD2] =	sst s25  }
0xa7: {  	s6 =	sshll.u32 s26, $0x1;
	_ =	strace $0x80000058;
	[dreg:$0x1] =	wrdreg $0xFFFFFFFF  }
0xa8: {  	s28 =	simm.s32 $_size_execute0_lowered;
	s4 =	sadd.s32 s4, s6;
	[dreg:$0x0] =	wrdreg $0x0  }
0xa9: {  	s6 =	sshll.u32 s28, $0x1;
	[dreg:$0x2] =	wrdreg s4  }
0xaa: {  	[dreg:$0x3] =	wrdreg s6  }
0xab: {  	[dreg:$0x4] =	wrdreg $0xC0  }
0xac: {  	_ =	task [dreg:s8], $0x5FFFF  }
0xad: {  	[dreg:$0x1] =	wrdreg $0xFFFFFFFF  }
0xae: {  	[dreg:$0x0] =	wrdreg $0x60  }
0xaf: {  	[dreg:$0x2] =	wrdreg s24  }
0xb0: {  	[dreg:$0x3] =	wrdreg s2  }
0xb1: {  	[dreg:$0x4] =	wrdreg s18  }
0xb2: {  	[dreg:$0x5] =	wrdreg $0x9  }
0xb3: {  	_ =	task.clear_ibuf [dreg:s8], $0x6FFFF;
	_ =	strace $0x90000058  }
0xb4: {  	s29 =	simm.s32 $0x9;
	_ =	strace $0x8000005A  }
0xb5: {  	_ =	swait.ge [sflag:s29], $0x1  }
0xb6: {  	[sflag:s29] =	ssyncadd.s32 $0xFFFFFFFF  }
0xb7: {  	_ =	strace $0x9000005A  }
0xb8: {  	_ =	sfence  }
0xb9: {  	s30 =	sld [smem:$0x0];
	_ =	sdelay $0x2  }
0xba: {  	s31 =	sshll.u32 s1, $0xD;
	s1 =	sshrl.u32 s1, $0x2  }
0xbb: {  	s3 =	sand.u32 $0x4000, s31;
	s1 =	sadd.s32 s1, s30  }
0xbc: {  	s0 =	sor.u32 s3, s0;
	s1 =	sshll.u32 s1, $0x11  }
0xbd: {  	s0 =	sor.u32 s1, s0  }
0xbe: {  	s0 =	sadd.s32 $0x8F2B, s0  }
0xbf: {  	[sflag:s0] =	ssyncadd.remote.s32 $0x1  }
0xc0: {  	_ =	sfence.sel $0xFFFF  }
0xc1: {  	[dreg:$0x0] =	wrdreg $0xFFFFFFFF;
	(pc) =	sbr.abs _section_cstart, $3  }
0xc2: {  	[dreg:$0x1] =	wrdreg $0xFFFFFFFF  }
0xc3: {  	_ =	task.clear_ibuf [dreg:s8], $0x2FFFF;
	_ =	strace $0x9FFFFFFF  }
0xc4: {  	(tm) =	ssettm $0x7FFFFFFF  }
0xc5: {  	_ =	shalt  }
tec
execute0_lowered:
.L_overlay_start_1:
0x0: {  	(tag) =	ssettag $0x1  }
0x1: {  	s5 =	rddreg [dreg:$0x0]  }
0x2: {  	s1 =	srdreg.scid;
	s3 =	rddreg [dreg:$0x1]  }
0x3: {  	s0 =	stileid.u32;
	s8 =	rddreg [dreg:$0x2];
	s6 =	sand.u32 $0x1, s1  }
0x4: {  	s2 =	simm.s32 $0x0;
	s7 =	sshll.u32 s0, $0x7;
	s4 =	sshll.u32 s6, $0xB  }
0x5: {  	[smem:$0x7FF] =	sst s2;
	s9 =	sor.u32 s7, s4  }
0x6: {  	s1 =	rddreg [dreg:$0x3];
	_ =	strace $0x80000059;
	s4 =	sshrl.u32 s9, $0x3  }
0x7: {  	s10 =	ssub.s32 $0x2, s6;
	s4 =	sadd.s32 s3, s4;
	s3 =	simm.s32 $0x2  }
0x8: {  	[tilespmem:s2], [sflag:$0x2] =	stream.linear.gather [hbm4b:s4+s2], $0x80, $0x38;
	[tilespmem:$0x880] =	vst v63  }
0x9: {  	s5 =	sadd.s32 $0x6C00, s5;
	s11 =	sshrl.u32 s10, $0x1;
	_ =	swait.ge [sflag:s3], $0x80  }
0xa: {  	s6 =	simm.s32 $0x80;
	s10 =	ssub.s32 s10, s11;
	[sflag:s3] =	ssyncset.done $0x0  }
0xb: {  	s7 =	simm.s32 $0x1;
	s31 =	smax.u32 s10, $0x1;
	[sflag:s3] =	ssyncadd.s32 $0xFFFFFF80  }
0xc: {  	[tilespmem:s6], [sflag:$0x1] =	stream.indirect.gather [hbm4b:s5+s6], $0x10, s2, s6, $0xb8;
	[tilespmem:$0x880] =	vst v63  }
0xd: {  	p0 =	sne.s32 s31, $0x1;
	_ =	swait.ge [sflag:s7], $0x800  }
.Ltmp0:
0xe: {  	s9 =	sshll.u32 s9, $0x1;
	[sflag:s7] =	ssyncset.done $0x0;
	(pc) =	sbr.rel @!p0 .LBB2_2-.Ltmp0, $4  }
0xf: {  	s8 =	sadd.s32 s8, s9;
	[sflag:s7] =	ssyncadd.s32 $0xFFFFF800  }
0x10: {  	[hbm4b:s8+s2] =	stream.linear.scatter [tilespmem:s6], [sflag:$0x2], $0x800, $0x38;
	[tilespmem:$0x880] =	vst v63  }
0x11: {  	_ =	swait.ge [sflag:s3], $0x800  }
0x12: {  	s9 =	sadd.s32 $0xFFFFFFFF, s31;
	[sflag:s3] =	ssyncset.done $0x0  }
.LBB2_1:
0x13: {  	p0 =	sne.s32 s9, $0x1;
	s9 =	sadd.s32 $0xFFFFFFFF, s9;
	[sflag:s3] =	ssyncadd.s32 $0xFFFFF800  }
0x14: {  	[tilespmem:s2], [sflag:$0x2] =	stream.linear.gather [hbm4b:s4+s2], $0x80, $0x38;
	[tilespmem:$0x880] =	vst v63  }
0x15: {  	_ =	swait.ge [sflag:s3], $0x80  }
0x16: {  	[sflag:s3] =	ssyncset.done $0x0  }
0x17: {  	[sflag:s3] =	ssyncadd.s32 $0xFFFFFF80  }
0x18: {  	[tilespmem:s6], [sflag:$0x1] =	stream.indirect.gather [hbm4b:s5+s6], $0x10, s2, s6, $0xb8;
	[tilespmem:$0x880] =	vst v63  }
0x19: {  	_ =	swait.ge [sflag:s7], $0x800  }
.Ltmp1:
0x1a: {  	[sflag:s7] =	ssyncset.done $0x0;
	(pc) =	sbr.rel @p0 .LBB2_1-.Ltmp1, $4  }
0x1b: {  	[sflag:s7] =	ssyncadd.s32 $0xFFFFF800  }
0x1c: {  	[hbm4b:s8+s2] =	stream.linear.scatter [tilespmem:s6], [sflag:$0x2], $0x800, $0x38;
	[tilespmem:$0x880] =	vst v63  }
0x1d: {  	_ =	swait.ge [sflag:s3], $0x800  }
0x1e: {  	[sflag:s3] =	ssyncset.done $0x0  }
.LBB2_2:
0x1f: {  	[sflag:s3] =	ssyncadd.s32 $0xFFFFF800  }
0x20: {  	_ =	sfence.sel $0x180000  }
0x21: {  	[bflag:$0x0] =	sbarrier.arrive $0xFFFF  }
0x22: {  	p0 =	sne.s32 s0, $0x0;
	_ =	strace $0x90000059  }
0x23: {  	s0 =	sadd.s32 @!p0 $0x100000, s1;
	[bflag:$0x2] =	sbarrier.arrive $0xFFFF  }
0x24: {  	[sflag:s0] =	ssyncadd.tile.s32 @!p0 $0x1;
	_ =	shalt  }
.Lfunc_end2:
_tile_overlayer_lowered:
.L_overlay_start_2:
0x25: {  	(tag) =	ssettag $0x2  }
0x26: {  	s0 =	rddreg [dreg:$0x0];
	s2 =	stileid.u32  }
0x27: {  	s1 =	rddreg [dreg:$0x1];
	p0 =	sne.s32 s2, $0x0  }
0x28: {  	s3 =	rddreg [dreg:$0x2];
	[bflag:$0x3] =	sbarrier.arrive $0xFFFF;
	s2 =	simm.s32 @!p0 $0x1C02  }
0x29: {  	[timem:s3], [sflag:s2] =	dma.local @!p0 [hbm:s0], s1  }
0x2a: {  	s0 =	simm.s32 @!p0 $0x2  }
0x2b: {  	_ =	swait.ge @!p0 [sflag:s0], s1  }
0x2c: {  	s1 =	ssub.s32 @!p0 $0x0, s1;
	[sflag:s0] =	ssyncset.done @!p0 $0x0  }
0x2d: {  	[sflag:s0] =	ssyncadd.s32 @!p0 s1  }
0x2e: {  	[bflag:$0x3] =	sbarrier.arrive $0xFFFF  }
0x2f: {  	_ =	shalt  }

</sc_bundles>
